<compile_context>
chip_gen: v7x
topology: tpu7x:2x2x1
jax: 0.10.2.dev20260603
libtpu: 0.0.44.dev20260713+nightly
codegen_flags: <defaults>
</compile_context>

<pallas_src>
import functools

import jax
import jax.numpy as jnp
from jax import lax
from jax.experimental import pallas as pl
from jax.experimental.pallas import tpu as pltpu
from jax.experimental.pallas import tpu_sc as plsc

NUM_ENT = 50000
NUM_REL = 500
REL_PAD = 512
D = 64
DP = 128
K = 5
B = 16384
NC = 2
NS = 16
NW = NC * NS
CHUNK = B // NW
JCH = 128
NJ = CHUNK // JCH
TB = 7168
NTB = -(-NUM_ENT // TB)
ENT_PAD = NTB * TB


def _tr_body(in_ref, rel_ref, w_ref, b_ref, out_ref, relm_ref):
    eye = jnp.pad(jnp.eye(D, dtype=jnp.float32), ((0, 0), (0, DP - D)))
    out_ref[...] = jax.lax.dot_general(
        in_ref[...], eye,
        dimension_numbers=(((0,), (0,)), ((), ())),
        preferred_element_type=jnp.float32)

    @pl.when(pl.program_id(0) == 0)
    def _():
        rel = rel_ref[...]
        w = w_ref[...]
        bias = b_ref[0, 0]
        s = jnp.sum(rel * w, axis=1, keepdims=True) + bias
        rid = lax.broadcasted_iota(jnp.int32, (REL_PAD, 1), 0)
        neg = jnp.float32(-jnp.inf)
        s = jnp.where(rid < NUM_REL, s, neg)
        mask = jnp.zeros((REL_PAD, 1), jnp.float32)
        rem = s
        for _ in range(K):
            cur = jnp.max(rem)
            ismax = rem == cur
            first = jnp.min(jnp.where(ismax, rid, jnp.int32(1 << 30)))
            sel = rid == first
            mask = jnp.where(sel, jnp.float32(1.0), mask)
            rem = jnp.where(sel, neg, rem)
        relm_ref[...] = jnp.concatenate(
            [rel * mask, jnp.zeros((REL_PAD, DP - D), jnp.float32)], axis=1)


_tr_call = pl.pallas_call(
    _tr_body,
    grid=(NTB,),
    in_specs=[
        pl.BlockSpec((D, TB), lambda p: (0, p)),
        pl.BlockSpec((REL_PAD, D), lambda p: (0, 0)),
        pl.BlockSpec((1, D), lambda p: (0, 0)),
        pl.BlockSpec((1, 1), lambda p: (0, 0)),
    ],
    out_specs=[
        pl.BlockSpec((TB, DP), lambda p: (p, 0)),
        pl.BlockSpec((REL_PAD, DP), lambda p: (0, 0)),
    ],
    out_shape=[
        jax.ShapeDtypeStruct((ENT_PAD, DP), jnp.float32),
        jax.ShapeDtypeStruct((REL_PAD, DP), jnp.float32),
    ],
)


def _sc_body(ent_hbm, relm_hbm, h_hbm, r_hbm, t_hbm, out_hbm,
             idx_h, idx_r, idx_t,
             hv0, rv0, tv0, hv1, rv1, tv1, hv2, rv2, tv2, hv3, rv3, tv3,
             pt, outv, s0, s1, s2, s3):
    wid = lax.axis_index("s") * NC + lax.axis_index("c")
    base = wid * CHUNK

    ic = (
        pltpu.async_copy(h_hbm.at[pl.ds(base, CHUNK)], idx_h, s0),
        pltpu.async_copy(r_hbm.at[pl.ds(base, CHUNK)], idx_r, s0),
        pltpu.async_copy(t_hbm.at[pl.ds(base, CHUNK)], idx_t, s0),
    )
    for cp in ic:
        cp.wait()

    bufs = ((hv0, rv0, tv0, s0), (hv1, rv1, tv1, s1),
            (hv2, rv2, tv2, s2), (hv3, rv3, tv3, s3))
    cps = {}

    def issue(j):
        hb, rb, tb, sem = bufs[j]
        sl = pl.ds(j * JCH, JCH)
        cps[j] = (
            pltpu.async_copy(ent_hbm.at[idx_h.at[sl]], hb, sem),
            pltpu.async_copy(relm_hbm.at[idx_r.at[sl]], rb, sem),
            pltpu.async_copy(ent_hbm.at[idx_t.at[sl]], tb, sem),
        )

    issue(0)
    issue(1)

    lanes = lax.iota(jnp.int32, 16)
    pidx = lanes * CHUNK

    for j in range(NJ):
        for cp in cps[j]:
            cp.wait()
        hb, rb, tb, _ = bufs[j]

        @plsc.parallel_loop(0, JCH, unroll=8)
        def row_body(i, hb=hb, rb=rb, tb=tb, j=j):
            acc = jnp.zeros((16,), jnp.float32)
            for c in range(D // 16):
                sl = pl.ds(c * 16, 16)
                acc = acc + (hb[i, sl] + rb[i, sl]) * tb[i, sl]
            plsc.store_scatter(pt, [pidx + (j * JCH + i)], acc)

        if j + 2 < NJ:
            issue(j + 2)

    @plsc.parallel_loop(0, CHUNK // 16, unroll=4)
    def red_body(q):
        vec = jnp.zeros((16,), jnp.float32)
        for d in range(16):
            vec = vec + pt[pl.ds(d * CHUNK + q * 16, 16)]
        outv[pl.ds(q * 16, 16)] = vec

    pltpu.sync_copy(outv, out_hbm.at[pl.ds(base, CHUNK)])


_sc_call = functools.partial(
    pl.kernel,
    mesh=plsc.VectorSubcoreMesh(core_axis_name="c", subcore_axis_name="s"),
    out_type=jax.ShapeDtypeStruct((B,), jnp.float32),
    compiler_params=pltpu.CompilerParams(
        needs_layout_passes=False, use_tc_tiling_on_sc=False),
    scratch_types=[
        pltpu.VMEM((CHUNK,), jnp.int32),
        pltpu.VMEM((CHUNK,), jnp.int32),
        pltpu.VMEM((CHUNK,), jnp.int32),
        pltpu.VMEM((JCH, D), jnp.float32),
        pltpu.VMEM((JCH, D), jnp.float32),
        pltpu.VMEM((JCH, D), jnp.float32),
        pltpu.VMEM((JCH, D), jnp.float32),
        pltpu.VMEM((JCH, D), jnp.float32),
        pltpu.VMEM((JCH, D), jnp.float32),
        pltpu.VMEM((JCH, D), jnp.float32),
        pltpu.VMEM((JCH, D), jnp.float32),
        pltpu.VMEM((JCH, D), jnp.float32),
        pltpu.VMEM((JCH, D), jnp.float32),
        pltpu.VMEM((JCH, D), jnp.float32),
        pltpu.VMEM((JCH, D), jnp.float32),
        pltpu.VMEM((16 * CHUNK,), jnp.float32),
        pltpu.VMEM((CHUNK,), jnp.float32),
        pltpu.SemaphoreType.DMA,
        pltpu.SemaphoreType.DMA,
        pltpu.SemaphoreType.DMA,
        pltpu.SemaphoreType.DMA,
    ],
)(_sc_body)


def kernel(entity_emb, relation_emb, sel_w, sel_b, lin_w, lin_b, h, r, t, edge_index):
    relp = jnp.pad(relation_emb, ((0, REL_PAD - NUM_REL), (0, 0)))
    entp, relm = _tr_call(
        entity_emb.T, relp, sel_w.reshape(1, D), sel_b.reshape(1, 1))
    entv = entp.reshape(2 * ENT_PAD, D)
    relv = relm.reshape(2 * REL_PAD, D)
    return _sc_call(entv, relv, h + h, r + r, t + t)

# --- scband reference (transcript-rebuilt; emitter-appended) ---
"""Pipeline reference for scband-asrgnn-18854906429798 (READ-ONLY COPY).

The authoritative reference and input builder live on the scoring server;
editing this copy changes nothing except your own understanding.
"""

import jax, jax.numpy as jnp
import numpy as np

NUM_ENTITIES = 50000
NUM_RELATIONS = 500
EMB_DIM = 64
TOP_K = 5
B = 16384
E = 800000


def setup_inputs(seed: int = 0):
    key = jax.random.key(seed)
    ks = jax.random.split(key, 8)
    h = jax.random.randint(ks[0], (B,), 0, NUM_ENTITIES, dtype=jnp.int32)
    r = jax.random.randint(ks[1], (B,), 0, NUM_RELATIONS, dtype=jnp.int32)
    t = jax.random.randint(ks[2], (B,), 0, NUM_ENTITIES, dtype=jnp.int32)
    edge_index = jax.random.randint(ks[3], (2, E), 0, NUM_ENTITIES, dtype=jnp.int32)
    lim_e = float(np.sqrt(6.0 / (NUM_ENTITIES + EMB_DIM)))
    entity_emb = jax.random.uniform(ks[4], (NUM_ENTITIES, EMB_DIM), minval=-lim_e, maxval=lim_e, dtype=jnp.float32)
    lim_r = float(np.sqrt(6.0 / (NUM_RELATIONS + EMB_DIM)))
    relation_emb = jax.random.uniform(ks[5], (NUM_RELATIONS, EMB_DIM), minval=-lim_r, maxval=lim_r, dtype=jnp.float32)
    sel_w = jax.random.normal(ks[6], (EMB_DIM, 1), dtype=jnp.float32) * 0.05
    sel_b = jnp.zeros((1,), dtype=jnp.float32)
    lin_w = jax.random.normal(ks[7], (EMB_DIM, EMB_DIM), dtype=jnp.float32) * 0.05
    lin_b = jnp.zeros((EMB_DIM,), dtype=jnp.float32)
    return {
        "entity_emb": entity_emb,
        "relation_emb": relation_emb,
        "sel_w": sel_w,
        "sel_b": sel_b,
        "lin_w": lin_w,
        "lin_b": lin_b,
        "h": h,
        "r": r,
        "t": t,
        "edge_index": edge_index,
    }


def reference(entity_emb, relation_emb, sel_w, sel_b, lin_w, lin_b, h, r, t, edge_index):
    # embedding lookups (gathers)
    h_emb = jnp.take(entity_emb, h, axis=0)
    r_emb = jnp.take(relation_emb, r, axis=0)
    t_emb = jnp.take(entity_emb, t, axis=0)
    # relation selector scores over full relation table + top-k mask
    rel_scores = (relation_emb @ sel_w + sel_b).squeeze(-1)  # [num_relations]
    _, topk_idx = jax.lax.top_k(rel_scores, TOP_K)
    mask = jnp.zeros_like(rel_scores).at[topk_idx].set(1.0)
    r_masked = r_emb * mask[r][:, None]
    # graph aggregation (scatter-add over edges), as in the torch module
    src = edge_index[0]
    dst = edge_index[1]
    agg = jnp.zeros_like(entity_emb).at[dst].add(jnp.take(entity_emb, src, axis=0))
    node_emb = entity_emb + (agg @ lin_w + lin_b)  # computed as in torch (not used by score)
    score = jnp.sum((h_emb + r_masked) * t_emb, axis=1)
    return score


if False:  # reference __main__ guard neutralized (emitter)
    out = reference(**setup_inputs())
    print(out.shape, out.dtype)

if __name__ == "__main__":
    import jax
    _d = setup_inputs()
    print(jax.jit(kernel)(*tuple(_d.values())))

</pallas_src>

<mosaic_0001>
#map = affine_map<(d0, d1) -> (0, 0)>
#map1 = affine_map<(d0, d1) -> (0)>
module attributes {stable_mosaic.version = 14 : i64} {
  func.func @_sc_body(%arg0: i32, %arg1: i32, %arg2: memref<100352x64xf32, #tpu.memory_space<hbm>>, %arg3: memref<1024x64xf32, #tpu.memory_space<hbm>>, %arg4: memref<16384xi32, #tpu.memory_space<hbm>>, %arg5: memref<16384xi32, #tpu.memory_space<hbm>>, %arg6: memref<16384xi32, #tpu.memory_space<hbm>>, %arg7: memref<16384xf32, #tpu.memory_space<hbm>>, %arg8: memref<512xi32, #tpu.memory_space<vmem>>, %arg9: memref<512xi32, #tpu.memory_space<vmem>>, %arg10: memref<512xi32, #tpu.memory_space<vmem>>, %arg11: memref<128x64xf32, #tpu.memory_space<vmem>>, %arg12: memref<128x64xf32, #tpu.memory_space<vmem>>, %arg13: memref<128x64xf32, #tpu.memory_space<vmem>>, %arg14: memref<128x64xf32, #tpu.memory_space<vmem>>, %arg15: memref<128x64xf32, #tpu.memory_space<vmem>>, %arg16: memref<128x64xf32, #tpu.memory_space<vmem>>, %arg17: memref<128x64xf32, #tpu.memory_space<vmem>>, %arg18: memref<128x64xf32, #tpu.memory_space<vmem>>, %arg19: memref<128x64xf32, #tpu.memory_space<vmem>>, %arg20: memref<128x64xf32, #tpu.memory_space<vmem>>, %arg21: memref<128x64xf32, #tpu.memory_space<vmem>>, %arg22: memref<128x64xf32, #tpu.memory_space<vmem>>, %arg23: memref<8192xf32, #tpu.memory_space<vmem>>, %arg24: memref<512xf32, #tpu.memory_space<vmem>>, %arg25: memref<!tpu.dma_semaphore, #tpu.memory_space<semaphore_mem>>, %arg26: memref<!tpu.dma_semaphore, #tpu.memory_space<semaphore_mem>>, %arg27: memref<!tpu.dma_semaphore, #tpu.memory_space<semaphore_mem>>, %arg28: memref<!tpu.dma_semaphore, #tpu.memory_space<semaphore_mem>>) attributes {dimension_semantics = [#tpu.dimension_semantics<core_parallel>, #tpu.dimension_semantics<subcore_parallel>], iteration_bounds = array<i64: 2, 16>, scalar_prefetch = 0 : i64, scratch_operands = 21 : i64, tpu.core_type = #tpu.core_type<sc_vector_subcore>, window_params = [{transform_indices = #map}, {transform_indices = #map}, {transform_indices = #map1}, {transform_indices = #map1}, {transform_indices = #map1}, {transform_indices = #map1}]} {
    %mul3A = arith.constant 2 : i32
    %mul3A_0 = arith.muli %arg1, %mul3A : i32
    %add3A = arith.addi %mul3A_0, %arg0 : i32
    %mul3A_1 = arith.constant 512 : i32
    %mul3A_2 = arith.muli %add3A, %mul3A_1 : i32
    %dma_start3A = tpu.memref_slice %arg4[%mul3A_2] : memref<16384xi32, #tpu.memory_space<hbm>> -> memref<512xi32, #tpu.memory_space<hbm>>
    %dma_start3A_3 = tpu.memref_slice %arg4[%mul3A_2] : memref<16384xi32, #tpu.memory_space<hbm>> -> memref<512xi32, #tpu.memory_space<hbm>>
    tpu.enqueue_dma source(%dma_start3A_3 : memref<512xi32, #tpu.memory_space<hbm>>) target(%arg8 : memref<512xi32, #tpu.memory_space<vmem>>) target_semaphore(%arg25 : memref<!tpu.dma_semaphore, #tpu.memory_space<semaphore_mem>>)
    %dma_start3A_4 = tpu.memref_slice %arg5[%mul3A_2] : memref<16384xi32, #tpu.memory_space<hbm>> -> memref<512xi32, #tpu.memory_space<hbm>>
    %dma_start3A_5 = tpu.memref_slice %arg5[%mul3A_2] : memref<16384xi32, #tpu.memory_space<hbm>> -> memref<512xi32, #tpu.memory_space<hbm>>
    tpu.enqueue_dma source(%dma_start3A_5 : memref<512xi32, #tpu.memory_space<hbm>>) target(%arg9 : memref<512xi32, #tpu.memory_space<vmem>>) target_semaphore(%arg25 : memref<!tpu.dma_semaphore, #tpu.memory_space<semaphore_mem>>)
    %dma_start3A_6 = tpu.memref_slice %arg6[%mul3A_2] : memref<16384xi32, #tpu.memory_space<hbm>> -> memref<512xi32, #tpu.memory_space<hbm>>
    %dma_start3A_7 = tpu.memref_slice %arg6[%mul3A_2] : memref<16384xi32, #tpu.memory_space<hbm>> -> memref<512xi32, #tpu.memory_space<hbm>>
    tpu.enqueue_dma source(%dma_start3A_7 : memref<512xi32, #tpu.memory_space<hbm>>) target(%arg10 : memref<512xi32, #tpu.memory_space<vmem>>) target_semaphore(%arg25 : memref<!tpu.dma_semaphore, #tpu.memory_space<semaphore_mem>>)
    %dma_wait3A = tpu.memref_slice %arg4[%mul3A_2] : memref<16384xi32, #tpu.memory_space<hbm>> -> memref<512xi32, #tpu.memory_space<hbm>>
    %dma_wait3A_8 = tpu.memref_slice %arg4[%mul3A_2] : memref<16384xi32, #tpu.memory_space<hbm>> -> memref<512xi32, #tpu.memory_space<hbm>>
    tpu.wait_dma2 semaphore(%arg25 : memref<!tpu.dma_semaphore, #tpu.memory_space<semaphore_mem>>) src(%dma_wait3A_8 : memref<512xi32, #tpu.memory_space<hbm>>) dst(%arg8 : memref<512xi32, #tpu.memory_space<vmem>>)
    %dma_wait3A_9 = tpu.memref_slice %arg5[%mul3A_2] : memref<16384xi32, #tpu.memory_space<hbm>> -> memref<512xi32, #tpu.memory_space<hbm>>
    %dma_wait3A_10 = tpu.memref_slice %arg5[%mul3A_2] : memref<16384xi32, #tpu.memory_space<hbm>> -> memref<512xi32, #tpu.memory_space<hbm>>
    tpu.wait_dma2 semaphore(%arg25 : memref<!tpu.dma_semaphore, #tpu.memory_space<semaphore_mem>>) src(%dma_wait3A_10 : memref<512xi32, #tpu.memory_space<hbm>>) dst(%arg9 : memref<512xi32, #tpu.memory_space<vmem>>)
    %dma_wait3A_11 = tpu.memref_slice %arg6[%mul3A_2] : memref<16384xi32, #tpu.memory_space<hbm>> -> memref<512xi32, #tpu.memory_space<hbm>>
    %dma_wait3A_12 = tpu.memref_slice %arg6[%mul3A_2] : memref<16384xi32, #tpu.memory_space<hbm>> -> memref<512xi32, #tpu.memory_space<hbm>>
    tpu.wait_dma2 semaphore(%arg25 : memref<!tpu.dma_semaphore, #tpu.memory_space<semaphore_mem>>) src(%dma_wait3A_12 : memref<512xi32, #tpu.memory_space<hbm>>) dst(%arg10 : memref<512xi32, #tpu.memory_space<vmem>>)
    %dma_start3A_13 = arith.constant 0 : i32
    %dma_start3A_14 = tpu.memref_slice %arg8[%dma_start3A_13] : memref<512xi32, #tpu.memory_space<vmem>> -> memref<128xi32, #tpu.memory_space<vmem>>
    %dma_start3A_15 = arith.constant 0 : i32
    %dma_start3A_16 = arith.constant 0 : i32
    %dma_start3A_17 = tpu.memref_slice %arg2[%dma_start3A_15, %dma_start3A_16] : memref<100352x64xf32, #tpu.memory_space<hbm>> -> memref<100352x64xf32, #tpu.memory_space<hbm>>
    tpu.enqueue_indirect_dma source(%dma_start3A_17 : memref<100352x64xf32, #tpu.memory_space<hbm>>) target(%arg11 : memref<128x64xf32, #tpu.memory_space<vmem>>) offsets(%dma_start3A_14 : memref<128xi32, #tpu.memory_space<vmem>>) semaphore(%arg25 : memref<!tpu.dma_semaphore, #tpu.memory_space<semaphore_mem>>)
    %dma_start3A_18 = arith.constant 0 : i32
    %dma_start3A_19 = tpu.memref_slice %arg9[%dma_start3A_18] : memref<512xi32, #tpu.memory_space<vmem>> -> memref<128xi32, #tpu.memory_space<vmem>>
    %dma_start3A_20 = arith.constant 0 : i32
    %dma_start3A_21 = arith.constant 0 : i32
    %dma_start3A_22 = tpu.memref_slice %arg3[%dma_start3A_20, %dma_start3A_21] : memref<1024x64xf32, #tpu.memory_space<hbm>> -> memref<1024x64xf32, #tpu.memory_space<hbm>>
    tpu.enqueue_indirect_dma source(%dma_start3A_22 : memref<1024x64xf32, #tpu.memory_space<hbm>>) target(%arg12 : memref<128x64xf32, #tpu.memory_space<vmem>>) offsets(%dma_start3A_19 : memref<128xi32, #tpu.memory_space<vmem>>) semaphore(%arg25 : memref<!tpu.dma_semaphore, #tpu.memory_space<semaphore_mem>>)
    %dma_start3A_23 = arith.constant 0 : i32
    %dma_start3A_24 = tpu.memref_slice %arg10[%dma_start3A_23] : memref<512xi32, #tpu.memory_space<vmem>> -> memref<128xi32, #tpu.memory_space<vmem>>
    %dma_start3A_25 = arith.constant 0 : i32
    %dma_start3A_26 = arith.constant 0 : i32
    %dma_start3A_27 = tpu.memref_slice %arg2[%dma_start3A_25, %dma_start3A_26] : memref<100352x64xf32, #tpu.memory_space<hbm>> -> memref<100352x64xf32, #tpu.memory_space<hbm>>
    tpu.enqueue_indirect_dma source(%dma_start3A_27 : memref<100352x64xf32, #tpu.memory_space<hbm>>) target(%arg13 : memref<128x64xf32, #tpu.memory_space<vmem>>) offsets(%dma_start3A_24 : memref<128xi32, #tpu.memory_space<vmem>>) semaphore(%arg25 : memref<!tpu.dma_semaphore, #tpu.memory_space<semaphore_mem>>)
    %dma_start3A_28 = arith.constant 128 : i32
    %dma_start3A_29 = tpu.memref_slice %arg8[%dma_start3A_28] : memref<512xi32, #tpu.memory_space<vmem>> -> memref<128xi32, #tpu.memory_space<vmem>>
    %dma_start3A_30 = arith.constant 0 : i32
    %dma_start3A_31 = arith.constant 0 : i32
    %dma_start3A_32 = tpu.memref_slice %arg2[%dma_start3A_30, %dma_start3A_31] : memref<100352x64xf32, #tpu.memory_space<hbm>> -> memref<100352x64xf32, #tpu.memory_space<hbm>>
    tpu.enqueue_indirect_dma source(%dma_start3A_32 : memref<100352x64xf32, #tpu.memory_space<hbm>>) target(%arg14 : memref<128x64xf32, #tpu.memory_space<vmem>>) offsets(%dma_start3A_29 : memref<128xi32, #tpu.memory_space<vmem>>) semaphore(%arg26 : memref<!tpu.dma_semaphore, #tpu.memory_space<semaphore_mem>>)
    %dma_start3A_33 = arith.constant 128 : i32
    %dma_start3A_34 = tpu.memref_slice %arg9[%dma_start3A_33] : memref<512xi32, #tpu.memory_space<vmem>> -> memref<128xi32, #tpu.memory_space<vmem>>
    %dma_start3A_35 = arith.constant 0 : i32
    %dma_start3A_36 = arith.constant 0 : i32
    %dma_start3A_37 = tpu.memref_slice %arg3[%dma_start3A_35, %dma_start3A_36] : memref<1024x64xf32, #tpu.memory_space<hbm>> -> memref<1024x64xf32, #tpu.memory_space<hbm>>
    tpu.enqueue_indirect_dma source(%dma_start3A_37 : memref<1024x64xf32, #tpu.memory_space<hbm>>) target(%arg15 : memref<128x64xf32, #tpu.memory_space<vmem>>) offsets(%dma_start3A_34 : memref<128xi32, #tpu.memory_space<vmem>>) semaphore(%arg26 : memref<!tpu.dma_semaphore, #tpu.memory_space<semaphore_mem>>)
    %dma_start3A_38 = arith.constant 128 : i32
    %dma_start3A_39 = tpu.memref_slice %arg10[%dma_start3A_38] : memref<512xi32, #tpu.memory_space<vmem>> -> memref<128xi32, #tpu.memory_space<vmem>>
    %dma_start3A_40 = arith.constant 0 : i32
    %dma_start3A_41 = arith.constant 0 : i32
    %dma_start3A_42 = tpu.memref_slice %arg2[%dma_start3A_40, %dma_start3A_41] : memref<100352x64xf32, #tpu.memory_space<hbm>> -> memref<100352x64xf32, #tpu.memory_space<hbm>>
    tpu.enqueue_indirect_dma source(%dma_start3A_42 : memref<100352x64xf32, #tpu.memory_space<hbm>>) target(%arg16 : memref<128x64xf32, #tpu.memory_space<vmem>>) offsets(%dma_start3A_39 : memref<128xi32, #tpu.memory_space<vmem>>) semaphore(%arg26 : memref<!tpu.dma_semaphore, #tpu.memory_space<semaphore_mem>>)
    %iota3A = tpu.iota {dimensions = array<i32: 0>} : vector<16xi32>
    %mul3A_43 = arith.constant 512 : i32
    %mul3A_44 = vector.broadcast %mul3A_43 : i32 to vector<16xi32>
    %mul3A_45 = arith.muli %iota3A, %mul3A_44 : vector<16xi32>
    %dma_wait3A_46 = arith.constant 0 : i32
    %dma_wait3A_47 = tpu.memref_slice %arg8[%dma_wait3A_46] : memref<512xi32, #tpu.memory_space<vmem>> -> memref<128xi32, #tpu.memory_space<vmem>>
    %dma_wait3A_48 = arith.constant 0 : i32
    %dma_wait3A_49 = arith.constant 0 : i32
    %dma_wait3A_50 = tpu.memref_slice %arg2[%dma_wait3A_48, %dma_wait3A_49] : memref<100352x64xf32, #tpu.memory_space<hbm>> -> memref<100352x64xf32, #tpu.memory_space<hbm>>
    tpu.wait_indirect_dma semaphore(%arg25 : memref<!tpu.dma_semaphore, #tpu.memory_space<semaphore_mem>>) src(%dma_wait3A_50 : memref<100352x64xf32, #tpu.memory_space<hbm>>) dst(%arg11 : memref<128x64xf32, #tpu.memory_space<vmem>>)
    %dma_wait3A_51 = arith.constant 0 : i32
    %dma_wait3A_52 = tpu.memref_slice %arg9[%dma_wait3A_51] : memref<512xi32, #tpu.memory_space<vmem>> -> memref<128xi32, #tpu.memory_space<vmem>>
    %dma_wait3A_53 = arith.constant 0 : i32
    %dma_wait3A_54 = arith.constant 0 : i32
    %dma_wait3A_55 = tpu.memref_slice %arg3[%dma_wait3A_53, %dma_wait3A_54] : memref<1024x64xf32, #tpu.memory_space<hbm>> -> memref<1024x64xf32, #tpu.memory_space<hbm>>
    tpu.wait_indirect_dma semaphore(%arg25 : memref<!tpu.dma_semaphore, #tpu.memory_space<semaphore_mem>>) src(%dma_wait3A_55 : memref<1024x64xf32, #tpu.memory_space<hbm>>) dst(%arg12 : memref<128x64xf32, #tpu.memory_space<vmem>>)
    %dma_wait3A_56 = arith.constant 0 : i32
    %dma_wait3A_57 = tpu.memref_slice %arg10[%dma_wait3A_56] : memref<512xi32, #tpu.memory_space<vmem>> -> memref<128xi32, #tpu.memory_space<vmem>>
    %dma_wait3A_58 = arith.constant 0 : i32
    %dma_wait3A_59 = arith.constant 0 : i32
    %dma_wait3A_60 = tpu.memref_slice %arg2[%dma_wait3A_58, %dma_wait3A_59] : memref<100352x64xf32, #tpu.memory_space<hbm>> -> memref<100352x64xf32, #tpu.memory_space<hbm>>
    tpu.wait_indirect_dma semaphore(%arg25 : memref<!tpu.dma_semaphore, #tpu.memory_space<semaphore_mem>>) src(%dma_wait3A_60 : memref<100352x64xf32, #tpu.memory_space<hbm>>) dst(%arg13 : memref<128x64xf32, #tpu.memory_space<vmem>>)
    %parallel_loop3A = arith.constant 0 : i32
    %parallel_loop3A_61 = arith.constant 128 : i32
    %parallel_loop3A_62 = arith.constant 1 : i32
    scf.for %parallel_loop3A_150 = %parallel_loop3A to %parallel_loop3A_61 step %parallel_loop3A_62  : i32 {
      %parallel_loop3A_151 = arith.constant 0.000000e+00 : f32
      %parallel_loop3A_152 = vector.broadcast %parallel_loop3A_151 : f32 to vector<16xf32>
      %parallel_loop3A_153 = arith.index_cast %parallel_loop3A_150 : i32 to index
      %parallel_loop3A_154 = arith.constant 0 : index
      %parallel_loop3A_155 = tpu.vector_load %arg11[%parallel_loop3A_153, %parallel_loop3A_154] {strides = array<i32>} : memref<128x64xf32, #tpu.memory_space<vmem>>, vector<16xf32>,
      %parallel_loop3A_156 = arith.index_cast %parallel_loop3A_150 : i32 to index
      %parallel_loop3A_157 = arith.constant 0 : index
      %parallel_loop3A_158 = tpu.vector_load %arg12[%parallel_loop3A_156, %parallel_loop3A_157] {strides = array<i32>} : memref<128x64xf32, #tpu.memory_space<vmem>>, vector<16xf32>,
      %parallel_loop3A_159 = arith.addf %parallel_loop3A_155, %parallel_loop3A_158 : vector<16xf32>
      %parallel_loop3A_160 = arith.index_cast %parallel_loop3A_150 : i32 to index
      %parallel_loop3A_161 = arith.constant 0 : index
      %parallel_loop3A_162 = tpu.vector_load %arg13[%parallel_loop3A_160, %parallel_loop3A_161] {strides = array<i32>} : memref<128x64xf32, #tpu.memory_space<vmem>>, vector<16xf32>,
      %parallel_loop3A_163 = arith.mulf %parallel_loop3A_159, %parallel_loop3A_162 : vector<16xf32>
      %parallel_loop3A_164 = arith.addf %parallel_loop3A_152, %parallel_loop3A_163 : vector<16xf32>
      %parallel_loop3A_165 = arith.index_cast %parallel_loop3A_150 : i32 to index
      %parallel_loop3A_166 = arith.constant 16 : index
      %parallel_loop3A_167 = tpu.vector_load %arg11[%parallel_loop3A_165, %parallel_loop3A_166] {strides = array<i32>} : memref<128x64xf32, #tpu.memory_space<vmem>>, vector<16xf32>,
      %parallel_loop3A_168 = arith.index_cast %parallel_loop3A_150 : i32 to index
      %parallel_loop3A_169 = arith.constant 16 : index
      %parallel_loop3A_170 = tpu.vector_load %arg12[%parallel_loop3A_168, %parallel_loop3A_169] {strides = array<i32>} : memref<128x64xf32, #tpu.memory_space<vmem>>, vector<16xf32>,
      %parallel_loop3A_171 = arith.addf %parallel_loop3A_167, %parallel_loop3A_170 : vector<16xf32>
      %parallel_loop3A_172 = arith.index_cast %parallel_loop3A_150 : i32 to index
      %parallel_loop3A_173 = arith.constant 16 : index
      %parallel_loop3A_174 = tpu.vector_load %arg13[%parallel_loop3A_172, %parallel_loop3A_173] {strides = array<i32>} : memref<128x64xf32, #tpu.memory_space<vmem>>, vector<16xf32>,
      %parallel_loop3A_175 = arith.mulf %parallel_loop3A_171, %parallel_loop3A_174 : vector<16xf32>
      %parallel_loop3A_176 = arith.addf %parallel_loop3A_164, %parallel_loop3A_175 : vector<16xf32>
      %parallel_loop3A_177 = arith.index_cast %parallel_loop3A_150 : i32 to index
      %parallel_loop3A_178 = arith.constant 32 : index
      %parallel_loop3A_179 = tpu.vector_load %arg11[%parallel_loop3A_177, %parallel_loop3A_178] {strides = array<i32>} : memref<128x64xf32, #tpu.memory_space<vmem>>, vector<16xf32>,
      %parallel_loop3A_180 = arith.index_cast %parallel_loop3A_150 : i32 to index
      %parallel_loop3A_181 = arith.constant 32 : index
      %parallel_loop3A_182 = tpu.vector_load %arg12[%parallel_loop3A_180, %parallel_loop3A_181] {strides = array<i32>} : memref<128x64xf32, #tpu.memory_space<vmem>>, vector<16xf32>,
      %parallel_loop3A_183 = arith.addf %parallel_loop3A_179, %parallel_loop3A_182 : vector<16xf32>
      %parallel_loop3A_184 = arith.index_cast %parallel_loop3A_150 : i32 to index
      %parallel_loop3A_185 = arith.constant 32 : index
      %parallel_loop3A_186 = tpu.vector_load %arg13[%parallel_loop3A_184, %parallel_loop3A_185] {strides = array<i32>} : memref<128x64xf32, #tpu.memory_space<vmem>>, vector<16xf32>,
      %parallel_loop3A_187 = arith.mulf %parallel_loop3A_183, %parallel_loop3A_186 : vector<16xf32>
      %parallel_loop3A_188 = arith.addf %parallel_loop3A_176, %parallel_loop3A_187 : vector<16xf32>
      %parallel_loop3A_189 = arith.index_cast %parallel_loop3A_150 : i32 to index
      %parallel_loop3A_190 = arith.constant 48 : index
      %parallel_loop3A_191 = tpu.vector_load %arg11[%parallel_loop3A_189, %parallel_loop3A_190] {strides = array<i32>} : memref<128x64xf32, #tpu.memory_space<vmem>>, vector<16xf32>,
      %parallel_loop3A_192 = arith.index_cast %parallel_loop3A_150 : i32 to index
      %parallel_loop3A_193 = arith.constant 48 : index
      %parallel_loop3A_194 = tpu.vector_load %arg12[%parallel_loop3A_192, %parallel_loop3A_193] {strides = array<i32>} : memref<128x64xf32, #tpu.memory_space<vmem>>, vector<16xf32>,
      %parallel_loop3A_195 = arith.addf %parallel_loop3A_191, %parallel_loop3A_194 : vector<16xf32>
      %parallel_loop3A_196 = arith.index_cast %parallel_loop3A_150 : i32 to index
      %parallel_loop3A_197 = arith.constant 48 : index
      %parallel_loop3A_198 = tpu.vector_load %arg13[%parallel_loop3A_196, %parallel_loop3A_197] {strides = array<i32>} : memref<128x64xf32, #tpu.memory_space<vmem>>, vector<16xf32>,
      %parallel_loop3A_199 = arith.mulf %parallel_loop3A_195, %parallel_loop3A_198 : vector<16xf32>
      %parallel_loop3A_200 = arith.addf %parallel_loop3A_188, %parallel_loop3A_199 : vector<16xf32>
      %parallel_loop3A_201 = arith.constant 0 : i32
      %parallel_loop3A_202 = arith.addi %parallel_loop3A_201, %parallel_loop3A_150 : i32
      %parallel_loop3A_203 = vector.broadcast %parallel_loop3A_202 : i32 to vector<16xi32>
      %parallel_loop3A_204 = arith.addi %mul3A_45, %parallel_loop3A_203 : vector<16xi32>
      tpu.vector_store_idx %arg23[%parallel_loop3A_204], %parallel_loop3A_200 : memref<8192xf32, #tpu.memory_space<vmem>>[vector<16xi32>], vector<16xf32>,
    } {sc.loop_unroll_factor = 8 : i64, sc.parallel_access}
    %dma_start3A_63 = arith.constant 256 : i32
    %dma_start3A_64 = tpu.memref_slice %arg8[%dma_start3A_63] : memref<512xi32, #tpu.memory_space<vmem>> -> memref<128xi32, #tpu.memory_space<vmem>>
    %dma_start3A_65 = arith.constant 0 : i32
    %dma_start3A_66 = arith.constant 0 : i32
    %dma_start3A_67 = tpu.memref_slice %arg2[%dma_start3A_65, %dma_start3A_66] : memref<100352x64xf32, #tpu.memory_space<hbm>> -> memref<100352x64xf32, #tpu.memory_space<hbm>>
    tpu.enqueue_indirect_dma source(%dma_start3A_67 : memref<100352x64xf32, #tpu.memory_space<hbm>>) target(%arg17 : memref<128x64xf32, #tpu.memory_space<vmem>>) offsets(%dma_start3A_64 : memref<128xi32, #tpu.memory_space<vmem>>) semaphore(%arg27 : memref<!tpu.dma_semaphore, #tpu.memory_space<semaphore_mem>>)
    %dma_start3A_68 = arith.constant 256 : i32
    %dma_start3A_69 = tpu.memref_slice %arg9[%dma_start3A_68] : memref<512xi32, #tpu.memory_space<vmem>> -> memref<128xi32, #tpu.memory_space<vmem>>
    %dma_start3A_70 = arith.constant 0 : i32
    %dma_start3A_71 = arith.constant 0 : i32
    %dma_start3A_72 = tpu.memref_slice %arg3[%dma_start3A_70, %dma_start3A_71] : memref<1024x64xf32, #tpu.memory_space<hbm>> -> memref<1024x64xf32, #tpu.memory_space<hbm>>
    tpu.enqueue_indirect_dma source(%dma_start3A_72 : memref<1024x64xf32, #tpu.memory_space<hbm>>) target(%arg18 : memref<128x64xf32, #tpu.memory_space<vmem>>) offsets(%dma_start3A_69 : memref<128xi32, #tpu.memory_space<vmem>>) semaphore(%arg27 : memref<!tpu.dma_semaphore, #tpu.memory_space<semaphore_mem>>)
    %dma_start3A_73 = arith.constant 256 : i32
    %dma_start3A_74 = tpu.memref_slice %arg10[%dma_start3A_73] : memref<512xi32, #tpu.memory_space<vmem>> -> memref<128xi32, #tpu.memory_space<vmem>>
    %dma_start3A_75 = arith.constant 0 : i32
    %dma_start3A_76 = arith.constant 0 : i32
    %dma_start3A_77 = tpu.memref_slice %arg2[%dma_start3A_75, %dma_start3A_76] : memref<100352x64xf32, #tpu.memory_space<hbm>> -> memref<100352x64xf32, #tpu.memory_space<hbm>>
    tpu.enqueue_indirect_dma source(%dma_start3A_77 : memref<100352x64xf32, #tpu.memory_space<hbm>>) target(%arg19 : memref<128x64xf32, #tpu.memory_space<vmem>>) offsets(%dma_start3A_74 : memref<128xi32, #tpu.memory_space<vmem>>) semaphore(%arg27 : memref<!tpu.dma_semaphore, #tpu.memory_space<semaphore_mem>>)
    %dma_wait3A_78 = arith.constant 128 : i32
    %dma_wait3A_79 = tpu.memref_slice %arg8[%dma_wait3A_78] : memref<512xi32, #tpu.memory_space<vmem>> -> memref<128xi32, #tpu.memory_space<vmem>>
    %dma_wait3A_80 = arith.constant 0 : i32
    %dma_wait3A_81 = arith.constant 0 : i32
    %dma_wait3A_82 = tpu.memref_slice %arg2[%dma_wait3A_80, %dma_wait3A_81] : memref<100352x64xf32, #tpu.memory_space<hbm>> -> memref<100352x64xf32, #tpu.memory_space<hbm>>
    tpu.wait_indirect_dma semaphore(%arg26 : memref<!tpu.dma_semaphore, #tpu.memory_space<semaphore_mem>>) src(%dma_wait3A_82 : memref<100352x64xf32, #tpu.memory_space<hbm>>) dst(%arg14 : memref<128x64xf32, #tpu.memory_space<vmem>>)
    %dma_wait3A_83 = arith.constant 128 : i32
    %dma_wait3A_84 = tpu.memref_slice %arg9[%dma_wait3A_83] : memref<512xi32, #tpu.memory_space<vmem>> -> memref<128xi32, #tpu.memory_space<vmem>>
    %dma_wait3A_85 = arith.constant 0 : i32
    %dma_wait3A_86 = arith.constant 0 : i32
    %dma_wait3A_87 = tpu.memref_slice %arg3[%dma_wait3A_85, %dma_wait3A_86] : memref<1024x64xf32, #tpu.memory_space<hbm>> -> memref<1024x64xf32, #tpu.memory_space<hbm>>
    tpu.wait_indirect_dma semaphore(%arg26 : memref<!tpu.dma_semaphore, #tpu.memory_space<semaphore_mem>>) src(%dma_wait3A_87 : memref<1024x64xf32, #tpu.memory_space<hbm>>) dst(%arg15 : memref<128x64xf32, #tpu.memory_space<vmem>>)
    %dma_wait3A_88 = arith.constant 128 : i32
    %dma_wait3A_89 = tpu.memref_slice %arg10[%dma_wait3A_88] : memref<512xi32, #tpu.memory_space<vmem>> -> memref<128xi32, #tpu.memory_space<vmem>>
    %dma_wait3A_90 = arith.constant 0 : i32
    %dma_wait3A_91 = arith.constant 0 : i32
    %dma_wait3A_92 = tpu.memref_slice %arg2[%dma_wait3A_90, %dma_wait3A_91] : memref<100352x64xf32, #tpu.memory_space<hbm>> -> memref<100352x64xf32, #tpu.memory_space<hbm>>
    tpu.wait_indirect_dma semaphore(%arg26 : memref<!tpu.dma_semaphore, #tpu.memory_space<semaphore_mem>>) src(%dma_wait3A_92 : memref<100352x64xf32, #tpu.memory_space<hbm>>) dst(%arg16 : memref<128x64xf32, #tpu.memory_space<vmem>>)
    %parallel_loop3A_93 = arith.constant 0 : i32
    %parallel_loop3A_94 = arith.constant 128 : i32
    %parallel_loop3A_95 = arith.constant 1 : i32
    scf.for %parallel_loop3A_150 = %parallel_loop3A_93 to %parallel_loop3A_94 step %parallel_loop3A_95  : i32 {
      %parallel_loop3A_151 = arith.constant 0.000000e+00 : f32
      %parallel_loop3A_152 = vector.broadcast %parallel_loop3A_151 : f32 to vector<16xf32>
      %parallel_loop3A_153 = arith.index_cast %parallel_loop3A_150 : i32 to index
      %parallel_loop3A_154 = arith.constant 0 : index
      %parallel_loop3A_155 = tpu.vector_load %arg14[%parallel_loop3A_153, %parallel_loop3A_154] {strides = array<i32>} : memref<128x64xf32, #tpu.memory_space<vmem>>, vector<16xf32>,
      %parallel_loop3A_156 = arith.index_cast %parallel_loop3A_150 : i32 to index
      %parallel_loop3A_157 = arith.constant 0 : index
      %parallel_loop3A_158 = tpu.vector_load %arg15[%parallel_loop3A_156, %parallel_loop3A_157] {strides = array<i32>} : memref<128x64xf32, #tpu.memory_space<vmem>>, vector<16xf32>,
      %parallel_loop3A_159 = arith.addf %parallel_loop3A_155, %parallel_loop3A_158 : vector<16xf32>
      %parallel_loop3A_160 = arith.index_cast %parallel_loop3A_150 : i32 to index
      %parallel_loop3A_161 = arith.constant 0 : index
      %parallel_loop3A_162 = tpu.vector_load %arg16[%parallel_loop3A_160, %parallel_loop3A_161] {strides = array<i32>} : memref<128x64xf32, #tpu.memory_space<vmem>>, vector<16xf32>,
      %parallel_loop3A_163 = arith.mulf %parallel_loop3A_159, %parallel_loop3A_162 : vector<16xf32>
      %parallel_loop3A_164 = arith.addf %parallel_loop3A_152, %parallel_loop3A_163 : vector<16xf32>
      %parallel_loop3A_165 = arith.index_cast %parallel_loop3A_150 : i32 to index
      %parallel_loop3A_166 = arith.constant 16 : index
      %parallel_loop3A_167 = tpu.vector_load %arg14[%parallel_loop3A_165, %parallel_loop3A_166] {strides = array<i32>} : memref<128x64xf32, #tpu.memory_space<vmem>>, vector<16xf32>,
      %parallel_loop3A_168 = arith.index_cast %parallel_loop3A_150 : i32 to index
      %parallel_loop3A_169 = arith.constant 16 : index
      %parallel_loop3A_170 = tpu.vector_load %arg15[%parallel_loop3A_168, %parallel_loop3A_169] {strides = array<i32>} : memref<128x64xf32, #tpu.memory_space<vmem>>, vector<16xf32>,
      %parallel_loop3A_171 = arith.addf %parallel_loop3A_167, %parallel_loop3A_170 : vector<16xf32>
      %parallel_loop3A_172 = arith.index_cast %parallel_loop3A_150 : i32 to index
      %parallel_loop3A_173 = arith.constant 16 : index
      %parallel_loop3A_174 = tpu.vector_load %arg16[%parallel_loop3A_172, %parallel_loop3A_173] {strides = array<i32>} : memref<128x64xf32, #tpu.memory_space<vmem>>, vector<16xf32>,
      %parallel_loop3A_175 = arith.mulf %parallel_loop3A_171, %parallel_loop3A_174 : vector<16xf32>
      %parallel_loop3A_176 = arith.addf %parallel_loop3A_164, %parallel_loop3A_175 : vector<16xf32>
      %parallel_loop3A_177 = arith.index_cast %parallel_loop3A_150 : i32 to index
      %parallel_loop3A_178 = arith.constant 32 : index
      %parallel_loop3A_179 = tpu.vector_load %arg14[%parallel_loop3A_177, %parallel_loop3A_178] {strides = array<i32>} : memref<128x64xf32, #tpu.memory_space<vmem>>, vector<16xf32>,
      %parallel_loop3A_180 = arith.index_cast %parallel_loop3A_150 : i32 to index
      %parallel_loop3A_181 = arith.constant 32 : index
      %parallel_loop3A_182 = tpu.vector_load %arg15[%parallel_loop3A_180, %parallel_loop3A_181] {strides = array<i32>} : memref<128x64xf32, #tpu.memory_space<vmem>>, vector<16xf32>,
      %parallel_loop3A_183 = arith.addf %parallel_loop3A_179, %parallel_loop3A_182 : vector<16xf32>
      %parallel_loop3A_184 = arith.index_cast %parallel_loop3A_150 : i32 to index
      %parallel_loop3A_185 = arith.constant 32 : index
      %parallel_loop3A_186 = tpu.vector_load %arg16[%parallel_loop3A_184, %parallel_loop3A_185] {strides = array<i32>} : memref<128x64xf32, #tpu.memory_space<vmem>>, vector<16xf32>,
      %parallel_loop3A_187 = arith.mulf %parallel_loop3A_183, %parallel_loop3A_186 : vector<16xf32>
      %parallel_loop3A_188 = arith.addf %parallel_loop3A_176, %parallel_loop3A_187 : vector<16xf32>
      %parallel_loop3A_189 = arith.index_cast %parallel_loop3A_150 : i32 to index
      %parallel_loop3A_190 = arith.constant 48 : index
      %parallel_loop3A_191 = tpu.vector_load %arg14[%parallel_loop3A_189, %parallel_loop3A_190] {strides = array<i32>} : memref<128x64xf32, #tpu.memory_space<vmem>>, vector<16xf32>,
      %parallel_loop3A_192 = arith.index_cast %parallel_loop3A_150 : i32 to index
      %parallel_loop3A_193 = arith.constant 48 : index
      %parallel_loop3A_194 = tpu.vector_load %arg15[%parallel_loop3A_192, %parallel_loop3A_193] {strides = array<i32>} : memref<128x64xf32, #tpu.memory_space<vmem>>, vector<16xf32>,
      %parallel_loop3A_195 = arith.addf %parallel_loop3A_191, %parallel_loop3A_194 : vector<16xf32>
      %parallel_loop3A_196 = arith.index_cast %parallel_loop3A_150 : i32 to index
      %parallel_loop3A_197 = arith.constant 48 : index
      %parallel_loop3A_198 = tpu.vector_load %arg16[%parallel_loop3A_196, %parallel_loop3A_197] {strides = array<i32>} : memref<128x64xf32, #tpu.memory_space<vmem>>, vector<16xf32>,
      %parallel_loop3A_199 = arith.mulf %parallel_loop3A_195, %parallel_loop3A_198 : vector<16xf32>
      %parallel_loop3A_200 = arith.addf %parallel_loop3A_188, %parallel_loop3A_199 : vector<16xf32>
      %parallel_loop3A_201 = arith.constant 128 : i32
      %parallel_loop3A_202 = arith.addi %parallel_loop3A_201, %parallel_loop3A_150 : i32
      %parallel_loop3A_203 = vector.broadcast %parallel_loop3A_202 : i32 to vector<16xi32>
      %parallel_loop3A_204 = arith.addi %mul3A_45, %parallel_loop3A_203 : vector<16xi32>
      tpu.vector_store_idx %arg23[%parallel_loop3A_204], %parallel_loop3A_200 : memref<8192xf32, #tpu.memory_space<vmem>>[vector<16xi32>], vector<16xf32>,
    } {sc.loop_unroll_factor = 8 : i64, sc.parallel_access}
    %dma_start3A_96 = arith.constant 384 : i32
    %dma_start3A_97 = tpu.memref_slice %arg8[%dma_start3A_96] : memref<512xi32, #tpu.memory_space<vmem>> -> memref<128xi32, #tpu.memory_space<vmem>>
    %dma_start3A_98 = arith.constant 0 : i32
    %dma_start3A_99 = arith.constant 0 : i32
    %dma_start3A_100 = tpu.memref_slice %arg2[%dma_start3A_98, %dma_start3A_99] : memref<100352x64xf32, #tpu.memory_space<hbm>> -> memref<100352x64xf32, #tpu.memory_space<hbm>>
    tpu.enqueue_indirect_dma source(%dma_start3A_100 : memref<100352x64xf32, #tpu.memory_space<hbm>>) target(%arg20 : memref<128x64xf32, #tpu.memory_space<vmem>>) offsets(%dma_start3A_97 : memref<128xi32, #tpu.memory_space<vmem>>) semaphore(%arg28 : memref<!tpu.dma_semaphore, #tpu.memory_space<semaphore_mem>>)
    %dma_start3A_101 = arith.constant 384 : i32
    %dma_start3A_102 = tpu.memref_slice %arg9[%dma_start3A_101] : memref<512xi32, #tpu.memory_space<vmem>> -> memref<128xi32, #tpu.memory_space<vmem>>
    %dma_start3A_103 = arith.constant 0 : i32
    %dma_start3A_104 = arith.constant 0 : i32
    %dma_start3A_105 = tpu.memref_slice %arg3[%dma_start3A_103, %dma_start3A_104] : memref<1024x64xf32, #tpu.memory_space<hbm>> -> memref<1024x64xf32, #tpu.memory_space<hbm>>
    tpu.enqueue_indirect_dma source(%dma_start3A_105 : memref<1024x64xf32, #tpu.memory_space<hbm>>) target(%arg21 : memref<128x64xf32, #tpu.memory_space<vmem>>) offsets(%dma_start3A_102 : memref<128xi32, #tpu.memory_space<vmem>>) semaphore(%arg28 : memref<!tpu.dma_semaphore, #tpu.memory_space<semaphore_mem>>)
    %dma_start3A_106 = arith.constant 384 : i32
    %dma_start3A_107 = tpu.memref_slice %arg10[%dma_start3A_106] : memref<512xi32, #tpu.memory_space<vmem>> -> memref<128xi32, #tpu.memory_space<vmem>>
    %dma_start3A_108 = arith.constant 0 : i32
    %dma_start3A_109 = arith.constant 0 : i32
    %dma_start3A_110 = tpu.memref_slice %arg2[%dma_start3A_108, %dma_start3A_109] : memref<100352x64xf32, #tpu.memory_space<hbm>> -> memref<100352x64xf32, #tpu.memory_space<hbm>>
    tpu.enqueue_indirect_dma source(%dma_start3A_110 : memref<100352x64xf32, #tpu.memory_space<hbm>>) target(%arg22 : memref<128x64xf32, #tpu.memory_space<vmem>>) offsets(%dma_start3A_107 : memref<128xi32, #tpu.memory_space<vmem>>) semaphore(%arg28 : memref<!tpu.dma_semaphore, #tpu.memory_space<semaphore_mem>>)
    %dma_wait3A_111 = arith.constant 256 : i32
    %dma_wait3A_112 = tpu.memref_slice %arg8[%dma_wait3A_111] : memref<512xi32, #tpu.memory_space<vmem>> -> memref<128xi32, #tpu.memory_space<vmem>>
    %dma_wait3A_113 = arith.constant 0 : i32
    %dma_wait3A_114 = arith.constant 0 : i32
    %dma_wait3A_115 = tpu.memref_slice %arg2[%dma_wait3A_113, %dma_wait3A_114] : memref<100352x64xf32, #tpu.memory_space<hbm>> -> memref<100352x64xf32, #tpu.memory_space<hbm>>
    tpu.wait_indirect_dma semaphore(%arg27 : memref<!tpu.dma_semaphore, #tpu.memory_space<semaphore_mem>>) src(%dma_wait3A_115 : memref<100352x64xf32, #tpu.memory_space<hbm>>) dst(%arg17 : memref<128x64xf32, #tpu.memory_space<vmem>>)
    %dma_wait3A_116 = arith.constant 256 : i32
    %dma_wait3A_117 = tpu.memref_slice %arg9[%dma_wait3A_116] : memref<512xi32, #tpu.memory_space<vmem>> -> memref<128xi32, #tpu.memory_space<vmem>>
    %dma_wait3A_118 = arith.constant 0 : i32
    %dma_wait3A_119 = arith.constant 0 : i32
    %dma_wait3A_120 = tpu.memref_slice %arg3[%dma_wait3A_118, %dma_wait3A_119] : memref<1024x64xf32, #tpu.memory_space<hbm>> -> memref<1024x64xf32, #tpu.memory_space<hbm>>
    tpu.wait_indirect_dma semaphore(%arg27 : memref<!tpu.dma_semaphore, #tpu.memory_space<semaphore_mem>>) src(%dma_wait3A_120 : memref<1024x64xf32, #tpu.memory_space<hbm>>) dst(%arg18 : memref<128x64xf32, #tpu.memory_space<vmem>>)
    %dma_wait3A_121 = arith.constant 256 : i32
    %dma_wait3A_122 = tpu.memref_slice %arg10[%dma_wait3A_121] : memref<512xi32, #tpu.memory_space<vmem>> -> memref<128xi32, #tpu.memory_space<vmem>>
    %dma_wait3A_123 = arith.constant 0 : i32
    %dma_wait3A_124 = arith.constant 0 : i32
    %dma_wait3A_125 = tpu.memref_slice %arg2[%dma_wait3A_123, %dma_wait3A_124] : memref<100352x64xf32, #tpu.memory_space<hbm>> -> memref<100352x64xf32, #tpu.memory_space<hbm>>
    tpu.wait_indirect_dma semaphore(%arg27 : memref<!tpu.dma_semaphore, #tpu.memory_space<semaphore_mem>>) src(%dma_wait3A_125 : memref<100352x64xf32, #tpu.memory_space<hbm>>) dst(%arg19 : memref<128x64xf32, #tpu.memory_space<vmem>>)
    %parallel_loop3A_126 = arith.constant 0 : i32
    %parallel_loop3A_127 = arith.constant 128 : i32
    %parallel_loop3A_128 = arith.constant 1 : i32
    scf.for %parallel_loop3A_150 = %parallel_loop3A_126 to %parallel_loop3A_127 step %parallel_loop3A_128  : i32 {
      %parallel_loop3A_151 = arith.constant 0.000000e+00 : f32
      %parallel_loop3A_152 = vector.broadcast %parallel_loop3A_151 : f32 to vector<16xf32>
      %parallel_loop3A_153 = arith.index_cast %parallel_loop3A_150 : i32 to index
      %parallel_loop3A_154 = arith.constant 0 : index
      %parallel_loop3A_155 = tpu.vector_load %arg17[%parallel_loop3A_153, %parallel_loop3A_154] {strides = array<i32>} : memref<128x64xf32, #tpu.memory_space<vmem>>, vector<16xf32>,
      %parallel_loop3A_156 = arith.index_cast %parallel_loop3A_150 : i32 to index
      %parallel_loop3A_157 = arith.constant 0 : index
      %parallel_loop3A_158 = tpu.vector_load %arg18[%parallel_loop3A_156, %parallel_loop3A_157] {strides = array<i32>} : memref<128x64xf32, #tpu.memory_space<vmem>>, vector<16xf32>,
      %parallel_loop3A_159 = arith.addf %parallel_loop3A_155, %parallel_loop3A_158 : vector<16xf32>
      %parallel_loop3A_160 = arith.index_cast %parallel_loop3A_150 : i32 to index
      %parallel_loop3A_161 = arith.constant 0 : index
      %parallel_loop3A_162 = tpu.vector_load %arg19[%parallel_loop3A_160, %parallel_loop3A_161] {strides = array<i32>} : memref<128x64xf32, #tpu.memory_space<vmem>>, vector<16xf32>,
      %parallel_loop3A_163 = arith.mulf %parallel_loop3A_159, %parallel_loop3A_162 : vector<16xf32>
      %parallel_loop3A_164 = arith.addf %parallel_loop3A_152, %parallel_loop3A_163 : vector<16xf32>
      %parallel_loop3A_165 = arith.index_cast %parallel_loop3A_150 : i32 to index
      %parallel_loop3A_166 = arith.constant 16 : index
      %parallel_loop3A_167 = tpu.vector_load %arg17[%parallel_loop3A_165, %parallel_loop3A_166] {strides = array<i32>} : memref<128x64xf32, #tpu.memory_space<vmem>>, vector<16xf32>,
      %parallel_loop3A_168 = arith.index_cast %parallel_loop3A_150 : i32 to index
      %parallel_loop3A_169 = arith.constant 16 : index
      %parallel_loop3A_170 = tpu.vector_load %arg18[%parallel_loop3A_168, %parallel_loop3A_169] {strides = array<i32>} : memref<128x64xf32, #tpu.memory_space<vmem>>, vector<16xf32>,
      %parallel_loop3A_171 = arith.addf %parallel_loop3A_167, %parallel_loop3A_170 : vector<16xf32>
      %parallel_loop3A_172 = arith.index_cast %parallel_loop3A_150 : i32 to index
      %parallel_loop3A_173 = arith.constant 16 : index
      %parallel_loop3A_174 = tpu.vector_load %arg19[%parallel_loop3A_172, %parallel_loop3A_173] {strides = array<i32>} : memref<128x64xf32, #tpu.memory_space<vmem>>, vector<16xf32>,
      %parallel_loop3A_175 = arith.mulf %parallel_loop3A_171, %parallel_loop3A_174 : vector<16xf32>
      %parallel_loop3A_176 = arith.addf %parallel_loop3A_164, %parallel_loop3A_175 : vector<16xf32>
      %parallel_loop3A_177 = arith.index_cast %parallel_loop3A_150 : i32 to index
      %parallel_loop3A_178 = arith.constant 32 : index
      %parallel_loop3A_179 = tpu.vector_load %arg17[%parallel_loop3A_177, %parallel_loop3A_178] {strides = array<i32>} : memref<128x64xf32, #tpu.memory_space<vmem>>, vector<16xf32>,
      %parallel_loop3A_180 = arith.index_cast %parallel_loop3A_150 : i32 to index
      %parallel_loop3A_181 = arith.constant 32 : index
      %parallel_loop3A_182 = tpu.vector_load %arg18[%parallel_loop3A_180, %parallel_loop3A_181] {strides = array<i32>} : memref<128x64xf32, #tpu.memory_space<vmem>>, vector<16xf32>,
      %parallel_loop3A_183 = arith.addf %parallel_loop3A_179, %parallel_loop3A_182 : vector<16xf32>
      %parallel_loop3A_184 = arith.index_cast %parallel_loop3A_150 : i32 to index
      %parallel_loop3A_185 = arith.constant 32 : index
      %parallel_loop3A_186 = tpu.vector_load %arg19[%parallel_loop3A_184, %parallel_loop3A_185] {strides = array<i32>} : memref<128x64xf32, #tpu.memory_space<vmem>>, vector<16xf32>,
      %parallel_loop3A_187 = arith.mulf %parallel_loop3A_183, %parallel_loop3A_186 : vector<16xf32>
      %parallel_loop3A_188 = arith.addf %parallel_loop3A_176, %parallel_loop3A_187 : vector<16xf32>
      %parallel_loop3A_189 = arith.index_cast %parallel_loop3A_150 : i32 to index
      %parallel_loop3A_190 = arith.constant 48 : index
      %parallel_loop3A_191 = tpu.vector_load %arg17[%parallel_loop3A_189, %parallel_loop3A_190] {strides = array<i32>} : memref<128x64xf32, #tpu.memory_space<vmem>>, vector<16xf32>,
      %parallel_loop3A_192 = arith.index_cast %parallel_loop3A_150 : i32 to index
      %parallel_loop3A_193 = arith.constant 48 : index
      %parallel_loop3A_194 = tpu.vector_load %arg18[%parallel_loop3A_192, %parallel_loop3A_193] {strides = array<i32>} : memref<128x64xf32, #tpu.memory_space<vmem>>, vector<16xf32>,
      %parallel_loop3A_195 = arith.addf %parallel_loop3A_191, %parallel_loop3A_194 : vector<16xf32>
      %parallel_loop3A_196 = arith.index_cast %parallel_loop3A_150 : i32 to index
      %parallel_loop3A_197 = arith.constant 48 : index
      %parallel_loop3A_198 = tpu.vector_load %arg19[%parallel_loop3A_196, %parallel_loop3A_197] {strides = array<i32>} : memref<128x64xf32, #tpu.memory_space<vmem>>, vector<16xf32>,
      %parallel_loop3A_199 = arith.mulf %parallel_loop3A_195, %parallel_loop3A_198 : vector<16xf32>
      %parallel_loop3A_200 = arith.addf %parallel_loop3A_188, %parallel_loop3A_199 : vector<16xf32>
      %parallel_loop3A_201 = arith.constant 256 : i32
      %parallel_loop3A_202 = arith.addi %parallel_loop3A_201, %parallel_loop3A_150 : i32
      %parallel_loop3A_203 = vector.broadcast %parallel_loop3A_202 : i32 to vector<16xi32>
      %parallel_loop3A_204 = arith.addi %mul3A_45, %parallel_loop3A_203 : vector<16xi32>
      tpu.vector_store_idx %arg23[%parallel_loop3A_204], %parallel_loop3A_200 : memref<8192xf32, #tpu.memory_space<vmem>>[vector<16xi32>], vector<16xf32>,
    } {sc.loop_unroll_factor = 8 : i64, sc.parallel_access}
    %dma_wait3A_129 = arith.constant 384 : i32
    %dma_wait3A_130 = tpu.memref_slice %arg8[%dma_wait3A_129] : memref<512xi32, #tpu.memory_space<vmem>> -> memref<128xi32, #tpu.memory_space<vmem>>
    %dma_wait3A_131 = arith.constant 0 : i32
    %dma_wait3A_132 = arith.constant 0 : i32
    %dma_wait3A_133 = tpu.memref_slice %arg2[%dma_wait3A_131, %dma_wait3A_132] : memref<100352x64xf32, #tpu.memory_space<hbm>> -> memref<100352x64xf32, #tpu.memory_space<hbm>>
    tpu.wait_indirect_dma semaphore(%arg28 : memref<!tpu.dma_semaphore, #tpu.memory_space<semaphore_mem>>) src(%dma_wait3A_133 : memref<100352x64xf32, #tpu.memory_space<hbm>>) dst(%arg20 : memref<128x64xf32, #tpu.memory_space<vmem>>)
    %dma_wait3A_134 = arith.constant 384 : i32
    %dma_wait3A_135 = tpu.memref_slice %arg9[%dma_wait3A_134] : memref<512xi32, #tpu.memory_space<vmem>> -> memref<128xi32, #tpu.memory_space<vmem>>
    %dma_wait3A_136 = arith.constant 0 : i32
    %dma_wait3A_137 = arith.constant 0 : i32
    %dma_wait3A_138 = tpu.memref_slice %arg3[%dma_wait3A_136, %dma_wait3A_137] : memref<1024x64xf32, #tpu.memory_space<hbm>> -> memref<1024x64xf32, #tpu.memory_space<hbm>>
    tpu.wait_indirect_dma semaphore(%arg28 : memref<!tpu.dma_semaphore, #tpu.memory_space<semaphore_mem>>) src(%dma_wait3A_138 : memref<1024x64xf32, #tpu.memory_space<hbm>>) dst(%arg21 : memref<128x64xf32, #tpu.memory_space<vmem>>)
    %dma_wait3A_139 = arith.constant 384 : i32
    %dma_wait3A_140 = tpu.memref_slice %arg10[%dma_wait3A_139] : memref<512xi32, #tpu.memory_space<vmem>> -> memref<128xi32, #tpu.memory_space<vmem>>
    %dma_wait3A_141 = arith.constant 0 : i32
    %dma_wait3A_142 = arith.constant 0 : i32
    %dma_wait3A_143 = tpu.memref_slice %arg2[%dma_wait3A_141, %dma_wait3A_142] : memref<100352x64xf32, #tpu.memory_space<hbm>> -> memref<100352x64xf32, #tpu.memory_space<hbm>>
    tpu.wait_indirect_dma semaphore(%arg28 : memref<!tpu.dma_semaphore, #tpu.memory_space<semaphore_mem>>) src(%dma_wait3A_143 : memref<100352x64xf32, #tpu.memory_space<hbm>>) dst(%arg22 : memref<128x64xf32, #tpu.memory_space<vmem>>)
    %parallel_loop3A_144 = arith.constant 0 : i32
    %parallel_loop3A_145 = arith.constant 128 : i32
    %parallel_loop3A_146 = arith.constant 1 : i32
    scf.for %parallel_loop3A_150 = %parallel_loop3A_144 to %parallel_loop3A_145 step %parallel_loop3A_146  : i32 {
      %parallel_loop3A_151 = arith.constant 0.000000e+00 : f32
      %parallel_loop3A_152 = vector.broadcast %parallel_loop3A_151 : f32 to vector<16xf32>
      %parallel_loop3A_153 = arith.index_cast %parallel_loop3A_150 : i32 to index
      %parallel_loop3A_154 = arith.constant 0 : index
      %parallel_loop3A_155 = tpu.vector_load %arg20[%parallel_loop3A_153, %parallel_loop3A_154] {strides = array<i32>} : memref<128x64xf32, #tpu.memory_space<vmem>>, vector<16xf32>,
      %parallel_loop3A_156 = arith.index_cast %parallel_loop3A_150 : i32 to index
      %parallel_loop3A_157 = arith.constant 0 : index
      %parallel_loop3A_158 = tpu.vector_load %arg21[%parallel_loop3A_156, %parallel_loop3A_157] {strides = array<i32>} : memref<128x64xf32, #tpu.memory_space<vmem>>, vector<16xf32>,
      %parallel_loop3A_159 = arith.addf %parallel_loop3A_155, %parallel_loop3A_158 : vector<16xf32>
      %parallel_loop3A_160 = arith.index_cast %parallel_loop3A_150 : i32 to index
      %parallel_loop3A_161 = arith.constant 0 : index
      %parallel_loop3A_162 = tpu.vector_load %arg22[%parallel_loop3A_160, %parallel_loop3A_161] {strides = array<i32>} : memref<128x64xf32, #tpu.memory_space<vmem>>, vector<16xf32>,
      %parallel_loop3A_163 = arith.mulf %parallel_loop3A_159, %parallel_loop3A_162 : vector<16xf32>
      %parallel_loop3A_164 = arith.addf %parallel_loop3A_152, %parallel_loop3A_163 : vector<16xf32>
      %parallel_loop3A_165 = arith.index_cast %parallel_loop3A_150 : i32 to index
      %parallel_loop3A_166 = arith.constant 16 : index
      %parallel_loop3A_167 = tpu.vector_load %arg20[%parallel_loop3A_165, %parallel_loop3A_166] {strides = array<i32>} : memref<128x64xf32, #tpu.memory_space<vmem>>, vector<16xf32>,
      %parallel_loop3A_168 = arith.index_cast %parallel_loop3A_150 : i32 to index
      %parallel_loop3A_169 = arith.constant 16 : index
      %parallel_loop3A_170 = tpu.vector_load %arg21[%parallel_loop3A_168, %parallel_loop3A_169] {strides = array<i32>} : memref<128x64xf32, #tpu.memory_space<vmem>>, vector<16xf32>,
      %parallel_loop3A_171 = arith.addf %parallel_loop3A_167, %parallel_loop3A_170 : vector<16xf32>
      %parallel_loop3A_172 = arith.index_cast %parallel_loop3A_150 : i32 to index
      %parallel_loop3A_173 = arith.constant 16 : index
      %parallel_loop3A_174 = tpu.vector_load %arg22[%parallel_loop3A_172, %parallel_loop3A_173] {strides = array<i32>} : memref<128x64xf32, #tpu.memory_space<vmem>>, vector<16xf32>,
      %parallel_loop3A_175 = arith.mulf %parallel_loop3A_171, %parallel_loop3A_174 : vector<16xf32>
      %parallel_loop3A_176 = arith.addf %parallel_loop3A_164, %parallel_loop3A_175 : vector<16xf32>
      %parallel_loop3A_177 = arith.index_cast %parallel_loop3A_150 : i32 to index
      %parallel_loop3A_178 = arith.constant 32 : index
      %parallel_loop3A_179 = tpu.vector_load %arg20[%parallel_loop3A_177, %parallel_loop3A_178] {strides = array<i32>} : memref<128x64xf32, #tpu.memory_space<vmem>>, vector<16xf32>,
      %parallel_loop3A_180 = arith.index_cast %parallel_loop3A_150 : i32 to index
      %parallel_loop3A_181 = arith.constant 32 : index
      %parallel_loop3A_182 = tpu.vector_load %arg21[%parallel_loop3A_180, %parallel_loop3A_181] {strides = array<i32>} : memref<128x64xf32, #tpu.memory_space<vmem>>, vector<16xf32>,
      %parallel_loop3A_183 = arith.addf %parallel_loop3A_179, %parallel_loop3A_182 : vector<16xf32>
      %parallel_loop3A_184 = arith.index_cast %parallel_loop3A_150 : i32 to index
      %parallel_loop3A_185 = arith.constant 32 : index
      %parallel_loop3A_186 = tpu.vector_load %arg22[%parallel_loop3A_184, %parallel_loop3A_185] {strides = array<i32>} : memref<128x64xf32, #tpu.memory_space<vmem>>, vector<16xf32>,
      %parallel_loop3A_187 = arith.mulf %parallel_loop3A_183, %parallel_loop3A_186 : vector<16xf32>
      %parallel_loop3A_188 = arith.addf %parallel_loop3A_176, %parallel_loop3A_187 : vector<16xf32>
      %parallel_loop3A_189 = arith.index_cast %parallel_loop3A_150 : i32 to index
      %parallel_loop3A_190 = arith.constant 48 : index
      %parallel_loop3A_191 = tpu.vector_load %arg20[%parallel_loop3A_189, %parallel_loop3A_190] {strides = array<i32>} : memref<128x64xf32, #tpu.memory_space<vmem>>, vector<16xf32>,
      %parallel_loop3A_192 = arith.index_cast %parallel_loop3A_150 : i32 to index
      %parallel_loop3A_193 = arith.constant 48 : index
      %parallel_loop3A_194 = tpu.vector_load %arg21[%parallel_loop3A_192, %parallel_loop3A_193] {strides = array<i32>} : memref<128x64xf32, #tpu.memory_space<vmem>>, vector<16xf32>,
      %parallel_loop3A_195 = arith.addf %parallel_loop3A_191, %parallel_loop3A_194 : vector<16xf32>
      %parallel_loop3A_196 = arith.index_cast %parallel_loop3A_150 : i32 to index
      %parallel_loop3A_197 = arith.constant 48 : index
      %parallel_loop3A_198 = tpu.vector_load %arg22[%parallel_loop3A_196, %parallel_loop3A_197] {strides = array<i32>} : memref<128x64xf32, #tpu.memory_space<vmem>>, vector<16xf32>,
      %parallel_loop3A_199 = arith.mulf %parallel_loop3A_195, %parallel_loop3A_198 : vector<16xf32>
      %parallel_loop3A_200 = arith.addf %parallel_loop3A_188, %parallel_loop3A_199 : vector<16xf32>
      %parallel_loop3A_201 = arith.constant 384 : i32
      %parallel_loop3A_202 = arith.addi %parallel_loop3A_201, %parallel_loop3A_150 : i32
      %parallel_loop3A_203 = vector.broadcast %parallel_loop3A_202 : i32 to vector<16xi32>
      %parallel_loop3A_204 = arith.addi %mul3A_45, %parallel_loop3A_203 : vector<16xi32>
      tpu.vector_store_idx %arg23[%parallel_loop3A_204], %parallel_loop3A_200 : memref<8192xf32, #tpu.memory_space<vmem>>[vector<16xi32>], vector<16xf32>,
    } {sc.loop_unroll_factor = 8 : i64, sc.parallel_access}
    %parallel_loop3A_147 = arith.constant 0 : i32
    %parallel_loop3A_148 = arith.constant 32 : i32
    %parallel_loop3A_149 = arith.constant 1 : i32
    scf.for %parallel_loop3A_150 = %parallel_loop3A_147 to %parallel_loop3A_148 step %parallel_loop3A_149  : i32 {
      %parallel_loop3A_151 = arith.constant 0.000000e+00 : f32
      %parallel_loop3A_152 = vector.broadcast %parallel_loop3A_151 : f32 to vector<16xf32>
      %parallel_loop3A_153 = arith.constant 16 : i32
      %parallel_loop3A_154 = arith.muli %parallel_loop3A_150, %parallel_loop3A_153 : i32
      %parallel_loop3A_155 = arith.constant 0 : i32
      %parallel_loop3A_156 = arith.addi %parallel_loop3A_155, %parallel_loop3A_154 : i32
      %parallel_loop3A_157 = arith.index_cast %parallel_loop3A_156 : i32 to index
      %parallel_loop3A_158 = tpu.vector_load %arg23[%parallel_loop3A_157] {strides = array<i32>} : memref<8192xf32, #tpu.memory_space<vmem>>, vector<16xf32>,
      %parallel_loop3A_159 = arith.addf %parallel_loop3A_152, %parallel_loop3A_158 : vector<16xf32>
      %parallel_loop3A_160 = arith.constant 16 : i32
      %parallel_loop3A_161 = arith.muli %parallel_loop3A_150, %parallel_loop3A_160 : i32
      %parallel_loop3A_162 = arith.constant 512 : i32
      %parallel_loop3A_163 = arith.addi %parallel_loop3A_162, %parallel_loop3A_161 : i32
      %parallel_loop3A_164 = arith.index_cast %parallel_loop3A_163 : i32 to index
      %parallel_loop3A_165 = tpu.vector_load %arg23[%parallel_loop3A_164] {strides = array<i32>} : memref<8192xf32, #tpu.memory_space<vmem>>, vector<16xf32>,
      %parallel_loop3A_166 = arith.addf %parallel_loop3A_159, %parallel_loop3A_165 : vector<16xf32>
      %parallel_loop3A_167 = arith.constant 16 : i32
      %parallel_loop3A_168 = arith.muli %parallel_loop3A_150, %parallel_loop3A_167 : i32
      %parallel_loop3A_169 = arith.constant 1024 : i32
      %parallel_loop3A_170 = arith.addi %parallel_loop3A_169, %parallel_loop3A_168 : i32
      %parallel_loop3A_171 = arith.index_cast %parallel_loop3A_170 : i32 to index
      %parallel_loop3A_172 = tpu.vector_load %arg23[%parallel_loop3A_171] {strides = array<i32>} : memref<8192xf32, #tpu.memory_space<vmem>>, vector<16xf32>,
      %parallel_loop3A_173 = arith.addf %parallel_loop3A_166, %parallel_loop3A_172 : vector<16xf32>
      %parallel_loop3A_174 = arith.constant 16 : i32
      %parallel_loop3A_175 = arith.muli %parallel_loop3A_150, %parallel_loop3A_174 : i32
      %parallel_loop3A_176 = arith.constant 1536 : i32
      %parallel_loop3A_177 = arith.addi %parallel_loop3A_176, %parallel_loop3A_175 : i32
      %parallel_loop3A_178 = arith.index_cast %parallel_loop3A_177 : i32 to index
      %parallel_loop3A_179 = tpu.vector_load %arg23[%parallel_loop3A_178] {strides = array<i32>} : memref<8192xf32, #tpu.memory_space<vmem>>, vector<16xf32>,
      %parallel_loop3A_180 = arith.addf %parallel_loop3A_173, %parallel_loop3A_179 : vector<16xf32>
      %parallel_loop3A_181 = arith.constant 16 : i32
      %parallel_loop3A_182 = arith.muli %parallel_loop3A_150, %parallel_loop3A_181 : i32
      %parallel_loop3A_183 = arith.constant 2048 : i32
      %parallel_loop3A_184 = arith.addi %parallel_loop3A_183, %parallel_loop3A_182 : i32
      %parallel_loop3A_185 = arith.index_cast %parallel_loop3A_184 : i32 to index
      %parallel_loop3A_186 = tpu.vector_load %arg23[%parallel_loop3A_185] {strides = array<i32>} : memref<8192xf32, #tpu.memory_space<vmem>>, vector<16xf32>,
      %parallel_loop3A_187 = arith.addf %parallel_loop3A_180, %parallel_loop3A_186 : vector<16xf32>
      %parallel_loop3A_188 = arith.constant 16 : i32
      %parallel_loop3A_189 = arith.muli %parallel_loop3A_150, %parallel_loop3A_188 : i32
      %parallel_loop3A_190 = arith.constant 2560 : i32
      %parallel_loop3A_191 = arith.addi %parallel_loop3A_190, %parallel_loop3A_189 : i32
      %parallel_loop3A_192 = arith.index_cast %parallel_loop3A_191 : i32 to index
      %parallel_loop3A_193 = tpu.vector_load %arg23[%parallel_loop3A_192] {strides = array<i32>} : memref<8192xf32, #tpu.memory_space<vmem>>, vector<16xf32>,
      %parallel_loop3A_194 = arith.addf %parallel_loop3A_187, %parallel_loop3A_193 : vector<16xf32>
      %parallel_loop3A_195 = arith.constant 16 : i32
      %parallel_loop3A_196 = arith.muli %parallel_loop3A_150, %parallel_loop3A_195 : i32
      %parallel_loop3A_197 = arith.constant 3072 : i32
      %parallel_loop3A_198 = arith.addi %parallel_loop3A_197, %parallel_loop3A_196 : i32
      %parallel_loop3A_199 = arith.index_cast %parallel_loop3A_198 : i32 to index
      %parallel_loop3A_200 = tpu.vector_load %arg23[%parallel_loop3A_199] {strides = array<i32>} : memref<8192xf32, #tpu.memory_space<vmem>>, vector<16xf32>,
      %parallel_loop3A_201 = arith.addf %parallel_loop3A_194, %parallel_loop3A_200 : vector<16xf32>
      %parallel_loop3A_202 = arith.constant 16 : i32
      %parallel_loop3A_203 = arith.muli %parallel_loop3A_150, %parallel_loop3A_202 : i32
      %parallel_loop3A_204 = arith.constant 3584 : i32
      %parallel_loop3A_205 = arith.addi %parallel_loop3A_204, %parallel_loop3A_203 : i32
      %parallel_loop3A_206 = arith.index_cast %parallel_loop3A_205 : i32 to index
      %parallel_loop3A_207 = tpu.vector_load %arg23[%parallel_loop3A_206] {strides = array<i32>} : memref<8192xf32, #tpu.memory_space<vmem>>, vector<16xf32>,
      %parallel_loop3A_208 = arith.addf %parallel_loop3A_201, %parallel_loop3A_207 : vector<16xf32>
      %parallel_loop3A_209 = arith.constant 16 : i32
      %parallel_loop3A_210 = arith.muli %parallel_loop3A_150, %parallel_loop3A_209 : i32
      %parallel_loop3A_211 = arith.constant 4096 : i32
      %parallel_loop3A_212 = arith.addi %parallel_loop3A_211, %parallel_loop3A_210 : i32
      %parallel_loop3A_213 = arith.index_cast %parallel_loop3A_212 : i32 to index
      %parallel_loop3A_214 = tpu.vector_load %arg23[%parallel_loop3A_213] {strides = array<i32>} : memref<8192xf32, #tpu.memory_space<vmem>>, vector<16xf32>,
      %parallel_loop3A_215 = arith.addf %parallel_loop3A_208, %parallel_loop3A_214 : vector<16xf32>
      %parallel_loop3A_216 = arith.constant 16 : i32
      %parallel_loop3A_217 = arith.muli %parallel_loop3A_150, %parallel_loop3A_216 : i32
      %parallel_loop3A_218 = arith.constant 4608 : i32
      %parallel_loop3A_219 = arith.addi %parallel_loop3A_218, %parallel_loop3A_217 : i32
      %parallel_loop3A_220 = arith.index_cast %parallel_loop3A_219 : i32 to index
      %parallel_loop3A_221 = tpu.vector_load %arg23[%parallel_loop3A_220] {strides = array<i32>} : memref<8192xf32, #tpu.memory_space<vmem>>, vector<16xf32>,
      %parallel_loop3A_222 = arith.addf %parallel_loop3A_215, %parallel_loop3A_221 : vector<16xf32>
      %parallel_loop3A_223 = arith.constant 16 : i32
      %parallel_loop3A_224 = arith.muli %parallel_loop3A_150, %parallel_loop3A_223 : i32
      %parallel_loop3A_225 = arith.constant 5120 : i32
      %parallel_loop3A_226 = arith.addi %parallel_loop3A_225, %parallel_loop3A_224 : i32
      %parallel_loop3A_227 = arith.index_cast %parallel_loop3A_226 : i32 to index
      %parallel_loop3A_228 = tpu.vector_load %arg23[%parallel_loop3A_227] {strides = array<i32>} : memref<8192xf32, #tpu.memory_space<vmem>>, vector<16xf32>,
      %parallel_loop3A_229 = arith.addf %parallel_loop3A_222, %parallel_loop3A_228 : vector<16xf32>
      %parallel_loop3A_230 = arith.constant 16 : i32
      %parallel_loop3A_231 = arith.muli %parallel_loop3A_150, %parallel_loop3A_230 : i32
      %parallel_loop3A_232 = arith.constant 5632 : i32
      %parallel_loop3A_233 = arith.addi %parallel_loop3A_232, %parallel_loop3A_231 : i32
      %parallel_loop3A_234 = arith.index_cast %parallel_loop3A_233 : i32 to index
      %parallel_loop3A_235 = tpu.vector_load %arg23[%parallel_loop3A_234] {strides = array<i32>} : memref<8192xf32, #tpu.memory_space<vmem>>, vector<16xf32>,
      %parallel_loop3A_236 = arith.addf %parallel_loop3A_229, %parallel_loop3A_235 : vector<16xf32>
      %parallel_loop3A_237 = arith.constant 16 : i32
      %parallel_loop3A_238 = arith.muli %parallel_loop3A_150, %parallel_loop3A_237 : i32
      %parallel_loop3A_239 = arith.constant 6144 : i32
      %parallel_loop3A_240 = arith.addi %parallel_loop3A_239, %parallel_loop3A_238 : i32
      %parallel_loop3A_241 = arith.index_cast %parallel_loop3A_240 : i32 to index
      %parallel_loop3A_242 = tpu.vector_load %arg23[%parallel_loop3A_241] {strides = array<i32>} : memref<8192xf32, #tpu.memory_space<vmem>>, vector<16xf32>,
      %parallel_loop3A_243 = arith.addf %parallel_loop3A_236, %parallel_loop3A_242 : vector<16xf32>
      %parallel_loop3A_244 = arith.constant 16 : i32
      %parallel_loop3A_245 = arith.muli %parallel_loop3A_150, %parallel_loop3A_244 : i32
      %parallel_loop3A_246 = arith.constant 6656 : i32
      %parallel_loop3A_247 = arith.addi %parallel_loop3A_246, %parallel_loop3A_245 : i32
      %parallel_loop3A_248 = arith.index_cast %parallel_loop3A_247 : i32 to index
      %parallel_loop3A_249 = tpu.vector_load %arg23[%parallel_loop3A_248] {strides = array<i32>} : memref<8192xf32, #tpu.memory_space<vmem>>, vector<16xf32>,
      %parallel_loop3A_250 = arith.addf %parallel_loop3A_243, %parallel_loop3A_249 : vector<16xf32>
      %parallel_loop3A_251 = arith.constant 16 : i32
      %parallel_loop3A_252 = arith.muli %parallel_loop3A_150, %parallel_loop3A_251 : i32
      %parallel_loop3A_253 = arith.constant 7168 : i32
      %parallel_loop3A_254 = arith.addi %parallel_loop3A_253, %parallel_loop3A_252 : i32
      %parallel_loop3A_255 = arith.index_cast %parallel_loop3A_254 : i32 to index
      %parallel_loop3A_256 = tpu.vector_load %arg23[%parallel_loop3A_255] {strides = array<i32>} : memref<8192xf32, #tpu.memory_space<vmem>>, vector<16xf32>,
      %parallel_loop3A_257 = arith.addf %parallel_loop3A_250, %parallel_loop3A_256 : vector<16xf32>
      %parallel_loop3A_258 = arith.constant 16 : i32
      %parallel_loop3A_259 = arith.muli %parallel_loop3A_150, %parallel_loop3A_258 : i32
      %parallel_loop3A_260 = arith.constant 7680 : i32
      %parallel_loop3A_261 = arith.addi %parallel_loop3A_260, %parallel_loop3A_259 : i32
      %parallel_loop3A_262 = arith.index_cast %parallel_loop3A_261 : i32 to index
      %parallel_loop3A_263 = tpu.vector_load %arg23[%parallel_loop3A_262] {strides = array<i32>} : memref<8192xf32, #tpu.memory_space<vmem>>, vector<16xf32>,
      %parallel_loop3A_264 = arith.addf %parallel_loop3A_257, %parallel_loop3A_263 : vector<16xf32>
      %parallel_loop3A_265 = arith.constant 16 : i32
      %parallel_loop3A_266 = arith.muli %parallel_loop3A_150, %parallel_loop3A_265 : i32
      %parallel_loop3A_267 = arith.index_cast %parallel_loop3A_266 : i32 to index
      %parallel_loop3A_268 = tpu.vector_load %arg24[%parallel_loop3A_267] {strides = array<i32>} : memref<512xf32, #tpu.memory_space<vmem>>, vector<16xf32>,
      tpu.vector_store %arg24[%parallel_loop3A_267], %parallel_loop3A_264 {strides = array<i32>} : memref<512xf32, #tpu.memory_space<vmem>>, vector<16xf32>,
    } {sc.loop_unroll_factor = 4 : i64, sc.parallel_access}
    "tpu.region"() ({
      %run_scoped3A = tpu.sem_alloc : memref<!tpu.dma_semaphore, #tpu.memory_space<semaphore_mem>>
      %dma_start3A_150 = tpu.memref_slice %arg7[%mul3A_2] : memref<16384xf32, #tpu.memory_space<hbm>> -> memref<512xf32, #tpu.memory_space<hbm>>
      %dma_start3A_151 = tpu.memref_slice %arg7[%mul3A_2] : memref<16384xf32, #tpu.memory_space<hbm>> -> memref<512xf32, #tpu.memory_space<hbm>>
      tpu.enqueue_dma source(%arg24 : memref<512xf32, #tpu.memory_space<vmem>>) target(%dma_start3A_151 : memref<512xf32, #tpu.memory_space<hbm>>) target_semaphore(%run_scoped3A : memref<!tpu.dma_semaphore, #tpu.memory_space<semaphore_mem>>)
      %dma_wait3A_152 = tpu.memref_slice %arg7[%mul3A_2] : memref<16384xf32, #tpu.memory_space<hbm>> -> memref<512xf32, #tpu.memory_space<hbm>>
      %dma_wait3A_153 = tpu.memref_slice %arg7[%mul3A_2] : memref<16384xf32, #tpu.memory_space<hbm>> -> memref<512xf32, #tpu.memory_space<hbm>>
      tpu.wait_dma2 semaphore(%run_scoped3A : memref<!tpu.dma_semaphore, #tpu.memory_space<semaphore_mem>>) src(%arg24 : memref<512xf32, #tpu.memory_space<vmem>>) dst(%dma_wait3A_153 : memref<512xf32, #tpu.memory_space<hbm>>)
      tpu.yield
    }) : () -> ()
    return
  }
}

module attributes {stable_mosaic.version = 14 : i64} {
  func.func @_tr_body(%arg0: i32, %arg1: memref<64x7168xf32, #tpu.memory_space<vmem>>, %arg2: memref<512x64xf32, #tpu.memory_space<vmem>>, %arg3: memref<1x64xf32, #tpu.memory_space<vmem>>, %arg4: memref<1x1xf32, #tpu.memory_space<vmem>>, %arg5: memref<7168x128xf32, #tpu.memory_space<vmem>>, %arg6: memref<512x128xf32, #tpu.memory_space<vmem>>) attributes {dimension_semantics = [#tpu.dimension_semantics<arbitrary>], iteration_bounds = array<i64: 7>, scalar_prefetch = 0 : i64, scratch_operands = 0 : i64, tpu.core_type = #tpu.core_type<tc>, window_params = [{transform_indices = @transform_0, window_bounds = array<i64: 64, 7168>}, {pipeline_mode = #tpu.pipeline_mode<synchronous>, transform_indices = @transform_1, window_bounds = array<i64: 512, 64>}, {pipeline_mode = #tpu.pipeline_mode<synchronous>, transform_indices = @transform_2, window_bounds = array<i64: 1, 64>}, {pipeline_mode = #tpu.pipeline_mode<synchronous>, transform_indices = @transform_3, window_bounds = array<i64: 1, 1>}, {transform_indices = @transform_4, window_bounds = array<i64: 7168, 128>}, {pipeline_mode = #tpu.pipeline_mode<synchronous>, transform_indices = @transform_5, window_bounds = array<i64: 512, 128>}]} {
    %iota3A = tpu.iota {dimensions = array<i32: 0>} : vector<64x64xi32>
    %iota3A_0 = tpu.iota {dimensions = array<i32: 1>} : vector<64x64xi32>
    %add3A = arith.constant 0 : i32
    %add3A_1 = vector.broadcast %add3A : i32 to vector<64x64xi32>
    %add3A_2 = arith.addi %iota3A, %add3A_1 : vector<64x64xi32>
    %eq3A = arith.cmpi eq, %add3A_2, %iota3A_0 : vector<64x64xi32>
    %convert_element_type3A = arith.extui %eq3A : vector<64x64xi1> to vector<64x64xi32>
    %convert_element_type3A_3 = arith.sitofp %convert_element_type3A : vector<64x64xi32> to vector<64x64xf32>
    %jit3A = arith.constant 0 : i32
    %convert_element_type3A_4 = arith.sitofp %jit3A : i32 to f32
    %pad3A = vector.broadcast %convert_element_type3A_4 : f32 to vector<64x64xf32>
    %pad3A_5 = tpu.concatenate %convert_element_type3A_3, %pad3A in 1 : vector<64x64xf32>, vector<64x64xf32> -> vector<64x128xf32>
    %get3A = arith.constant 0 : index
    %get3A_6 = arith.constant 0 : index
    %get3A_7 = vector.load %arg1[%get3A, %get3A_6] : memref<64x7168xf32, #tpu.memory_space<vmem>>, vector<64x7168xf32>
    %dot_general3A = arith.constant dense<0.000000e+00> : vector<7168x128xf32>
    %dot_general3A_8 = tpu.matmul %get3A_7, %pad3A_5, %dot_general3A {dimension_numbers = #tpu.dot_dimension_numbers<[0], [0], [1], [1], [0, 1, 1, 1], [], []>, transpose_lhs_hint = false} : vector<64x7168xf32>, vector<64x128xf32>, vector<7168x128xf32> -> vector<7168x128xf32>
    %swap3A = arith.constant 0 : index
    %swap3A_9 = arith.constant 0 : index
    %swap3A_10 = vector.load %arg5[%swap3A, %swap3A_9] : memref<7168x128xf32, #tpu.memory_space<vmem>>, vector<7168x128xf32>
    tpu.vector_store %arg5[%swap3A, %swap3A_9], %dot_general3A_8 {strides = array<i32>} : memref<7168x128xf32, #tpu.memory_space<vmem>>, vector<7168x128xf32>,
    %eq3A_11 = arith.constant 0 : i32
    %eq3A_12 = arith.cmpi eq, %arg0, %eq3A_11 : i32
    %convert_element_type3A_13 = arith.extui %eq3A_12 : i1 to i32
    %cond3A = arith.constant 0 : i32
    %cond3A_14 = arith.cmpi ne, %convert_element_type3A_13, %cond3A : i32
    scf.if %cond3A_14 {
      %get3A_15 = arith.constant 0 : index
      %get3A_16 = arith.constant 0 : index
      %get3A_17 = vector.load %arg2[%get3A_15, %get3A_16] : memref<512x64xf32, #tpu.memory_space<vmem>>, vector<512x64xf32>
      %get3A_18 = arith.constant 0 : index
      %get3A_19 = arith.constant 0 : index
      %get3A_20 = vector.load %arg3[%get3A_18, %get3A_19] : memref<1x64xf32, #tpu.memory_space<vmem>>, vector<1x64xf32>
      %get3A_21 = arith.constant 0 : index
      %get3A_22 = arith.constant 0 : index
      %get3A_23 = vector.load %arg4[%get3A_21, %get3A_22] : memref<1x1xf32, #tpu.memory_space<vmem>>, vector<1x1xf32>
      %get3A_24 = vector.extract %get3A_23[0, 0] : f32 from vector<1x1xf32>
      %mul3A = vector.broadcast %get3A_20 : vector<1x64xf32> to vector<512x64xf32>
      %mul3A_25 = arith.mulf %get3A_17, %mul3A : vector<512x64xf32>
      %reduce_sum3A = arith.constant dense<0.000000e+00> : vector<512xf32>
      %reduce_sum3A_26 = vector.multi_reduction <add>, %mul3A_25, %reduce_sum3A [1] : vector<512x64xf32> to vector<512xf32>
      %broadcast_in_dim3A = vector.shape_cast %reduce_sum3A_26 : vector<512xf32> to vector<512x1xf32>
      %add3A_27 = vector.broadcast %get3A_24 : f32 to vector<512x1xf32>
      %add3A_28 = arith.addf %broadcast_in_dim3A, %add3A_27 : vector<512x1xf32>
      %iota3A_29 = tpu.iota {dimensions = array<i32: 0>} : vector<512x1xi32>
      %lt3A = arith.constant 500 : i32
      %lt3A_30 = vector.broadcast %lt3A : i32 to vector<512x1xi32>
      %lt3A_31 = arith.cmpi slt, %iota3A_29, %lt3A_30 : vector<512x1xi32>
      %jit3A_32 = arith.constant 0xFF800000 : f32
      %broadcast_in_dim3A_33 = vector.broadcast %jit3A_32 : f32 to vector<512x1xf32>
      %select_n3A = arith.select %lt3A_31, %add3A_28, %broadcast_in_dim3A_33 : vector<512x1xi1>, vector<512x1xf32>
      %broadcast_in_dim3A_34 = arith.constant 0.000000e+00 : f32
      %broadcast_in_dim3A_35 = vector.broadcast %broadcast_in_dim3A_34 : f32 to vector<512x1xf32>
      %reduce_max3A = vector.shape_cast %select_n3A : vector<512x1xf32> to vector<1x512x1xf32>
      %reduce_max3A_36 = arith.constant dense<0xFF800000> : vector<1xf32>
      %reduce_max3A_37 = vector.multi_reduction <maximumf>, %reduce_max3A, %reduce_max3A_36 [1, 2] : vector<1x512x1xf32> to vector<1xf32>
      %reduce_max3A_38 = vector.shape_cast %reduce_max3A_37 : vector<1xf32> to vector<1x1x1xf32>
      %reduce_max3A_39 = vector.extract %reduce_max3A_38[0, 0, 0] : f32 from vector<1x1x1xf32>
      %eq3A_40 = vector.broadcast %reduce_max3A_39 : f32 to vector<512x1xf32>
      %eq3A_41 = arith.cmpf oeq, %select_n3A, %eq3A_40 : vector<512x1xf32>
      %jit3A_42 = arith.constant 1073741824 : i32
      %broadcast_in_dim3A_43 = vector.broadcast %jit3A_42 : i32 to vector<512x1xi32>
      %select_n3A_44 = arith.select %eq3A_41, %iota3A_29, %broadcast_in_dim3A_43 : vector<512x1xi1>, vector<512x1xi32>
      %reduce_min3A = vector.shape_cast %select_n3A_44 : vector<512x1xi32> to vector<1x512x1xi32>
      %reduce_min3A_45 = arith.constant dense<2147483647> : vector<1xi32>
      %reduce_min3A_46 = vector.multi_reduction <minsi>, %reduce_min3A, %reduce_min3A_45 [1, 2] : vector<1x512x1xi32> to vector<1xi32>
      %reduce_min3A_47 = vector.shape_cast %reduce_min3A_46 : vector<1xi32> to vector<1x1x1xi32>
      %reduce_min3A_48 = vector.extract %reduce_min3A_47[0, 0, 0] : i32 from vector<1x1x1xi32>
      %eq3A_49 = vector.broadcast %reduce_min3A_48 : i32 to vector<512x1xi32>
      %eq3A_50 = arith.cmpi eq, %iota3A_29, %eq3A_49 : vector<512x1xi32>
      %jit3A_51 = arith.constant 1.000000e+00 : f32
      %broadcast_in_dim3A_52 = vector.broadcast %jit3A_51 : f32 to vector<512x1xf32>
      %select_n3A_53 = arith.select %eq3A_50, %broadcast_in_dim3A_52, %broadcast_in_dim3A_35 : vector<512x1xi1>, vector<512x1xf32>
      %jit3A_54 = arith.constant 0xFF800000 : f32
      %broadcast_in_dim3A_55 = vector.broadcast %jit3A_54 : f32 to vector<512x1xf32>
      %select_n3A_56 = arith.select %eq3A_50, %broadcast_in_dim3A_55, %select_n3A : vector<512x1xi1>, vector<512x1xf32>
      %reduce_max3A_57 = vector.shape_cast %select_n3A_56 : vector<512x1xf32> to vector<1x512x1xf32>
      %reduce_max3A_58 = arith.constant dense<0xFF800000> : vector<1xf32>
      %reduce_max3A_59 = vector.multi_reduction <maximumf>, %reduce_max3A_57, %reduce_max3A_58 [1, 2] : vector<1x512x1xf32> to vector<1xf32>
      %reduce_max3A_60 = vector.shape_cast %reduce_max3A_59 : vector<1xf32> to vector<1x1x1xf32>
      %reduce_max3A_61 = vector.extract %reduce_max3A_60[0, 0, 0] : f32 from vector<1x1x1xf32>
      %eq3A_62 = vector.broadcast %reduce_max3A_61 : f32 to vector<512x1xf32>
      %eq3A_63 = arith.cmpf oeq, %select_n3A_56, %eq3A_62 : vector<512x1xf32>
      %jit3A_64 = arith.constant 1073741824 : i32
      %broadcast_in_dim3A_65 = vector.broadcast %jit3A_64 : i32 to vector<512x1xi32>
      %select_n3A_66 = arith.select %eq3A_63, %iota3A_29, %broadcast_in_dim3A_65 : vector<512x1xi1>, vector<512x1xi32>
      %reduce_min3A_67 = vector.shape_cast %select_n3A_66 : vector<512x1xi32> to vector<1x512x1xi32>
      %reduce_min3A_68 = arith.constant dense<2147483647> : vector<1xi32>
      %reduce_min3A_69 = vector.multi_reduction <minsi>, %reduce_min3A_67, %reduce_min3A_68 [1, 2] : vector<1x512x1xi32> to vector<1xi32>
      %reduce_min3A_70 = vector.shape_cast %reduce_min3A_69 : vector<1xi32> to vector<1x1x1xi32>
      %reduce_min3A_71 = vector.extract %reduce_min3A_70[0, 0, 0] : i32 from vector<1x1x1xi32>
      %eq3A_72 = vector.broadcast %reduce_min3A_71 : i32 to vector<512x1xi32>
      %eq3A_73 = arith.cmpi eq, %iota3A_29, %eq3A_72 : vector<512x1xi32>
      %jit3A_74 = arith.constant 1.000000e+00 : f32
      %broadcast_in_dim3A_75 = vector.broadcast %jit3A_74 : f32 to vector<512x1xf32>
      %select_n3A_76 = arith.select %eq3A_73, %broadcast_in_dim3A_75, %select_n3A_53 : vector<512x1xi1>, vector<512x1xf32>
      %jit3A_77 = arith.constant 0xFF800000 : f32
      %broadcast_in_dim3A_78 = vector.broadcast %jit3A_77 : f32 to vector<512x1xf32>
      %select_n3A_79 = arith.select %eq3A_73, %broadcast_in_dim3A_78, %select_n3A_56 : vector<512x1xi1>, vector<512x1xf32>
      %reduce_max3A_80 = vector.shape_cast %select_n3A_79 : vector<512x1xf32> to vector<1x512x1xf32>
      %reduce_max3A_81 = arith.constant dense<0xFF800000> : vector<1xf32>
      %reduce_max3A_82 = vector.multi_reduction <maximumf>, %reduce_max3A_80, %reduce_max3A_81 [1, 2] : vector<1x512x1xf32> to vector<1xf32>
      %reduce_max3A_83 = vector.shape_cast %reduce_max3A_82 : vector<1xf32> to vector<1x1x1xf32>
      %reduce_max3A_84 = vector.extract %reduce_max3A_83[0, 0, 0] : f32 from vector<1x1x1xf32>
      %eq3A_85 = vector.broadcast %reduce_max3A_84 : f32 to vector<512x1xf32>
      %eq3A_86 = arith.cmpf oeq, %select_n3A_79, %eq3A_85 : vector<512x1xf32>
      %jit3A_87 = arith.constant 1073741824 : i32
      %broadcast_in_dim3A_88 = vector.broadcast %jit3A_87 : i32 to vector<512x1xi32>
      %select_n3A_89 = arith.select %eq3A_86, %iota3A_29, %broadcast_in_dim3A_88 : vector<512x1xi1>, vector<512x1xi32>
      %reduce_min3A_90 = vector.shape_cast %select_n3A_89 : vector<512x1xi32> to vector<1x512x1xi32>
      %reduce_min3A_91 = arith.constant dense<2147483647> : vector<1xi32>
      %reduce_min3A_92 = vector.multi_reduction <minsi>, %reduce_min3A_90, %reduce_min3A_91 [1, 2] : vector<1x512x1xi32> to vector<1xi32>
      %reduce_min3A_93 = vector.shape_cast %reduce_min3A_92 : vector<1xi32> to vector<1x1x1xi32>
      %reduce_min3A_94 = vector.extract %reduce_min3A_93[0, 0, 0] : i32 from vector<1x1x1xi32>
      %eq3A_95 = vector.broadcast %reduce_min3A_94 : i32 to vector<512x1xi32>
      %eq3A_96 = arith.cmpi eq, %iota3A_29, %eq3A_95 : vector<512x1xi32>
      %jit3A_97 = arith.constant 1.000000e+00 : f32
      %broadcast_in_dim3A_98 = vector.broadcast %jit3A_97 : f32 to vector<512x1xf32>
      %select_n3A_99 = arith.select %eq3A_96, %broadcast_in_dim3A_98, %select_n3A_76 : vector<512x1xi1>, vector<512x1xf32>
      %jit3A_100 = arith.constant 0xFF800000 : f32
      %broadcast_in_dim3A_101 = vector.broadcast %jit3A_100 : f32 to vector<512x1xf32>
      %select_n3A_102 = arith.select %eq3A_96, %broadcast_in_dim3A_101, %select_n3A_79 : vector<512x1xi1>, vector<512x1xf32>
      %reduce_max3A_103 = vector.shape_cast %select_n3A_102 : vector<512x1xf32> to vector<1x512x1xf32>
      %reduce_max3A_104 = arith.constant dense<0xFF800000> : vector<1xf32>
      %reduce_max3A_105 = vector.multi_reduction <maximumf>, %reduce_max3A_103, %reduce_max3A_104 [1, 2] : vector<1x512x1xf32> to vector<1xf32>
      %reduce_max3A_106 = vector.shape_cast %reduce_max3A_105 : vector<1xf32> to vector<1x1x1xf32>
      %reduce_max3A_107 = vector.extract %reduce_max3A_106[0, 0, 0] : f32 from vector<1x1x1xf32>
      %eq3A_108 = vector.broadcast %reduce_max3A_107 : f32 to vector<512x1xf32>
      %eq3A_109 = arith.cmpf oeq, %select_n3A_102, %eq3A_108 : vector<512x1xf32>
      %jit3A_110 = arith.constant 1073741824 : i32
      %broadcast_in_dim3A_111 = vector.broadcast %jit3A_110 : i32 to vector<512x1xi32>
      %select_n3A_112 = arith.select %eq3A_109, %iota3A_29, %broadcast_in_dim3A_111 : vector<512x1xi1>, vector<512x1xi32>
      %reduce_min3A_113 = vector.shape_cast %select_n3A_112 : vector<512x1xi32> to vector<1x512x1xi32>
      %reduce_min3A_114 = arith.constant dense<2147483647> : vector<1xi32>
      %reduce_min3A_115 = vector.multi_reduction <minsi>, %reduce_min3A_113, %reduce_min3A_114 [1, 2] : vector<1x512x1xi32> to vector<1xi32>
      %reduce_min3A_116 = vector.shape_cast %reduce_min3A_115 : vector<1xi32> to vector<1x1x1xi32>
      %reduce_min3A_117 = vector.extract %reduce_min3A_116[0, 0, 0] : i32 from vector<1x1x1xi32>
      %eq3A_118 = vector.broadcast %reduce_min3A_117 : i32 to vector<512x1xi32>
      %eq3A_119 = arith.cmpi eq, %iota3A_29, %eq3A_118 : vector<512x1xi32>
      %jit3A_120 = arith.constant 1.000000e+00 : f32
      %broadcast_in_dim3A_121 = vector.broadcast %jit3A_120 : f32 to vector<512x1xf32>
      %select_n3A_122 = arith.select %eq3A_119, %broadcast_in_dim3A_121, %select_n3A_99 : vector<512x1xi1>, vector<512x1xf32>
      %jit3A_123 = arith.constant 0xFF800000 : f32
      %broadcast_in_dim3A_124 = vector.broadcast %jit3A_123 : f32 to vector<512x1xf32>
      %select_n3A_125 = arith.select %eq3A_119, %broadcast_in_dim3A_124, %select_n3A_102 : vector<512x1xi1>, vector<512x1xf32>
      %reduce_max3A_126 = vector.shape_cast %select_n3A_125 : vector<512x1xf32> to vector<1x512x1xf32>
      %reduce_max3A_127 = arith.constant dense<0xFF800000> : vector<1xf32>
      %reduce_max3A_128 = vector.multi_reduction <maximumf>, %reduce_max3A_126, %reduce_max3A_127 [1, 2] : vector<1x512x1xf32> to vector<1xf32>
      %reduce_max3A_129 = vector.shape_cast %reduce_max3A_128 : vector<1xf32> to vector<1x1x1xf32>
      %reduce_max3A_130 = vector.extract %reduce_max3A_129[0, 0, 0] : f32 from vector<1x1x1xf32>
      %eq3A_131 = vector.broadcast %reduce_max3A_130 : f32 to vector<512x1xf32>
      %eq3A_132 = arith.cmpf oeq, %select_n3A_125, %eq3A_131 : vector<512x1xf32>
      %jit3A_133 = arith.constant 1073741824 : i32
      %broadcast_in_dim3A_134 = vector.broadcast %jit3A_133 : i32 to vector<512x1xi32>
      %select_n3A_135 = arith.select %eq3A_132, %iota3A_29, %broadcast_in_dim3A_134 : vector<512x1xi1>, vector<512x1xi32>
      %reduce_min3A_136 = vector.shape_cast %select_n3A_135 : vector<512x1xi32> to vector<1x512x1xi32>
      %reduce_min3A_137 = arith.constant dense<2147483647> : vector<1xi32>
      %reduce_min3A_138 = vector.multi_reduction <minsi>, %reduce_min3A_136, %reduce_min3A_137 [1, 2] : vector<1x512x1xi32> to vector<1xi32>
      %reduce_min3A_139 = vector.shape_cast %reduce_min3A_138 : vector<1xi32> to vector<1x1x1xi32>
      %reduce_min3A_140 = vector.extract %reduce_min3A_139[0, 0, 0] : i32 from vector<1x1x1xi32>
      %eq3A_141 = vector.broadcast %reduce_min3A_140 : i32 to vector<512x1xi32>
      %eq3A_142 = arith.cmpi eq, %iota3A_29, %eq3A_141 : vector<512x1xi32>
      %jit3A_143 = arith.constant 1.000000e+00 : f32
      %broadcast_in_dim3A_144 = vector.broadcast %jit3A_143 : f32 to vector<512x1xf32>
      %select_n3A_145 = arith.select %eq3A_142, %broadcast_in_dim3A_144, %select_n3A_122 : vector<512x1xi1>, vector<512x1xf32>
      %mul3A_146 = vector.broadcast %select_n3A_145 : vector<512x1xf32> to vector<512x64xf32>
      %mul3A_147 = arith.mulf %get3A_17, %mul3A_146 : vector<512x64xf32>
      %broadcast_in_dim3A_148 = arith.constant 0.000000e+00 : f32
      %broadcast_in_dim3A_149 = vector.broadcast %broadcast_in_dim3A_148 : f32 to vector<512x64xf32>
      %concatenate3A = tpu.concatenate %mul3A_147, %broadcast_in_dim3A_149 in 1 : vector<512x64xf32>, vector<512x64xf32> -> vector<512x128xf32>
      %swap3A_150 = arith.constant 0 : index
      %swap3A_151 = arith.constant 0 : index
      %swap3A_152 = vector.load %arg6[%swap3A_150, %swap3A_151] : memref<512x128xf32, #tpu.memory_space<vmem>>, vector<512x128xf32>
      tpu.vector_store %arg6[%swap3A_150, %swap3A_151], %concatenate3A {strides = array<i32>} : memref<512x128xf32, #tpu.memory_space<vmem>>, vector<512x128xf32>,
    } else {
    }
    return
  }
  func.func @transform_0(%arg0: i32) -> (i32, i32) {
    %c0_i32 = arith.constant 0 : i32
    %c0_i32_0 = arith.constant 0 : i32
    return %c0_i32, %arg0 : i32, i32
  }
  func.func @transform_1(%arg0: i32) -> (i32, i32) {
    %c0_i32 = arith.constant 0 : i32
    %c0_i32_0 = arith.constant 0 : i32
    %c0_i32_1 = arith.constant 0 : i32
    return %c0_i32, %c0_i32_0 : i32, i32
  }
  func.func @transform_2(%arg0: i32) -> (i32, i32) {
    %c0_i32 = arith.constant 0 : i32
    %c0_i32_0 = arith.constant 0 : i32
    %c0_i32_1 = arith.constant 0 : i32
    return %c0_i32, %c0_i32_0 : i32, i32
  }
  func.func @transform_3(%arg0: i32) -> (i32, i32) {
    %c0_i32 = arith.constant 0 : i32
    %c0_i32_0 = arith.constant 0 : i32
    %c0_i32_1 = arith.constant 0 : i32
    return %c0_i32, %c0_i32_0 : i32, i32
  }
  func.func @transform_4(%arg0: i32) -> (i32, i32) {
    %c0_i32 = arith.constant 0 : i32
    %c0_i32_0 = arith.constant 0 : i32
    return %arg0, %c0_i32 : i32, i32
  }
  func.func @transform_5(%arg0: i32) -> (i32, i32) {
    %c0_i32 = arith.constant 0 : i32
    %c0_i32_0 = arith.constant 0 : i32
    %c0_i32_1 = arith.constant 0 : i32
    return %c0_i32, %c0_i32_0 : i32, i32
  }
}

</mosaic_0001>

<sc_bundles>
// kernel: kernel.4.cloned.1.call-start
scs
__scs_entry_jumppad:
0x0: {  	(pc) =	sbr.rel $0x88, $3  }
0x1: {  	(tag) =	ssettag $0x0;
	lr =	simm.s32 $0x1  }
0x2: {  	[smem:$0x3F9A] =	sst lr;
	_ =	strace $0xD0000000  }
0x3: {  	_ = 	snop  }
0x4: {  	_ = 	snop  }
0x5: {  	_ = 	snop  }
0x6: {  	_ = 	snop  }
0x7: {  	_ = 	snop  }
__scs_overlays_trampoline_lowered:
0x8: {  	[smem:$0x3FA9] =	sst s0  }
0x9: {  	[smem:$0x3FAA] =	sst s1  }
0xa: {  	[smem:$0x3FAB] =	sst s2  }
0xb: {  	[smem:$0x3FAC] =	sst s3  }
0xc: {  	[smem:$0x3FAD] =	sst s4  }
0xd: {  	[smem:$0x3FAE] =	sst s5  }
0xe: {  	[smem:$0x3FAF] =	sst s6  }
0xf: {  	[smem:$0x3FB0] =	sst s7  }
0x10: {  	[smem:$0x3FB1] =	sst s8  }
0x11: {  	[smem:$0x3FB2] =	sst s9;
	s0 =	simm.s32 @!p0 $0x0  }
0x12: {  	s1 =	sld [smem:$0x3F98];
	s0 =	simm.s32 @p0 $0x1  }
0x13: {  	[smem:$0x3FB3] =	sst s0;
	s0 =	simm.s32 @!p1 $0x0  }
0x14: {  	s2 =	sld [smem:$0x3F97];
	s0 =	simm.s32 @p1 $0x1  }
0x15: {  	[smem:$0x3FB4] =	sst s0;
	s0 =	simm.s32 @!p2 $0x0  }
0x16: {  	s3 =	sld [smem:$0x3FDB];
	s0 =	simm.s32 @p2 $0x1  }
0x17: {  	s4 =	simm.s32 $0x1BF5;
	[smem:$0x3FB6] =	sst s0  }
0x18: {  	s0 =	sld [smem:$0x3F99];
	_ =	swait.ge [sflag:s4], $0x0  }
0x19: {  	s7 =	sld [smem:$0x3F9A]  }
0x1a: {  	s8 =	sadd.s32 $0xFFFFE003, lr  }
0x1b: {  	s9 =	sadd.s32 $0xFFFFFEF7, lr;
	s5 =	simm.s32 $0xFFFFFFFF;
	p2 =	slt.u32 s8, $0xFFFFF086  }
0x1c: {  	p1 =	slt.u32 s9, $0xF7A;
	s5 =	simm.s32 @!p2 $0x0  }
0x1d: {  	s5 =	simm.s32 @p1 $0x1;
	p0 =	seq.s32 s7, s2  }
0x1e: {  	s7 =	smul.u32 @!p0 $0xF7A, s2;
	p2 =	seq.s32 @!p0 s5, $0x0  }
0x1f: {  	s9 =	smul.u32 $0xF7A, s1;
	s8 =	simm.s32 @!p0 $0x1BF5;
	p2 =	por !p2, p0  }
0x20: {  	[sflag:s8] =	ssyncset.s32 @!p0 $0xFFFFF086;
	s6 =	sadd.s32 @!p0 s3, s7;
	s7 =	simm.s32 @!p0 $0x108  }
0x21: {  	s3 =	sadd.s32 s3, s9;
	s6 =	sadd.s32 @!p0 $0x88, s6;
	s7 =	simm.s32 @p2 $0x1082  }
0x22: {  	[simem:s7], [sflag:s8] =	dma.local @!p0 [hbm:s6], $0xF7A  }
0x23: {  	s9 =	sor.u32 $0xD0000000, s2;
	s6 =	simm.s32 $0x108;
	_ =	swait.ge @!p0 [sflag:s8], $0x0  }
0x24: {  	s3 =	sadd.s32 $0x88, s3;
	s6 =	simm.s32 @!p1 $0x1082;
	[sflag:s4] =	ssyncset.s32 $0xFFFFF086  }
0x25: {  	[simem:s6], [sflag:s4] =	dma.local [hbm:s3], $0xF7A  }
0x26: {  	[smem:$0x3F9A] =	sst s1;
	(tag) =	ssettag s2;
	_ =	strace s9  }
0x27: {  	s1 =	sld [smem:$0x3FAA]  }
0x28: {  	s2 =	sld [smem:$0x3FAB]  }
0x29: {  	s4 =	sld [smem:$0x3FAD]  }
0x2a: {  	p0 =	seq.s32 s5, $0x0;
	s5 =	sld [smem:$0x3FAE]  }
0x2b: {  	s6 =	sld [smem:$0x3FAF]  }
0x2c: {  	s7 =	sld [smem:$0x3FB0]  }
0x2d: {  	s3 =	simm.s32 $0x108;
	s8 =	sld [smem:$0x3FB1]  }
0x2e: {  	s3 =	simm.s32 @!p0 $0x1082;
	s9 =	sld [smem:$0x3FB2]  }
0x2f: {  	lr =	sadd.s32 s0, s3;
	s0 =	sld [smem:$0x3FA9]  }
0x30: {  	s3 =	sld [smem:$0x3FAC]  }
0x31: {  	[smem:$0x3FB5] =	sst s10  }
0x32: {  	s10 =	sld [smem:$0x3FB3];
	_ =	sdelay $0x3  }
0x33: {  	p0 =	seq.s32 s10, $0x1;
	s10 =	sld [smem:$0x3FB5];
	_ =	sdelay $0x3  }
0x34: {  	[smem:$0x3FB5] =	sst s10  }
0x35: {  	s10 =	sld [smem:$0x3FB4];
	_ =	sdelay $0x3  }
0x36: {  	p1 =	seq.s32 s10, $0x1;
	s10 =	sld [smem:$0x3FB5];
	_ =	sdelay $0x3  }
0x37: {  	[smem:$0x3FB5] =	sst s10  }
0x38: {  	s10 =	sld [smem:$0x3FB6]  }
0x39: {  	_ = 	snop;
	(pc) =	sbr.ind lr, $3  }
0x3a: {  	_ = 	snop  }
0x3b: {  	_ = 	snop  }
0x3c: {  	p2 =	seq.s32 s10, $0x1;
	s10 =	sld [smem:$0x3FB5]  }
0x3d: {  	_ =	shalt  }
0x3e: {  	_ =	shalt  }
0x3f: {  	_ =	shalt  }
0x40: {  	_ =	shalt  }
0x41: {  	_ =	shalt  }
0x42: {  	_ =	shalt  }
0x43: {  	_ =	shalt  }
0x44: {  	_ =	shalt  }
0x45: {  	_ =	shalt  }
0x46: {  	_ =	shalt  }
0x47: {  	_ =	shalt  }
0x48: {  	_ =	shalt  }
0x49: {  	_ =	shalt  }
0x4a: {  	_ =	shalt  }
0x4b: {  	_ =	shalt  }
0x4c: {  	_ =	shalt  }
0x4d: {  	_ =	shalt  }
0x4e: {  	_ =	shalt  }
0x4f: {  	_ =	shalt  }
0x50: {  	_ =	shalt  }
0x51: {  	_ =	shalt  }
0x52: {  	_ =	shalt  }
0x53: {  	_ =	shalt  }
0x54: {  	_ =	shalt  }
0x55: {  	_ =	shalt  }
0x56: {  	_ =	shalt  }
0x57: {  	_ =	shalt  }
0x58: {  	_ =	shalt  }
0x59: {  	_ =	shalt  }
0x5a: {  	_ =	shalt  }
0x5b: {  	_ =	shalt  }
0x5c: {  	_ =	shalt  }
0x5d: {  	_ =	shalt  }
0x5e: {  	_ =	shalt  }
0x5f: {  	_ =	shalt  }
0x60: {  	_ =	shalt  }
0x61: {  	_ =	shalt  }
0x62: {  	_ =	shalt  }
0x63: {  	_ =	shalt  }
0x64: {  	_ =	shalt  }
0x65: {  	_ =	shalt  }
0x66: {  	_ =	shalt  }
0x67: {  	_ =	shalt  }
0x68: {  	_ =	shalt  }
0x69: {  	_ =	shalt  }
0x6a: {  	_ =	shalt  }
0x6b: {  	_ =	shalt  }
0x6c: {  	_ =	shalt  }
0x6d: {  	_ =	shalt  }
0x6e: {  	_ =	shalt  }
0x6f: {  	_ =	shalt  }
0x70: {  	_ =	shalt  }
0x71: {  	_ =	shalt  }
0x72: {  	_ =	shalt  }
0x73: {  	_ =	shalt  }
0x74: {  	_ =	shalt  }
0x75: {  	_ =	shalt  }
0x76: {  	_ =	shalt  }
0x77: {  	_ =	shalt  }
0x78: {  	_ =	shalt  }
0x79: {  	_ =	shalt  }
0x7a: {  	_ =	shalt  }
0x7b: {  	_ =	shalt  }
0x7c: {  	_ =	shalt  }
0x7d: {  	_ =	shalt  }
0x7e: {  	_ =	shalt  }
0x7f: {  	_ =	shalt  }
0x80: {  	_ =	shalt  }
0x81: {  	_ =	shalt  }
0x82: {  	_ =	shalt  }
0x83: {  	_ =	shalt  }
0x84: {  	_ =	shalt  }
0x85: {  	_ =	shalt  }
0x86: {  	_ =	shalt  }
0x87: {  	_ =	shalt  }
.Lfunc_end0:
.L_simem_size_0:
called_computation_lowered:
.L_overlay_start_0:
0x88: {  	s2 =	sld [smem:$0x3FD9]  }
0x89: {  	s3 =	sld [smem:$0x3FFE];
	_ =	sdelay $0x1  }
0x8a: {  	s1 =	srdreg.scid  }
0x8b: {  	s0 =	sand.u32 $0x1, s1  }
0x8c: {  	s17 =	sshll.u32 s0, $0xA;
	s2 =	sadd.s32 s3, s2  }
0x8d: {  	s2 =	sadd.s32 s2, s17  }
0x8e: {  	[smem:$0x3FC1] =	sst s2  }
0x8f: {  	_ = 	snop  }
0x90: {  	s2 =	sld [smem:$0x3FD0];
	(tm) =	ssettm $0x1  }
0x91: {  	s18 =	sld [smem:$0x3FFB];
	_ =	sdelay $0x3  }
0x92: {  	_ =	strace s18  }
0x93: {  	s3 =	sld [smem:$0x3FFC];
	_ =	sdelay $0x3  }
0x94: {  	_ =	strace s3  }
0x95: {  	s3 =	sld [smem:$0x3FFD];
	_ =	sdelay $0x3  }
0x96: {  	_ =	strace s3  }
0x97: {  	_ =	strace $0x8FFFFFFF  }
0x98: {  	s19 =	sld [smem:$0x3FDB];
	_ =	sdelay $0x1  }
0x99: {  	s4 =	simm.s32 $_scs_section_size  }
0x9a: {  	s5 =	simm.s32 $_size__tile_overlayer_lowered;
	s6 =	simm.s32 $_tile_overlayer_lowered  }
0x9b: {  	s22 =	simm.s32 $0x1BFF;
	s21 =	sshll.u32 s6, $0x1;
	s3 =	sadd.s32 s4, s19  }
0x9c: {  	s7 =	simm.s32 $0x0;
	s20 =	sshll.u32 s5, $0x1;
	s5 =	sadd.s32 s21, s3  }
0x9d: {  	[timem:s7], [sflag:s22] =	dma.local [hbm:s5], s20  }
0x9e: {  	_ =	swait.ge [sflag:s22], s20  }
0x9f: {  	s4 =	ssub.s32 $0x0, s20;
	[sflag:s22] =	ssyncset.done $0x0  }
0xa0: {  	[sflag:s22] =	ssyncadd.s32 s4;
	_ =	sdelay $0x1  }
0xa1: {  	s23 =	simm.s32 $0x1B8B  }
0xa2: {  	_ =	swait.ge [sflag:s23], $0x1  }
0xa3: {  	[sflag:s23] =	ssyncset.done $0x0  }
0xa4: {  	s25 =	simm.s32 $0x1B8E;
	s24 =	sld [smem:$0x3FFE];
	[sflag:s23] =	ssyncadd.s32 $0xFFFFFFFF  }
0xa5: {  	s26 =	simm.s32 $execute0_lowered;
	[smem:$0x3FD2] =	sst s25  }
0xa6: {  	s5 =	sshll.u32 s26, $0x1;
	_ =	strace $0x80000046;
	[dreg:$0x1] =	wrdreg $0xFFFFFFFF  }
0xa7: {  	s28 =	simm.s32 $_size_execute0_lowered;
	s3 =	sadd.s32 s3, s5;
	[dreg:$0x0] =	wrdreg $0x0  }
0xa8: {  	s5 =	sshll.u32 s28, $0x1;
	[dreg:$0x2] =	wrdreg s3  }
0xa9: {  	[dreg:$0x3] =	wrdreg s5  }
0xaa: {  	[dreg:$0x4] =	wrdreg $0xC0  }
0xab: {  	_ =	task [dreg:s7], $0x5FFFF  }
0xac: {  	[dreg:$0x1] =	wrdreg $0xFFFFFFFF  }
0xad: {  	[dreg:$0x0] =	wrdreg $0x60  }
0xae: {  	[dreg:$0x2] =	wrdreg s24  }
0xaf: {  	[dreg:$0x3] =	wrdreg s2  }
0xb0: {  	[dreg:$0x4] =	wrdreg $0x9  }
0xb1: {  	_ =	task.clear_ibuf [dreg:s7], $0x5FFFF;
	_ =	strace $0x90000046  }
0xb2: {  	s29 =	simm.s32 $0x9;
	_ =	strace $0x80000048  }
0xb3: {  	_ =	swait.ge [sflag:s29], $0x1  }
0xb4: {  	[sflag:s29] =	ssyncadd.s32 $0xFFFFFFFF  }
0xb5: {  	_ =	strace $0x90000048  }
0xb6: {  	_ =	sfence  }
0xb7: {  	s30 =	sld [smem:$0x0];
	_ =	sdelay $0x2  }
0xb8: {  	s31 =	sshll.u32 s1, $0xD;
	s1 =	sshrl.u32 s1, $0x2  }
0xb9: {  	s3 =	sand.u32 $0x4000, s31;
	s1 =	sadd.s32 s1, s30  }
0xba: {  	s0 =	sor.u32 s3, s0;
	s1 =	sshll.u32 s1, $0x11  }
0xbb: {  	s0 =	sor.u32 s1, s0  }
0xbc: {  	s0 =	sadd.s32 $0x8F2B, s0  }
0xbd: {  	[sflag:s0] =	ssyncadd.remote.s32 $0x1  }
0xbe: {  	_ =	sfence.sel $0xFFFF  }
0xbf: {  	[dreg:$0x0] =	wrdreg $0xFFFFFFFF;
	(pc) =	sbr.abs _section_cstart, $3  }
0xc0: {  	[dreg:$0x1] =	wrdreg $0xFFFFFFFF  }
0xc1: {  	_ =	task.clear_ibuf [dreg:s7], $0x2FFFF;
	_ =	strace $0x9FFFFFFF  }
0xc2: {  	(tm) =	ssettm $0x7FFFFFFF  }
0xc3: {  	_ =	shalt  }
tec
execute0_lowered:
.L_overlay_start_1:
0x0: {  	(tag) =	ssettag $0x1  }
0x1: {  	s0 =	rddreg [dreg:$0x0]  }
0x2: {  	s1 =	rddreg [dreg:$0x1];
	s2 =	simm.s32 $0x0;
	s3 =	srdreg.scid  }
0x3: {  	s4 =	stileid.u32;
	s10 =	simm.s32 $0x200;
	s11 =	simm.s32 $0x400  }
0x4: {  	s12 =	simm.s32 $0x1;
	s13 =	simm.s32 $0x80;
	s22 =	simm.s32 $0x18600  }
0x5: {  	s30 =	simm.s32 $0x2;
	s14 =	simm.s32 $0x14600;
	s15 =	simm.s32 $0x580  }
0x6: {  	s16 =	simm.s32 $0x16600;
	s17 =	simm.s32 $0x3;
	s18 =	simm.s32 $0x4  }
0x7: {  	s19 =	simm.s32 $0x1A600;
	s20 =	simm.s32 $0x5;
	s21 =	simm.s32 $0x0  }
0x8: {  	[smem:$0x7FF] =	sst s2;
	s3 =	sand.u32 $0x1, s3;
	s4 =	sshll.u32 s4, $0x7  }
0x9: {  	_ =	strace $0x80000047;
	s5 =	sshll.u32 s3, $0x6;
	s6 =	ssub.s32 $0x2, s3  }
0xa: {  	s3 =	sadd.s32 $0x2400, s0;
	s8 =	sor.u32 s5, s4;
	s31 =	sshrl.u32 s6, $0x1  }
0xb: {  	v0 =	vlaneseq.u32;
	s4 =	sadd.s32 $0xC6400, s0;
	s0 =	sadd.s32 s8, s0;
	s9 =	ssub.s32 s6, s31  }
0xc: {  	v0 =	vmul.u32 $0x200, v0;
	s8 =	sadd.s32 s1, s8;
	s1 =	simm.s32 $0x380;
	s5 =	sadd.s32 $0x1C00, s0  }
0xd: {  	s6 =	sadd.s32 $0x1400, s0;
	s7 =	sadd.s32 $0xC00, s0;
	s9 =	smax.u32 s9, $0x1  }
.LBB2_1:
0xe: {  	[tilespmem:s2], [sflag:$0x1] =	stream.linear.gather [hbm4b:s5+s2], $0x200, $0x38;
	[tilespmem:$0x1A800] =	vst v63  }
0xf: {  	_ = 	snop  }
0x10: {  	[tilespmem:s10], [sflag:$0x1] =	stream.linear.gather [hbm4b:s6+s2], $0x200, $0x38;
	[tilespmem:$0x1A800] =	vst v63  }
0x11: {  	_ = 	snop  }
0x12: {  	[tilespmem:s11], [sflag:$0x1] =	stream.linear.gather [hbm4b:s7+s2], $0x200, $0x38;
	[tilespmem:$0x1A800] =	vst v63  }
0x13: {  	_ =	swait.ge [sflag:s12], $0x200  }
0x14: {  	[sflag:s12] =	ssyncset.done $0x0  }
0x15: {  	[sflag:s12] =	ssyncadd.s32 $0xFFFFFE00  }
0x16: {  	_ =	swait.ge [sflag:s12], $0x200  }
0x17: {  	[sflag:s12] =	ssyncset.done $0x0  }
0x18: {  	[sflag:s12] =	ssyncadd.s32 $0xFFFFFE00  }
0x19: {  	_ =	swait.ge [sflag:s12], $0x200  }
0x1a: {  	[sflag:s12] =	ssyncset.done $0x0  }
0x1b: {  	s0 =	simm.s32 $0x600;
	[sflag:s12] =	ssyncadd.s32 $0xFFFFFE00  }
0x1c: {  	[tilespmem:s0], [sflag:$0x1] =	stream.indirect.gather [hbm4b:s3+s13], $0x40, s2, s13, $0xb8;
	[tilespmem:$0x1A800] =	vst v63  }
0x1d: {  	s25 =	simm.s32 $0x2600  }
0x1e: {  	[tilespmem:s25], [sflag:$0x1] =	stream.indirect.gather [hbm4b:s4+s13], $0x40, s10, s13, $0xb8;
	[tilespmem:$0x1A800] =	vst v63  }
0x1f: {  	s26 =	simm.s32 $0x4600  }
0x20: {  	[tilespmem:s26], [sflag:$0x1] =	stream.indirect.gather [hbm4b:s3+s13], $0x40, s11, s13, $0xb8;
	[tilespmem:$0x1A800] =	vst v63  }
0x21: {  	s29 =	simm.s32 $0x6600  }
0x22: {  	[tilespmem:s29], [sflag:$0x2] =	stream.indirect.gather [hbm4b:s3+s13], $0x40, s13, s13, $0xb8;
	[tilespmem:$0x1A800] =	vst v63  }
0x23: {  	s31 =	simm.s32 $0x280;
	s23 =	simm.s32 $0x8600  }
0x24: {  	[tilespmem:s23], [sflag:$0x2] =	stream.indirect.gather [hbm4b:s4+s13], $0x40, s31, s13, $0xb8;
	[tilespmem:$0x1A800] =	vst v63  }
0x25: {  	s24 =	simm.s32 $0x480;
	s25 =	simm.s32 $0xA600  }
0x26: {  	[tilespmem:s25], [sflag:$0x2] =	stream.indirect.gather [hbm4b:s3+s13], $0x40, s24, s13, $0xb8;
	[tilespmem:$0x1A800] =	vst v63  }
0x27: {  	_ =	swait.ge [sflag:s12], $0x2000  }
0x28: {  	[sflag:s12] =	ssyncset.done $0x0  }
0x29: {  	[sflag:s12] =	ssyncadd.s32 $0xFFFFE000  }
0x2a: {  	_ =	swait.ge [sflag:s12], $0x2000  }
0x2b: {  	[sflag:s12] =	ssyncset.done $0x0  }
0x2c: {  	[sflag:s12] =	ssyncadd.s32 $0xFFFFE000  }
0x2d: {  	_ =	swait.ge [sflag:s12], $0x2000  }
0x2e: {  	[sflag:s12] =	ssyncset.done $0x0  }
0x2f: {  	s26 =	simm.s32 $0x4700;
	[sflag:s12] =	ssyncadd.s32 $0xFFFFE000  }
0x30: {  	v1 =	vld [tilespmem:s26+$0xE0]  }
0x31: {  	v2 =	vld [tilespmem:s26+$0xD0]  }
0x32: {  	s25 =	simm.s32 $0x700;
	v3 =	vld [tilespmem:s26+$0xC0]  }
0x33: {  	s24 =	simm.s32 $0x2700;
	v4 =	vld [tilespmem:s25+$0xC0]  }
0x34: {  	v5 =	vld [tilespmem:s24+$0xC0]  }
0x35: {  	v6 =	vld [tilespmem:s25+$0xD0]  }
0x36: {  	v7 =	vld [tilespmem:s24+$0xD0]  }
0x37: {  	v8 =	vld [tilespmem:s25+$0xE0]  }
0x38: {  	v9 =	vld [tilespmem:s24+$0xE0]  }
0x39: {  	v10 =	vld [tilespmem:s25+$0xF0]  }
0x3a: {  	v11 =	vld [tilespmem:s24+$0xF0]  }
0x3b: {  	v12 =	vld [tilespmem:s24+$0xFFFFFF00]  }
0x3c: {  	v13 =	vld [tilespmem:s26+$0xF0]  }
0x3d: {  	v14 =	vld [tilespmem:s25+$0xFFFFFF40]  }
0x3e: {  	v15 =	vld [tilespmem:s24+$0xFFFFFF40]  }
0x3f: {  	v16 =	vld [tilespmem:s25+$0xFFFFFF80]  }
0x40: {  	v17 =	vld [tilespmem:s24+$0xFFFFFF80]  }
0x41: {  	v18 =	vld [tilespmem:s25+$0xFFFFFFC0]  }
0x42: {  	v19 =	vld [tilespmem:s24+$0xFFFFFFC0]  }
0x43: {  	v20 =	vld [tilespmem:s25+$0x0]  }
0x44: {  	v21 =	vld [tilespmem:s24+$0x0]  }
0x45: {  	v22 =	vld [tilespmem:s25+$0x40]  }
0x46: {  	v23 =	vld [tilespmem:s24+$0x40]  }
0x47: {  	v24 =	vld [tilespmem:s25+$0x80]  }
0x48: {  	v25 =	vld [tilespmem:s24+$0x80]  }
0x49: {  	v26 =	vld [tilespmem:s25+$0xFFFFFF00]  }
0x4a: {  	v27 =	vld [tilespmem:s26+$0xFFFFFF00]  }
0x4b: {  	v28 =	vld [tilespmem:s25+$0xFFFFFF10]  }
0x4c: {  	v29 =	vld [tilespmem:s24+$0xFFFFFF10]  }
0x4d: {  	v30 =	vld [tilespmem:s26+$0xFFFFFF40]  }
0x4e: {  	v31 =	vld [tilespmem:s25+$0xFFFFFF50]  }
0x4f: {  	v32 =	vld [tilespmem:s24+$0xFFFFFF50]  }
0x50: {  	v33 =	vld [tilespmem:s26+$0xFFFFFF80]  }
0x51: {  	v34 =	vld [tilespmem:s25+$0xFFFFFF90]  }
0x52: {  	v35 =	vld [tilespmem:s24+$0xFFFFFF90]  }
0x53: {  	v36 =	vld [tilespmem:s26+$0xFFFFFFC0]  }
0x54: {  	v37 =	vld [tilespmem:s25+$0xFFFFFFD0]  }
0x55: {  	v38 =	vld [tilespmem:s24+$0xFFFFFFD0]  }
0x56: {  	v39 =	vld [tilespmem:s26+$0x0]  }
0x57: {  	v40 =	vld [tilespmem:s25+$0x10]  }
0x58: {  	v41 =	vld [tilespmem:s24+$0x10]  }
0x59: {  	v42 =	vld [tilespmem:s26+$0x40]  }
0x5a: {  	v43 =	vld [tilespmem:s25+$0x50]  }
0x5b: {  	v44 =	vld [tilespmem:s24+$0x50]  }
0x5c: {  	v45 =	vld [tilespmem:s26+$0x80]  }
0x5d: {  	v46 =	vld [tilespmem:s25+$0x90]  }
0x5e: {  	v47 =	vld [tilespmem:s24+$0x90]  }
0x5f: {  	v48 =	vld [tilespmem:s26+$0xFFFFFF10]  }
0x60: {  	v49 =	vld [tilespmem:s25+$0xFFFFFF20]  }
0x61: {  	v50 =	vld [tilespmem:s24+$0xFFFFFF20]  }
0x62: {  	v51 =	vld [tilespmem:s26+$0xFFFFFF50]  }
0x63: {  	v52 =	vld [tilespmem:s25+$0xFFFFFF60]  }
0x64: {  	v53 =	vld [tilespmem:s24+$0xFFFFFF60]  }
0x65: {  	v54 =	vld [tilespmem:s26+$0xFFFFFF90]  }
0x66: {  	v55 =	vld [tilespmem:s25+$0xFFFFFFA0]  }
0x67: {  	v56 =	vld [tilespmem:s24+$0xFFFFFFA0]  }
0x68: {  	v57 =	vld [tilespmem:s26+$0xFFFFFFD0]  }
0x69: {  	v58 =	vld [tilespmem:s25+$0xFFFFFFE0]  }
0x6a: {  	v59 =	vld [tilespmem:s24+$0xFFFFFFE0]  }
0x6b: {  	v60 =	vld [tilespmem:s26+$0x10]  }
0x6c: {  	v61 =	vld [tilespmem:s24+$0x20]  }
0x6d: {  	v4 =	vadd.f32 v5, v4;
	v5 =	vld [tilespmem:s25+$0x20]  }
0x6e: {  	v62 =	vadd.f32 v32, v31;
	v32 =	vld [tilespmem:s26+$0xFFFFFFE0]  }
0x6f: {  	v31 =	vadd.f32 v47, v46;
	v46 =	vld [tilespmem:s24+$0x30]  }
0x70: {  	v12 =	vadd.f32 v12, v26;
	v3 =	vmul.f32 v3, v4;
	v4 =	vadd.f32 v7, v6;
	v6 =	vld [tilespmem:s26+$0x50]  }
0x71: {  	v7 =	vld [tilespmem:s25+$0x60]  }
0x72: {  	v12 =	vmul.f32 v27, v12;
	v27 =	vld [tilespmem:s25+$0xFFFFFFB0]  }
0x73: {  	v51 =	vmul.f32 v51, v62;
	v62 =	vadd.f32 v50, v49;
	v49 =	vld [tilespmem:s25+$0x70]  }
0x74: {  	v63 =	vadd.f32 v35, v34;
	v38 =	vadd.f32 v38, v37;
	v50 =	vld [tilespmem:s24+$0x70]  }
0x75: {  	v3 =	vadd.f32 $0.0e+00, v3;
	v2 =	vmul.f32 v2, v4;
	v4 =	vadd.f32 v9, v8;
	v8 =	vld [tilespmem:s24+$0x60]  }
0x76: {  	v47 =	vadd.f32 v59, v58;
	v9 =	vld [tilespmem:s26+$0x90];
	v12 =	vadd.f32 $0.0e+00, v12  }
0x77: {  	v5 =	vadd.f32 v61, v5;
	v2 =	vadd.f32 v2, v3;
	v1 =	vmul.f32 v1, v4;
	v4 =	vld [tilespmem:s25+$0xA0]  }
0x78: {  	v3 =	vadd.f32 v11, v10;
	v10 =	vld [tilespmem:s24+$0xA0];
	v11 =	vadd.f32 v15, v14  }
0x79: {  	v14 =	vld [tilespmem:s24+$0xFFFFFF30];
	v15 =	vadd.f32 v19, v18;
	v18 =	vadd.f32 v23, v22  }
0x7a: {  	v19 =	vld [tilespmem:s25+$0xFFFFFF70];
	v59 =	vadd.f32 v50, v49;
	v1 =	vadd.f32 v1, v2  }
0x7b: {  	v22 =	vld [tilespmem:s24+$0xFFFFFF70];
	v2 =	vmul.f32 v13, v3;
	v11 =	vmul.f32 v30, v11;
	v30 =	vadd.f32 v44, v43  }
0x7c: {  	v23 =	vld [tilespmem:s25+$0xFFFFFFF0];
	v15 =	vmul.f32 v36, v15;
	v44 =	vadd.f32 v56, v55;
	v7 =	vadd.f32 v8, v7  }
0x7d: {  	v3 =	vld [tilespmem:s26+$0xFFFFFF20];
	v18 =	vmul.f32 v42, v18;
	v1 =	vadd.f32 v2, v1;
	v2 =	vadd.f32 v17, v16  }
0x7e: {  	v13 =	vld [tilespmem:s25+$0xFFFFFF30];
	v42 =	vmul.f32 v57, v38;
	v17 =	vadd.f32 v21, v20;
	v20 =	vadd.f32 v25, v24  }
0x7f: {  	v43 =	vld [tilespmem:s25+$0x30];
	v9 =	vmul.f32 v9, v31;
	v21 =	vadd.f32 v29, v28;
	v28 =	vadd.f32 v41, v40  }
0x80: {  	v55 =	vld [tilespmem:s26+$0xFFFFFFB0];
	v11 =	vadd.f32 $0.0e+00, v11;
	v25 =	vmul.f32 v54, v63;
	v40 =	vadd.f32 v53, v52  }
0x81: {  	v57 =	vld [tilespmem:s26+$0xFFFFFFF0];
	v15 =	vadd.f32 $0.0e+00, v15;
	v18 =	vadd.f32 $0.0e+00, v18;
	v6 =	vmul.f32 v6, v30  }
0x82: {  	v8 =	vld [tilespmem:s26+$0xA0];
	v4 =	vadd.f32 v10, v4;
	v2 =	vmul.f32 v33, v2;
	v21 =	vmul.f32 v48, v21  }
0x83: {  	v63 =	vld [tilespmem:s24+$0xFFFFFFF0];
	v17 =	vmul.f32 v39, v17;
	v11 =	vadd.f32 v51, v11;
	v28 =	vmul.f32 v60, v28  }
0x84: {  	v41 =	vld [tilespmem:s26+$0x20];
	v20 =	vmul.f32 v45, v20;
	v15 =	vadd.f32 v42, v15;
	v6 =	vadd.f32 v6, v18  }
0x85: {  	s31 =	simm.s32 $0x1;
	v16 =	vld [tilespmem:s26+$0xFFFFFF60];
	v51 =	vmul.f32 v32, v47;
	v56 =	vadd.f32 v46, v43;
	v12 =	vadd.f32 v21, v12  }
0x86: {  	v48 =	vld [tilespmem:s26+$0x60];
	v60 =	vor.u32 s31, v0;
	v2 =	vadd.f32 $0.0e+00, v2;
	v17 =	vadd.f32 $0.0e+00, v17  }
0x87: {  	v24 =	vld [tilespmem:s26+$0xFFFFFFA0];
	v3 =	vmul.f32 v3, v62;
	v20 =	vadd.f32 $0.0e+00, v20;
	v15 =	vadd.f32 v51, v15  }
0x88: {  	v52 =	vld [tilespmem:s26+$0xFFFFFF30];
	v4 =	vmul.f32 v8, v4;
	v54 =	vadd.f32 v63, v23;
	v2 =	vadd.f32 v25, v2  }
0x89: {  	v29 =	vld [tilespmem:s24+$0xFFFFFFB0];
	v5 =	vmul.f32 v41, v5;
	v17 =	vadd.f32 v28, v17;
	v9 =	vadd.f32 v9, v20  }
0x8a: {  	s29 =	simm.s32 $0x7;
	v53 =	vld [tilespmem:s26+$0xFFFFFF70];
	v10 =	vmul.f32 v16, v40;
	v3 =	vadd.f32 v3, v12;
	v12 =	vadd.f32 v14, v13  }
0x8b: {  	v16 =	vld [tilespmem:s25+$0xB0];
	v7 =	vmul.f32 v48, v7;
	v17 =	vadd.f32 v5, v17;
	v5 =	vor.u32 s29, v0  }
0x8c: {  	v13 =	vmul.f32 v24, v44;
	v14 =	vld [tilespmem:s24+$0xB0];
	v11 =	vadd.f32 v10, v11;
	v10 =	vadd.f32 v22, v19  }
0x8d: {  	v58 =	vld [tilespmem:s26+$0x30];
	s24 =	simm.s32 $0x2;
	v12 =	vmul.f32 v52, v12;
	v7 =	vadd.f32 v7, v6;
	v6 =	vor.u32 s2, v0  }
0x8e: {  	v61 =	vld [tilespmem:s26+$0x70];
	v62 =	vor.u32 s24, v0;
	v13 =	vadd.f32 v13, v2;
	v2 =	vadd.f32 v29, v27  }
0x8f: {  	s23 =	simm.s32 $0x4900;
	v63 =	vld [tilespmem:s26+$0xB0];
	s25 =	simm.s32 $0x3;
	s26 =	simm.s32 $0x4;
	v8 =	vadd.f32 v4, v9;
	v4 =	vmul.f32 v53, v10;
	v3 =	vadd.f32 v12, v3  }
0x90: {  	v9 =	vld [tilespmem:s23+$0xE0];
	v12 =	vmul.f32 v55, v2;
	v2 =	vor.u32 s26, v0;
	[tilespmem:v5+s22+$0x0] =	vst.idx.msk $0xffff, v1;
	v1 =	vor.u32 s25, v0  }
0x91: {  	s29 =	simm.s32 $0x5;
	v10 =	vld [tilespmem:s23+$0xD0];
	v14 =	vadd.f32 v14, v16;
	v4 =	vadd.f32 v4, v11;
	v5 =	vmul.f32 v57, v54  }
0x92: {  	s31 =	simm.s32 $0x6;
	v11 =	vld [tilespmem:s23+$0xC0];
	v16 =	vmul.f32 v58, v56;
	s25 =	simm.s32 $0x900;
	[tilespmem:v6+s22+$0x0] =	vst.idx.msk $0xffff, v3;
	v6 =	vadd.f32 v12, v13;
	v3 =	vor.u32 s29, v0  }
0x93: {  	s26 =	simm.s32 $0x2900;
	[tilespmem:v60+s22+$0x0] =	vst.idx.msk $0xffff, v4;
	v4 =	vor.u32 s31, v0;
	v13 =	vld [tilespmem:s25+$0xC0];
	v12 =	vmul.f32 v61, v59;
	v5 =	vadd.f32 v5, v15  }
0x94: {  	s28 =	simm.s32 $0x10;
	s24 =	simm.s32 $0x8;
	v14 =	vmul.f32 v63, v14;
	v15 =	vld [tilespmem:s26+$0xC0];
	[tilespmem:v62+s22+$0x0] =	vst.idx.msk $0xffff, v6;
	v6 =	vadd.f32 v16, v17  }
.LBB2_2:
0x95: {  	p0 =	slt.u32 s28, $0x78;
	v16 =	vld [tilespmem:s25+$0xD0];
	[tilespmem:v1+s22+$0x0] =	vst.idx.msk $0xffff, v5;
	v1 =	vadd.f32 v12, v7  }
0x96: {  	v5 =	vld [tilespmem:s26+$0xD0];
	[tilespmem:v2+s22+$0x0] =	vst.idx.msk $0xffff, v6;
	v2 =	vadd.f32 v14, v8  }
0x97: {  	v6 =	vld [tilespmem:s25+$0xE0];
	[tilespmem:v3+s22+$0x0] =	vst.idx.msk $0xffff, v1  }
0x98: {  	v1 =	vld [tilespmem:s26+$0xE0];
	[tilespmem:v4+s22+$0x0] =	vst.idx.msk $0xffff, v2  }
0x99: {  	v2 =	vadd.f32 v15, v13;
	v3 =	vld [tilespmem:s25+$0xF0]  }
0x9a: {  	v4 =	vld [tilespmem:s26+$0xF0]  }
0x9b: {  	v7 =	vld [tilespmem:s26+$0xFFFFFF00];
	v2 =	vmul.f32 v11, v2;
	v5 =	vadd.f32 v5, v16  }
0x9c: {  	v8 =	vld [tilespmem:s23+$0xF0]  }
0x9d: {  	v11 =	vld [tilespmem:s25+$0xFFFFFF40];
	v2 =	vadd.f32 $0.0e+00, v2;
	v5 =	vmul.f32 v10, v5;
	v1 =	vadd.f32 v1, v6  }
0x9e: {  	v6 =	vld [tilespmem:s26+$0xFFFFFF40]  }
0x9f: {  	s0 =	sadd.s32 $0x7, s24;
	v10 =	vld [tilespmem:s25+$0xFFFFFF80];
	v2 =	vadd.f32 v5, v2;
	v1 =	vmul.f32 v9, v1;
	v3 =	vadd.f32 v4, v3  }
0xa0: {  	v5 =	vor.u32 s0, v0;
	v4 =	vld [tilespmem:s26+$0xFFFFFF80]  }
0xa1: {  	v9 =	vld [tilespmem:s25+$0xFFFFFFC0];
	v1 =	vadd.f32 v1, v2;
	v2 =	vmul.f32 v8, v3  }
0xa2: {  	v3 =	vld [tilespmem:s26+$0xFFFFFFC0]  }
0xa3: {  	v6 =	vadd.f32 v6, v11;
	v8 =	vld [tilespmem:s25+$0x0];
	v1 =	vadd.f32 v2, v1  }
0xa4: {  	v2 =	vld [tilespmem:s26+$0x0]  }
0xa5: {  	v4 =	vadd.f32 v4, v10;
	v10 =	vld [tilespmem:s25+$0x40];
	[tilespmem:v5+s22+$0x0] =	vst.idx.msk $0xffff, v1  }
0xa6: {  	v1 =	vld [tilespmem:s26+$0x40]  }
0xa7: {  	v3 =	vadd.f32 v3, v9;
	v5 =	vld [tilespmem:s25+$0x80]  }
0xa8: {  	v9 =	vld [tilespmem:s26+$0x80]  }
0xa9: {  	v11 =	vld [tilespmem:s25+$0xFFFFFF00];
	v2 =	vadd.f32 v2, v8  }
0xaa: {  	v8 =	vld [tilespmem:s23+$0xFFFFFF00]  }
0xab: {  	v12 =	vld [tilespmem:s25+$0xFFFFFF10];
	v1 =	vadd.f32 v1, v10  }
0xac: {  	v10 =	vld [tilespmem:s26+$0xFFFFFF10]  }
0xad: {  	v13 =	vld [tilespmem:s23+$0xFFFFFF40];
	v5 =	vadd.f32 v9, v5  }
0xae: {  	v7 =	vadd.f32 v7, v11;
	v9 =	vld [tilespmem:s25+$0xFFFFFF50]  }
0xaf: {  	v11 =	vld [tilespmem:s26+$0xFFFFFF50]  }
0xb0: {  	v7 =	vmul.f32 v8, v7;
	v8 =	vld [tilespmem:s23+$0xFFFFFF80]  }
0xb1: {  	v10 =	vadd.f32 v10, v12;
	v12 =	vld [tilespmem:s25+$0xFFFFFF90]  }
0xb2: {  	v7 =	vadd.f32 $0.0e+00, v7;
	v6 =	vmul.f32 v13, v6;
	v13 =	vld [tilespmem:s26+$0xFFFFFF90]  }
0xb3: {  	v14 =	vld [tilespmem:s23+$0xFFFFFFC0]  }
0xb4: {  	v6 =	vadd.f32 $0.0e+00, v6;
	v9 =	vadd.f32 v11, v9;
	v11 =	vld [tilespmem:s25+$0xFFFFFFD0]  }
0xb5: {  	v4 =	vmul.f32 v8, v4;
	v8 =	vld [tilespmem:s26+$0xFFFFFFD0]  }
0xb6: {  	v15 =	vld [tilespmem:s23+$0x0]  }
0xb7: {  	v4 =	vadd.f32 $0.0e+00, v4;
	v12 =	vadd.f32 v13, v12;
	v13 =	vld [tilespmem:s25+$0x10]  }
0xb8: {  	v3 =	vmul.f32 v14, v3;
	v14 =	vld [tilespmem:s26+$0x10]  }
0xb9: {  	v16 =	vld [tilespmem:s23+$0x40]  }
0xba: {  	v3 =	vadd.f32 $0.0e+00, v3;
	v8 =	vadd.f32 v8, v11;
	v11 =	vld [tilespmem:s25+$0x50]  }
0xbb: {  	v2 =	vmul.f32 v15, v2;
	v15 =	vld [tilespmem:s26+$0x50]  }
0xbc: {  	v17 =	vld [tilespmem:s23+$0x80]  }
0xbd: {  	v2 =	vadd.f32 $0.0e+00, v2;
	v13 =	vadd.f32 v14, v13;
	v14 =	vld [tilespmem:s25+$0x90]  }
0xbe: {  	v1 =	vmul.f32 v16, v1;
	v16 =	vld [tilespmem:s26+$0x90]  }
0xbf: {  	v18 =	vld [tilespmem:s23+$0xFFFFFF10]  }
0xc0: {  	v19 =	vld [tilespmem:s25+$0xFFFFFF20];
	v1 =	vadd.f32 $0.0e+00, v1;
	v11 =	vadd.f32 v15, v11  }
0xc1: {  	v15 =	vld [tilespmem:s26+$0xFFFFFF20];
	v5 =	vmul.f32 v17, v5  }
0xc2: {  	v17 =	vld [tilespmem:s23+$0xFFFFFF50]  }
0xc3: {  	v20 =	vld [tilespmem:s25+$0xFFFFFF60];
	v5 =	vadd.f32 $0.0e+00, v5;
	v14 =	vadd.f32 v16, v14  }
0xc4: {  	v10 =	vmul.f32 v18, v10;
	v16 =	vld [tilespmem:s26+$0xFFFFFF60]  }
0xc5: {  	v18 =	vld [tilespmem:s23+$0xFFFFFF90]  }
0xc6: {  	v7 =	vadd.f32 v10, v7;
	v10 =	vadd.f32 v15, v19;
	v15 =	vld [tilespmem:s25+$0xFFFFFFA0]  }
0xc7: {  	v9 =	vmul.f32 v17, v9;
	v17 =	vld [tilespmem:s26+$0xFFFFFFA0]  }
0xc8: {  	v19 =	vld [tilespmem:s23+$0xFFFFFFD0]  }
0xc9: {  	v6 =	vadd.f32 v9, v6;
	v9 =	vadd.f32 v16, v20;
	v16 =	vld [tilespmem:s25+$0xFFFFFFE0]  }
0xca: {  	v12 =	vmul.f32 v18, v12;
	v18 =	vld [tilespmem:s26+$0xFFFFFFE0]  }
0xcb: {  	v20 =	vld [tilespmem:s23+$0x10]  }
0xcc: {  	v4 =	vadd.f32 v12, v4;
	v12 =	vadd.f32 v17, v15;
	v15 =	vld [tilespmem:s25+$0x20]  }
0xcd: {  	v8 =	vmul.f32 v19, v8;
	v17 =	vld [tilespmem:s26+$0x20]  }
0xce: {  	v19 =	vld [tilespmem:s23+$0x50]  }
0xcf: {  	v3 =	vadd.f32 v8, v3;
	v8 =	vadd.f32 v18, v16;
	v16 =	vld [tilespmem:s25+$0x60]  }
0xd0: {  	v13 =	vmul.f32 v20, v13;
	v18 =	vld [tilespmem:s26+$0x60]  }
0xd1: {  	v20 =	vld [tilespmem:s23+$0x90]  }
0xd2: {  	v2 =	vadd.f32 v13, v2;
	v13 =	vadd.f32 v17, v15;
	v15 =	vld [tilespmem:s25+$0xA0]  }
0xd3: {  	v11 =	vmul.f32 v19, v11;
	v17 =	vld [tilespmem:s26+$0xA0]  }
0xd4: {  	v19 =	vld [tilespmem:s23+$0xFFFFFF20]  }
0xd5: {  	v21 =	vld [tilespmem:s25+$0xFFFFFF30];
	v1 =	vadd.f32 v11, v1;
	v11 =	vadd.f32 v18, v16  }
0xd6: {  	v16 =	vld [tilespmem:s26+$0xFFFFFF30];
	v14 =	vmul.f32 v20, v14  }
0xd7: {  	v18 =	vld [tilespmem:s23+$0xFFFFFF60]  }
0xd8: {  	v20 =	vld [tilespmem:s25+$0xFFFFFF70];
	v5 =	vadd.f32 v14, v5;
	v14 =	vadd.f32 v17, v15  }
0xd9: {  	v10 =	vmul.f32 v19, v10;
	v15 =	vld [tilespmem:s26+$0xFFFFFF70]  }
0xda: {  	v17 =	vld [tilespmem:s23+$0xFFFFFFA0]  }
0xdb: {  	v10 =	vadd.f32 v10, v7;
	v16 =	vadd.f32 v16, v21;
	v7 =	vld [tilespmem:s25+$0xFFFFFFB0]  }
0xdc: {  	v9 =	vmul.f32 v18, v9;
	v18 =	vld [tilespmem:s26+$0xFFFFFFB0]  }
0xdd: {  	v19 =	vld [tilespmem:s23+$0xFFFFFFE0]  }
0xde: {  	v6 =	vadd.f32 v9, v6;
	v9 =	vadd.f32 v15, v20;
	v15 =	vld [tilespmem:s25+$0xFFFFFFF0]  }
0xdf: {  	v12 =	vmul.f32 v17, v12;
	v17 =	vld [tilespmem:s26+$0xFFFFFFF0]  }
0xe0: {  	v20 =	vld [tilespmem:s23+$0x20]  }
0xe1: {  	v4 =	vadd.f32 v12, v4;
	v12 =	vadd.f32 v18, v7;
	v7 =	vld [tilespmem:s25+$0x30]  }
0xe2: {  	v8 =	vmul.f32 v19, v8;
	v18 =	vld [tilespmem:s26+$0x30]  }
0xe3: {  	v19 =	vld [tilespmem:s23+$0x60]  }
0xe4: {  	v21 =	vadd.f32 v8, v3;
	v3 =	vadd.f32 v17, v15;
	v8 =	vld [tilespmem:s25+$0x70]  }
0xe5: {  	v13 =	vmul.f32 v20, v13;
	v15 =	vld [tilespmem:s26+$0x70]  }
0xe6: {  	v17 =	vld [tilespmem:s23+$0xA0]  }
0xe7: {  	v20 =	vadd.f32 v13, v2;
	v13 =	vadd.f32 v18, v7;
	v2 =	vld [tilespmem:s25+$0xB0]  }
0xe8: {  	v7 =	vmul.f32 v19, v11;
	v11 =	vld [tilespmem:s26+$0xB0]  }
0xe9: {  	v18 =	vld [tilespmem:s23+$0xFFFFFF30]  }
0xea: {  	v19 =	vld [tilespmem:s23+$0xFFFFFF70];
	v7 =	vadd.f32 v7, v1;
	v15 =	vadd.f32 v15, v8  }
0xeb: {  	v1 =	vld [tilespmem:s23+$0xFFFFFFB0];
	v8 =	vmul.f32 v17, v14  }
0xec: {  	v14 =	vld [tilespmem:s23+$0xFFFFFFF0]  }
0xed: {  	s0 =	sadd.s32 $0x1, s24;
	v17 =	vor.u32 s24, v0;
	v22 =	vld [tilespmem:s23+$0x30];
	v8 =	vadd.f32 v8, v5;
	v23 =	vadd.f32 v11, v2  }
0xee: {  	v5 =	vor.u32 s0, v0;
	s0 =	sadd.s32 $0x2, s24;
	v2 =	vmul.f32 v18, v16;
	v16 =	vld [tilespmem:s23+$0x70]  }
0xef: {  	v18 =	vor.u32 s0, v0;
	s0 =	sadd.s32 $0x3, s24;
	v11 =	vmul.f32 v19, v9;
	v19 =	vld [tilespmem:s23+$0xB0];
	s23 =	sadd.s32 $0x200, s23  }
.Ltmp0:
0xf0: {  	v9 =	vld [tilespmem:s23+$0xE0];
	v24 =	vadd.f32 v2, v10;
	v12 =	vmul.f32 v1, v12;
	v1 =	vor.u32 s0, v0;
	s0 =	sadd.s32 $0x4, s24;
	(pc) =	sbr.rel @p0 .LBB2_2-.Ltmp0, $4  }
0xf1: {  	v10 =	vld [tilespmem:s23+$0xD0];
	v6 =	vadd.f32 v11, v6;
	v14 =	vmul.f32 v14, v3;
	v2 =	vor.u32 s0, v0;
	s0 =	sadd.s32 $0x5, s24  }
0xf2: {  	s25 =	sadd.s32 $0x200, s25;
	v11 =	vld [tilespmem:s23+$0xC0];
	[tilespmem:v17+s22+$0x0] =	vst.idx.msk $0xffff, v24;
	v17 =	vadd.f32 v12, v4;
	v22 =	vmul.f32 v22, v13;
	v3 =	vor.u32 s0, v0;
	s0 =	sadd.s32 $0x6, s24;
	s24 =	smov.u32 s28  }
0xf3: {  	s26 =	sadd.s32 $0x200, s26;
	v13 =	vld [tilespmem:s25+$0xC0];
	[tilespmem:v5+s22+$0x0] =	vst.idx.msk $0xffff, v6;
	v5 =	vadd.f32 v14, v21;
	v12 =	vmul.f32 v16, v15;
	v4 =	vor.u32 s0, v0  }
0xf4: {  	s28 =	sadd.s32 $0x8, s28;
	v15 =	vld [tilespmem:s26+$0xC0];
	[tilespmem:v18+s22+$0x0] =	vst.idx.msk $0xffff, v17;
	v6 =	vadd.f32 v22, v20;
	v14 =	vmul.f32 v19, v23  }
0xf5: {  	v16 =	vld [tilespmem:s25+$0xD0]  }
0xf6: {  	v17 =	vld [tilespmem:s26+$0xD0]  }
0xf7: {  	v18 =	vld [tilespmem:s25+$0xE0]  }
0xf8: {  	v19 =	vld [tilespmem:s26+$0xE0]  }
0xf9: {  	v20 =	vld [tilespmem:s25+$0xF0]  }
0xfa: {  	v21 =	vld [tilespmem:s26+$0xF0]  }
0xfb: {  	v56 =	vld [tilespmem:s26+$0xFFFFFF00]  }
0xfc: {  	v23 =	vld [tilespmem:s23+$0xF0]  }
0xfd: {  	v24 =	vld [tilespmem:s25+$0xFFFFFF40]  }
0xfe: {  	v25 =	vld [tilespmem:s26+$0xFFFFFF40]  }
0xff: {  	v26 =	vld [tilespmem:s25+$0xFFFFFF80]  }
0x100: {  	v27 =	vld [tilespmem:s26+$0xFFFFFF80]  }
0x101: {  	v28 =	vld [tilespmem:s25+$0xFFFFFFC0]  }
0x102: {  	v29 =	vld [tilespmem:s26+$0xFFFFFFC0]  }
0x103: {  	v30 =	vld [tilespmem:s25+$0x0]  }
0x104: {  	v31 =	vld [tilespmem:s26+$0x0]  }
0x105: {  	v32 =	vld [tilespmem:s25+$0x40]  }
0x106: {  	v33 =	vld [tilespmem:s26+$0x40]  }
0x107: {  	v34 =	vld [tilespmem:s25+$0x80]  }
0x108: {  	v35 =	vld [tilespmem:s26+$0x80]  }
0x109: {  	v36 =	vld [tilespmem:s25+$0xFFFFFF00]  }
0x10a: {  	v37 =	vld [tilespmem:s23+$0xFFFFFF00]  }
0x10b: {  	v38 =	vld [tilespmem:s25+$0xFFFFFF10]  }
0x10c: {  	v39 =	vld [tilespmem:s26+$0xFFFFFF10]  }
0x10d: {  	v40 =	vld [tilespmem:s23+$0xFFFFFF40]  }
0x10e: {  	v41 =	vld [tilespmem:s25+$0xFFFFFF50]  }
0x10f: {  	v42 =	vld [tilespmem:s26+$0xFFFFFF50]  }
0x110: {  	v43 =	vld [tilespmem:s23+$0xFFFFFF80]  }
0x111: {  	v44 =	vld [tilespmem:s25+$0xFFFFFF90]  }
0x112: {  	v45 =	vld [tilespmem:s26+$0xFFFFFF90]  }
0x113: {  	v46 =	vld [tilespmem:s23+$0xFFFFFFC0]  }
0x114: {  	v47 =	vld [tilespmem:s25+$0xFFFFFFD0]  }
0x115: {  	v48 =	vld [tilespmem:s26+$0xFFFFFFD0]  }
0x116: {  	v49 =	vld [tilespmem:s23+$0x0]  }
0x117: {  	v50 =	vld [tilespmem:s25+$0x10]  }
0x118: {  	v51 =	vld [tilespmem:s26+$0x10]  }
0x119: {  	v52 =	vld [tilespmem:s23+$0x40]  }
0x11a: {  	v59 =	vld [tilespmem:s25+$0x50]  }
0x11b: {  	v22 =	vld [tilespmem:s25+$0xFFFFFF20]  }
0x11c: {  	v54 =	vld [tilespmem:s26+$0x50]  }
0x11d: {  	v55 =	vld [tilespmem:s23+$0x80]  }
0x11e: {  	v62 =	vld [tilespmem:s25+$0x90]  }
0x11f: {  	v57 =	vld [tilespmem:s26+$0x90]  }
0x120: {  	v58 =	vld [tilespmem:s23+$0xFFFFFF10];
	[tilespmem:$0x1FF90] =	vst v22  }
0x121: {  	v22 =	vld [tilespmem:s25+$0xFFFFFF60];
	_ =	sdelay $0x3  }
0x122: {  	v60 =	vld [tilespmem:s26+$0xFFFFFF20]  }
0x123: {  	v61 =	vld [tilespmem:s23+$0xFFFFFF50];
	[tilespmem:$0x1FFA0] =	vst v22  }
0x124: {  	v22 =	vld [tilespmem:s26+$0xFFFFFF60];
	_ =	sdelay $0x4  }
0x125: {  	[tilespmem:$0x1FFB0] =	vst v22  }
0x126: {  	v53 =	vld [tilespmem:s25+$0xFFFFFFA0];
	_ =	sdelay $0x4  }
0x127: {  	v22 =	vld [tilespmem:s23+$0xFFFFFF90];
	[tilespmem:$0x1FFC0] =	vst v53  }
0x128: {  	v53 =	vld [tilespmem:s26+$0xFFFFFFA0];
	_ =	sdelay $0x1  }
0x129: {  	v13 =	vadd.f32 v15, v13;
	_ =	sdelay $0x1  }
0x12a: {  	v8 =	vadd.f32 v14, v8;
	v11 =	vmul.f32 v11, v13;
	v13 =	vadd.f32 v17, v16  }
0x12b: {  	v14 =	vadd.f32 v25, v24;
	v25 =	vadd.f32 v31, v30;
	[tilespmem:$0x1FFD0] =	vst v53  }
0x12c: {  	v10 =	vmul.f32 v10, v13;
	v13 =	vadd.f32 v19, v18;
	v11 =	vadd.f32 $0.0e+00, v11;
	v63 =	vld [tilespmem:s25+$0xFFFFFFE0]  }
0x12d: {  	v36 =	vadd.f32 v56, v36;
	v56 =	vadd.f32 v39, v38  }
0x12e: {  	v10 =	vadd.f32 v10, v11;
	v9 =	vmul.f32 v9, v13;
	v11 =	vadd.f32 v21, v20  }
0x12f: {  	v31 =	vmul.f32 v58, v56;
	v56 =	vadd.f32 v57, v62;
	v21 =	vadd.f32 v27, v26  }
0x130: {  	v57 =	vld [tilespmem:$0x1FF90];
	v9 =	vadd.f32 v9, v10;
	v10 =	vmul.f32 v23, v11;
	v23 =	vadd.f32 v29, v28  }
0x131: {  	v29 =	vadd.f32 v35, v34;
	v21 =	vmul.f32 v43, v21;
	v34 =	vadd.f32 v45, v44;
	v53 =	vld [tilespmem:s23+$0xFFFFFFD0];
	[tilespmem:$0x1FFE0] =	vst v63  }
0x132: {  	v26 =	vmul.f32 v37, v36;
	v63 =	vld [tilespmem:s26+$0xFFFFFFE0]  }
0x133: {  	v58 =	vld [tilespmem:$0x1FFA0];
	v21 =	vadd.f32 $0.0e+00, v21;
	v22 =	vmul.f32 v22, v34  }
0x134: {  	v26 =	vadd.f32 $0.0e+00, v26;
	v29 =	vmul.f32 v55, v29;
	v55 =	vadd.f32 v54, v59;
	v59 =	vld [tilespmem:$0x1FFB0]  }
0x135: {  	v21 =	vadd.f32 v22, v21;
	v22 =	vld [tilespmem:$0x1FFC0]  }
0x136: {  	v26 =	vadd.f32 v31, v26;
	v31 =	vadd.f32 v60, v57;
	v60 =	vld [tilespmem:$0x1FFD0]  }
0x137: {  	v62 =	vld [tilespmem:$0x1FFE0];
	[tilespmem:$0x1FFF0] =	vst v63  }
0x138: {  	v15 =	vld [tilespmem:s23+$0x10]  }
0x139: {  	v63 =	vld [tilespmem:s25+$0x20]  }
0x13a: {  	v16 =	vld [tilespmem:s26+$0x20]  }
0x13b: {  	v17 =	vld [tilespmem:s23+$0x50]  }
0x13c: {  	v18 =	vld [tilespmem:s25+$0x60]  }
0x13d: {  	v19 =	vld [tilespmem:s26+$0x60]  }
0x13e: {  	v13 =	vld [tilespmem:s23+$0x90]  }
0x13f: {  	v20 =	vld [tilespmem:s25+$0xA0]  }
0x140: {  	v11 =	vld [tilespmem:s26+$0xA0]  }
0x141: {  	v7 =	vadd.f32 v12, v7;
	v12 =	vld [tilespmem:s23+$0xFFFFFF20]  }
0x142: {  	v9 =	vadd.f32 v10, v9;
	v10 =	vld [tilespmem:s25+$0xFFFFFF30]  }
0x143: {  	v24 =	vld [tilespmem:s26+$0xFFFFFF30]  }
0x144: {  	v27 =	vld [tilespmem:s23+$0xFFFFFF60]  }
0x145: {  	v30 =	vld [tilespmem:s25+$0xFFFFFF70]  }
0x146: {  	v28 =	vadd.f32 v33, v32;
	v32 =	vld [tilespmem:s26+$0xFFFFFF70]  }
0x147: {  	v35 =	vld [tilespmem:s23+$0xFFFFFFA0]  }
0x148: {  	v37 =	vld [tilespmem:s25+$0xFFFFFFB0]  }
0x149: {  	v38 =	vld [tilespmem:s26+$0xFFFFFFB0]  }
0x14a: {  	v14 =	vmul.f32 v40, v14;
	v40 =	vld [tilespmem:s23+$0xFFFFFFE0]  }
0x14b: {  	v25 =	vmul.f32 v49, v25;
	v49 =	vadd.f32 v48, v47;
	v33 =	vadd.f32 v42, v41;
	v42 =	vld [tilespmem:s25+$0xFFFFFFF0]  }
0x14c: {  	v14 =	vadd.f32 $0.0e+00, v14;
	v23 =	vmul.f32 v46, v23;
	v28 =	vmul.f32 v52, v28;
	v44 =	vld [tilespmem:s26+$0xFFFFFFF0]  }
0x14d: {  	v25 =	vadd.f32 $0.0e+00, v25;
	v52 =	vadd.f32 v51, v50;
	v33 =	vmul.f32 v61, v33;
	v46 =	vld [tilespmem:s23+$0x20]  }
0x14e: {  	v23 =	vadd.f32 $0.0e+00, v23;
	v28 =	vadd.f32 $0.0e+00, v28;
	v34 =	vld [tilespmem:s25+$0x30]  }
0x14f: {  	v29 =	vadd.f32 $0.0e+00, v29;
	v14 =	vadd.f32 v33, v14;
	v39 =	vmul.f32 v53, v49;
	v53 =	vld [tilespmem:s25+$0x70]  }
0x150: {  	v33 =	vadd.f32 v59, v58;
	v22 =	vadd.f32 v60, v22;
	v54 =	vld [tilespmem:s26+$0x70]  }
0x151: {  	v23 =	vadd.f32 v39, v23;
	v47 =	vld [tilespmem:s26+$0x30];
	v15 =	vmul.f32 v15, v52;
	v17 =	vmul.f32 v17, v55  }
0x152: {  	v61 =	vld [tilespmem:s23+$0x60];
	v16 =	vadd.f32 v16, v63;
	v13 =	vmul.f32 v13, v56;
	v18 =	vadd.f32 v19, v18  }
0x153: {  	v58 =	vld [tilespmem:s23+$0xFFFFFF30];
	v12 =	vmul.f32 v12, v31;
	v11 =	vadd.f32 v11, v20;
	v20 =	vmul.f32 v27, v33  }
0x154: {  	v52 =	vld [tilespmem:$0x1FFF0];
	v10 =	vadd.f32 v24, v10;
	v22 =	vmul.f32 v35, v22;
	v60 =	vadd.f32 v44, v42  }
0x155: {  	s0 =	sadd.s32 $0x7, s24;
	v19 =	vld [tilespmem:s23+$0xA0];
	[tilespmem:v1+s22+$0x0] =	vst.idx.msk $0xffff, v5;
	v5 =	vadd.f32 v54, v53;
	v15 =	vadd.f32 v15, v25  }
0x156: {  	v36 =	vor.u32 s0, v0;
	v56 =	vld [tilespmem:s26+$0xB0];
	[tilespmem:v2+s22+$0x0] =	vst.idx.msk $0xffff, v6;
	s26 =	sadd.s32 $0x3, s24;
	v17 =	vadd.f32 v17, v28;
	v13 =	vadd.f32 v13, v29  }
0x157: {  	v59 =	vld [tilespmem:s23+$0xFFFFFF70];
	[tilespmem:v4+s22+$0x0] =	vst.idx.msk $0xffff, v8;
	v8 =	vor.u32 s26, v0;
	v12 =	vadd.f32 v12, v26;
	v14 =	vadd.f32 v20, v14  }
0x158: {  	v55 =	vld [tilespmem:s25+$0xB0];
	v20 =	vadd.f32 v32, v30;
	v21 =	vadd.f32 v22, v21;
	v16 =	vmul.f32 v46, v16  }
0x159: {  	s31 =	sadd.s32 $0x1, s24;
	v22 =	vadd.f32 v38, v37;
	v18 =	vmul.f32 v61, v18;
	v61 =	vld [tilespmem:s23+$0xFFFFFFB0];
	v6 =	vmul.f32 v58, v10  }
0x15a: {  	v10 =	vor.u32 s31, v0;
	v15 =	vadd.f32 v16, v15;
	v11 =	vmul.f32 v19, v11;
	v19 =	vld [tilespmem:s23+$0xFFFFFFF0]  }
0x15b: {  	[tilespmem:v3+s22+$0x0] =	vst.idx.msk $0xffff, v7;
	v1 =	vadd.f32 v18, v17;
	v17 =	vor.u32 s24, v0;
	v18 =	vld [tilespmem:s23+$0x30];
	v39 =	vadd.f32 v52, v62  }
0x15c: {  	s25 =	sadd.s32 $0x2, s24;
	v16 =	vadd.f32 v47, v34;
	v7 =	vmul.f32 v59, v20;
	v2 =	vadd.f32 v11, v13;
	v11 =	vld [tilespmem:s23+$0x70]  }
0x15d: {  	s31 =	sadd.s32 $0x4, s24;
	v20 =	vld [tilespmem:s23+$0xB0];
	v4 =	vadd.f32 v6, v12;
	v57 =	vmul.f32 v40, v39;
	v13 =	vor.u32 s25, v0  }
0x15e: {  	[tilespmem:v36+s22+$0x0] =	vst.idx.msk $0xffff, v9;
	v12 =	vor.u32 s31, v0;
	v3 =	vadd.f32 v56, v55;
	v6 =	vmul.f32 v61, v22  }
0x15f: {  	v7 =	vadd.f32 v7, v14;
	s23 =	sadd.s32 $0x5, s24;
	v23 =	vadd.f32 v57, v23;
	v9 =	vmul.f32 v19, v60  }
0x160: {  	s25 =	sadd.s32 $0x6, s24;
	v14 =	vor.u32 s23, v0;
	[tilespmem:v17+s22+$0x0] =	vst.idx.msk $0xffff, v4;
	v4 =	vadd.f32 v6, v21;
	v6 =	vmul.f32 v18, v16  }
0x161: {  	[tilespmem:v10+s22+$0x0] =	vst.idx.msk $0xffff, v7;
	v7 =	vadd.f32 v9, v23;
	v5 =	vmul.f32 v11, v5;
	v9 =	vor.u32 s25, v0  }
0x162: {  	v3 =	vmul.f32 v20, v3;
	[tilespmem:v13+s22+$0x0] =	vst.idx.msk $0xffff, v4;
	v4 =	vadd.f32 v6, v15  }
0x163: {  	[tilespmem:v8+s22+$0x0] =	vst.idx.msk $0xffff, v7;
	v1 =	vadd.f32 v5, v1  }
0x164: {  	v2 =	vadd.f32 v3, v2;
	[tilespmem:v12+s22+$0x0] =	vst.idx.msk $0xffff, v4  }
0x165: {  	[tilespmem:v14+s22+$0x0] =	vst.idx.msk $0xffff, v1  }
0x166: {  	s26 =	simm.s32 $0x100;
	s31 =	simm.s32 $0xC600;
	[tilespmem:v9+s22+$0x0] =	vst.idx.msk $0xffff, v2  }
0x167: {  	[tilespmem:s31], [sflag:$0x3] =	stream.indirect.gather [hbm4b:s3+s13], $0x40, s26, s13, $0xb8;
	[tilespmem:$0x1A800] =	vst v63  }
0x168: {  	s24 =	simm.s32 $0xE600;
	s23 =	simm.s32 $0x300  }
0x169: {  	[tilespmem:s24], [sflag:$0x3] =	stream.indirect.gather [hbm4b:s4+s13], $0x40, s23, s13, $0xb8;
	[tilespmem:$0x1A800] =	vst v63  }
0x16a: {  	s25 =	simm.s32 $0x500;
	s26 =	simm.s32 $0x10600  }
0x16b: {  	[tilespmem:s26], [sflag:$0x3] =	stream.indirect.gather [hbm4b:s3+s13], $0x40, s25, s13, $0xb8;
	[tilespmem:$0x1A800] =	vst v63  }
0x16c: {  	_ =	swait.ge [sflag:s30], $0x2000  }
0x16d: {  	[sflag:s30] =	ssyncset.done $0x0  }
0x16e: {  	[sflag:s30] =	ssyncadd.s32 $0xFFFFE000  }
0x16f: {  	_ =	swait.ge [sflag:s30], $0x2000  }
0x170: {  	[sflag:s30] =	ssyncset.done $0x0  }
0x171: {  	[sflag:s30] =	ssyncadd.s32 $0xFFFFE000  }
0x172: {  	_ =	swait.ge [sflag:s30], $0x2000  }
0x173: {  	[sflag:s30] =	ssyncset.done $0x0  }
0x174: {  	s28 =	simm.s32 $0xA700;
	[sflag:s30] =	ssyncadd.s32 $0xFFFFE000  }
0x175: {  	v1 =	vld [tilespmem:s28+$0xE0]  }
0x176: {  	v2 =	vld [tilespmem:s28+$0xD0]  }
0x177: {  	s23 =	simm.s32 $0x6700;
	v3 =	vld [tilespmem:s28+$0xC0]  }
0x178: {  	s24 =	simm.s32 $0x8700;
	v4 =	vld [tilespmem:s23+$0xC0]  }
0x179: {  	v5 =	vld [tilespmem:s24+$0xC0]  }
0x17a: {  	v6 =	vld [tilespmem:s23+$0xD0]  }
0x17b: {  	v7 =	vld [tilespmem:s24+$0xD0]  }
0x17c: {  	v8 =	vld [tilespmem:s23+$0xE0]  }
0x17d: {  	v9 =	vld [tilespmem:s24+$0xE0]  }
0x17e: {  	v10 =	vld [tilespmem:s23+$0xF0]  }
0x17f: {  	v11 =	vld [tilespmem:s24+$0xF0]  }
0x180: {  	v12 =	vld [tilespmem:s24+$0xFFFFFF00]  }
0x181: {  	v13 =	vld [tilespmem:s28+$0xF0]  }
0x182: {  	v14 =	vld [tilespmem:s23+$0xFFFFFF40]  }
0x183: {  	v15 =	vld [tilespmem:s24+$0xFFFFFF40]  }
0x184: {  	v16 =	vld [tilespmem:s23+$0xFFFFFF80]  }
0x185: {  	v17 =	vld [tilespmem:s24+$0xFFFFFF80]  }
0x186: {  	v18 =	vld [tilespmem:s23+$0xFFFFFFC0]  }
0x187: {  	v19 =	vld [tilespmem:s24+$0xFFFFFFC0]  }
0x188: {  	v20 =	vld [tilespmem:s23+$0x0]  }
0x189: {  	v21 =	vld [tilespmem:s24+$0x0]  }
0x18a: {  	v22 =	vld [tilespmem:s23+$0x40]  }
0x18b: {  	v23 =	vld [tilespmem:s24+$0x40]  }
0x18c: {  	v24 =	vld [tilespmem:s23+$0x80]  }
0x18d: {  	v25 =	vld [tilespmem:s24+$0x80]  }
0x18e: {  	v26 =	vld [tilespmem:s23+$0xFFFFFF00]  }
0x18f: {  	v27 =	vld [tilespmem:s28+$0xFFFFFF00]  }
0x190: {  	v28 =	vld [tilespmem:s23+$0xFFFFFF10]  }
0x191: {  	v29 =	vld [tilespmem:s24+$0xFFFFFF10]  }
0x192: {  	v30 =	vld [tilespmem:s28+$0xFFFFFF40]  }
0x193: {  	v31 =	vld [tilespmem:s23+$0xFFFFFF50]  }
0x194: {  	v32 =	vld [tilespmem:s24+$0xFFFFFF50]  }
0x195: {  	v33 =	vld [tilespmem:s28+$0xFFFFFF80]  }
0x196: {  	v34 =	vld [tilespmem:s23+$0xFFFFFF90]  }
0x197: {  	v35 =	vld [tilespmem:s24+$0xFFFFFF90]  }
0x198: {  	v36 =	vld [tilespmem:s28+$0xFFFFFFC0]  }
0x199: {  	v37 =	vld [tilespmem:s23+$0xFFFFFFD0]  }
0x19a: {  	v38 =	vld [tilespmem:s24+$0xFFFFFFD0]  }
0x19b: {  	v39 =	vld [tilespmem:s28+$0x0]  }
0x19c: {  	v40 =	vld [tilespmem:s23+$0x10]  }
0x19d: {  	v41 =	vld [tilespmem:s24+$0x10]  }
0x19e: {  	v42 =	vld [tilespmem:s28+$0x40]  }
0x19f: {  	v43 =	vld [tilespmem:s23+$0x50]  }
0x1a0: {  	v44 =	vld [tilespmem:s24+$0x50]  }
0x1a1: {  	v45 =	vld [tilespmem:s28+$0x80]  }
0x1a2: {  	v46 =	vld [tilespmem:s23+$0x90]  }
0x1a3: {  	v47 =	vld [tilespmem:s24+$0x90]  }
0x1a4: {  	v48 =	vld [tilespmem:s28+$0xFFFFFF10]  }
0x1a5: {  	v49 =	vld [tilespmem:s23+$0xFFFFFF20]  }
0x1a6: {  	v50 =	vld [tilespmem:s24+$0xFFFFFF20]  }
0x1a7: {  	v51 =	vld [tilespmem:s28+$0xFFFFFF50]  }
0x1a8: {  	v52 =	vld [tilespmem:s23+$0xFFFFFF60]  }
0x1a9: {  	v53 =	vld [tilespmem:s24+$0xFFFFFF60]  }
0x1aa: {  	v54 =	vld [tilespmem:s28+$0xFFFFFF90]  }
0x1ab: {  	v55 =	vld [tilespmem:s23+$0xFFFFFFA0]  }
0x1ac: {  	v56 =	vld [tilespmem:s24+$0xFFFFFFA0]  }
0x1ad: {  	v57 =	vld [tilespmem:s28+$0xFFFFFFD0]  }
0x1ae: {  	v58 =	vld [tilespmem:s23+$0xFFFFFFE0]  }
0x1af: {  	v59 =	vld [tilespmem:s24+$0xFFFFFFE0]  }
0x1b0: {  	v60 =	vld [tilespmem:s23+$0x20]  }
0x1b1: {  	v63 =	vld [tilespmem:s28+$0xFFFFFFA0]  }
0x1b2: {  	v4 =	vadd.f32 v5, v4;
	v5 =	vld [tilespmem:s28+$0x10]  }
0x1b3: {  	v40 =	vadd.f32 v41, v40;
	v41 =	vld [tilespmem:s23+$0xFFFFFFB0]  }
0x1b4: {  	v43 =	vadd.f32 v44, v43;
	v44 =	vld [tilespmem:s24+$0xFFFFFFB0]  }
0x1b5: {  	v12 =	vadd.f32 v12, v26;
	v55 =	vadd.f32 v56, v55;
	v56 =	vld [tilespmem:s23+$0x30]  }
0x1b6: {  	v38 =	vadd.f32 v38, v37;
	v3 =	vmul.f32 v3, v4;
	v4 =	vadd.f32 v7, v6;
	v6 =	vld [tilespmem:s24+$0x20]  }
0x1b7: {  	v7 =	vld [tilespmem:s28+$0x50]  }
0x1b8: {  	v12 =	vmul.f32 v27, v12;
	v27 =	vmul.f32 v57, v38;
	v57 =	vadd.f32 v59, v58;
	v58 =	vld [tilespmem:s28+$0x60]  }
0x1b9: {  	v59 =	vld [tilespmem:s23+$0x70];
	v3 =	vadd.f32 $0.0e+00, v3;
	v2 =	vmul.f32 v2, v4;
	v4 =	vadd.f32 v9, v8  }
0x1ba: {  	v8 =	vld [tilespmem:s23+$0x60]  }
0x1bb: {  	v9 =	vld [tilespmem:s24+$0x60];
	v2 =	vadd.f32 v2, v3;
	v1 =	vmul.f32 v1, v4;
	v3 =	vadd.f32 v11, v10  }
0x1bc: {  	v62 =	vadd.f32 v35, v34;
	v47 =	vadd.f32 v47, v46;
	v4 =	vld [tilespmem:s28+$0x90]  }
0x1bd: {  	v53 =	vadd.f32 v53, v52;
	v10 =	vld [tilespmem:s23+$0xA0];
	v1 =	vadd.f32 v1, v2;
	v2 =	vmul.f32 v13, v3  }
0x1be: {  	v12 =	vadd.f32 $0.0e+00, v12;
	v11 =	vld [tilespmem:s28+$0xFFFFFF20];
	v6 =	vadd.f32 v6, v60  }
0x1bf: {  	v3 =	vld [tilespmem:s24+$0xA0];
	v13 =	vadd.f32 v15, v14;
	v15 =	vadd.f32 v2, v1  }
0x1c0: {  	v14 =	vld [tilespmem:s24+$0xFFFFFF30];
	v1 =	vadd.f32 v17, v16;
	v16 =	vadd.f32 v19, v18  }
0x1c1: {  	v5 =	vmul.f32 v5, v40;
	v2 =	vld [tilespmem:s23+$0xFFFFFF30];
	v17 =	vadd.f32 v21, v20;
	v19 =	vadd.f32 v23, v22  }
0x1c2: {  	v18 =	vld [tilespmem:s28+$0xFFFFFF60];
	v20 =	vadd.f32 v25, v24;
	v13 =	vmul.f32 v30, v13;
	v23 =	vadd.f32 v32, v31  }
0x1c3: {  	v21 =	vld [tilespmem:s23+$0xFFFFFF70];
	v22 =	vadd.f32 v29, v28;
	v1 =	vmul.f32 v33, v1;
	v16 =	vmul.f32 v36, v16  }
0x1c4: {  	v24 =	vld [tilespmem:s24+$0xFFFFFF70];
	v17 =	vmul.f32 v39, v17;
	v13 =	vadd.f32 $0.0e+00, v13;
	v23 =	vmul.f32 v51, v23  }
0x1c5: {  	v22 =	vmul.f32 v48, v22;
	v48 =	vld [tilespmem:s28+$0xFFFFFFE0];
	v19 =	vmul.f32 v42, v19;
	v60 =	vadd.f32 v3, v10  }
0x1c6: {  	v51 =	vld [tilespmem:s24+$0xFFFFFFF0];
	v13 =	vadd.f32 v23, v13;
	v1 =	vadd.f32 $0.0e+00, v1;
	v23 =	vmul.f32 v54, v62  }
0x1c7: {  	v3 =	vmul.f32 v63, v55;
	v63 =	vld [tilespmem:s28+$0xFFFFFF70];
	v12 =	vadd.f32 v22, v12;
	v22 =	vadd.f32 v50, v49  }
0x1c8: {  	v20 =	vmul.f32 v45, v20;
	v54 =	vld [tilespmem:s28+$0x20];
	v23 =	vadd.f32 v23, v1;
	v1 =	vadd.f32 $0.0e+00, v17  }
0x1c9: {  	v4 =	vmul.f32 v4, v47;
	v16 =	vadd.f32 $0.0e+00, v16;
	v19 =	vadd.f32 $0.0e+00, v19;
	v17 =	vld [tilespmem:s24+$0x30]  }
0x1ca: {  	v11 =	vmul.f32 v11, v22;
	v22 =	vld [tilespmem:s24+$0x70];
	v5 =	vadd.f32 v5, v1;
	v1 =	vadd.f32 $0.0e+00, v20  }
0x1cb: {  	v7 =	vmul.f32 v7, v43;
	v61 =	vadd.f32 v14, v2;
	v3 =	vadd.f32 v3, v23;
	v23 =	vld [tilespmem:s28+$0xFFFFFF30]  }
0x1cc: {  	s31 =	simm.s32 $0x87;
	v21 =	vadd.f32 v24, v21;
	v32 =	vadd.f32 v4, v1;
	v4 =	vmul.f32 v18, v53;
	v18 =	vld [tilespmem:s28+$0xA0]  }
0x1cd: {  	v62 =	vor.u32 s31, v0;
	v7 =	vadd.f32 v7, v19;
	v1 =	vadd.f32 v11, v12;
	v12 =	vld [tilespmem:s23+$0xB0]  }
0x1ce: {  	v19 =	vadd.f32 v9, v8;
	v6 =	vmul.f32 v54, v6;
	v2 =	vadd.f32 v4, v13;
	v13 =	vld [tilespmem:s24+$0xB0]  }
0x1cf: {  	v50 =	vld [tilespmem:s23+$0xFFFFFFF0];
	v16 =	vadd.f32 v27, v16;
	v8 =	vadd.f32 v44, v41;
	v21 =	vmul.f32 v63, v21  }
0x1d0: {  	s25 =	simm.s32 $0x80;
	v20 =	vld [tilespmem:s28+$0xFFFFFFB0];
	v11 =	vmul.f32 v58, v19;
	v5 =	vadd.f32 v6, v5;
	v10 =	vadd.f32 v17, v56  }
0x1d1: {  	v19 =	vld [tilespmem:s28+$0xFFFFFFF0];
	v17 =	vor.u32 s25, v0;
	v4 =	vmul.f32 v48, v57;
	v14 =	vmul.f32 v18, v60  }
0x1d2: {  	s26 =	simm.s32 $0x81;
	v6 =	vadd.f32 v11, v7;
	v11 =	vadd.f32 v22, v59;
	v22 =	vmul.f32 v23, v61;
	v18 =	vld [tilespmem:s28+$0x30]  }
0x1d3: {  	s29 =	simm.s32 $0x83;
	s31 =	simm.s32 $0x82;
	v7 =	vadd.f32 v14, v32;
	v12 =	vadd.f32 v13, v12;
	v13 =	vor.u32 s26, v0;
	v14 =	vld [tilespmem:s28+$0x70]  }
0x1d4: {  	v9 =	vadd.f32 v51, v50;
	[tilespmem:v62+s22+$0x0] =	vst.idx.msk $0xffff, v15;
	v15 =	vor.u32 s31, v0;
	s25 =	simm.s32 $0xFFFFFFF8;
	v4 =	vadd.f32 v4, v16;
	v16 =	vld [tilespmem:s28+$0xB0];
	s26 =	simm.s32 $0x0;
	s28 =	simm.s32 $0xA900  }
.LBB2_4:
0x1d5: {  	v23 =	vld [tilespmem:s28+$0xE0];
	v1 =	vadd.f32 v22, v1;
	v8 =	vmul.f32 v20, v8;
	v20 =	vor.u32 s29, v0;
	s0 =	sadd.s32 $0x8C, s25  }
0x1d6: {  	v22 =	vld [tilespmem:s28+$0xD0];
	v2 =	vadd.f32 v21, v2;
	v9 =	vmul.f32 v19, v9;
	v19 =	vor.u32 s0, v0;
	s0 =	sadd.s32 $0x8D, s25  }
0x1d7: {  	s23 =	sadd.s32 $0x200, s23;
	v21 =	vld [tilespmem:s28+$0xC0];
	[tilespmem:v17+s22+$0x0] =	vst.idx.msk $0xffff, v1;
	v1 =	vadd.f32 v8, v3;
	v3 =	vmul.f32 v18, v10;
	v8 =	vor.u32 s0, v0;
	s0 =	sadd.s32 $0x8E, s25;
	s25 =	smov.u32 s26  }
0x1d8: {  	s24 =	sadd.s32 $0x200, s24;
	v10 =	vld [tilespmem:s23+$0xC0];
	[tilespmem:v13+s22+$0x0] =	vst.idx.msk $0xffff, v2;
	v2 =	vadd.f32 v9, v4;
	v4 =	vmul.f32 v14, v11;
	v9 =	vor.u32 s0, v0  }
0x1d9: {  	s26 =	sadd.s32 $0x8, s26;
	v11 =	vld [tilespmem:s24+$0xC0];
	[tilespmem:v15+s22+$0x0] =	vst.idx.msk $0xffff, v1;
	v1 =	vadd.f32 v3, v5;
	v3 =	vmul.f32 v16, v12  }
0x1da: {  	p0 =	slt.u32 s26, $0x78;
	v5 =	vld [tilespmem:s23+$0xD0];
	[tilespmem:v20+s22+$0x0] =	vst.idx.msk $0xffff, v2;
	v2 =	vadd.f32 v4, v6  }
0x1db: {  	v4 =	vld [tilespmem:s24+$0xD0];
	[tilespmem:v19+s22+$0x0] =	vst.idx.msk $0xffff, v1;
	v1 =	vadd.f32 v3, v7  }
0x1dc: {  	v3 =	vld [tilespmem:s23+$0xE0];
	[tilespmem:v8+s22+$0x0] =	vst.idx.msk $0xffff, v2  }
0x1dd: {  	v2 =	vld [tilespmem:s24+$0xE0];
	[tilespmem:v9+s22+$0x0] =	vst.idx.msk $0xffff, v1  }
0x1de: {  	v1 =	vadd.f32 v11, v10;
	v6 =	vld [tilespmem:s23+$0xF0]  }
0x1df: {  	v7 =	vld [tilespmem:s24+$0xF0]  }
0x1e0: {  	v8 =	vld [tilespmem:s24+$0xFFFFFF00];
	v1 =	vmul.f32 v21, v1;
	v4 =	vadd.f32 v4, v5  }
0x1e1: {  	v5 =	vld [tilespmem:s28+$0xF0]  }
0x1e2: {  	v9 =	vld [tilespmem:s23+$0xFFFFFF40];
	v1 =	vadd.f32 $0.0e+00, v1;
	v4 =	vmul.f32 v22, v4;
	v2 =	vadd.f32 v2, v3  }
0x1e3: {  	v3 =	vld [tilespmem:s24+$0xFFFFFF40]  }
0x1e4: {  	s0 =	sadd.s32 $0x8F, s25;
	v10 =	vld [tilespmem:s23+$0xFFFFFF80];
	v1 =	vadd.f32 v4, v1;
	v2 =	vmul.f32 v23, v2;
	v4 =	vadd.f32 v7, v6  }
0x1e5: {  	v7 =	vor.u32 s0, v0;
	v6 =	vld [tilespmem:s24+$0xFFFFFF80]  }
0x1e6: {  	v11 =	vld [tilespmem:s23+$0xFFFFFFC0];
	v1 =	vadd.f32 v2, v1;
	v2 =	vmul.f32 v5, v4  }
0x1e7: {  	v4 =	vld [tilespmem:s24+$0xFFFFFFC0]  }
0x1e8: {  	v3 =	vadd.f32 v3, v9;
	v5 =	vld [tilespmem:s23+$0x0];
	v1 =	vadd.f32 v2, v1  }
0x1e9: {  	v2 =	vld [tilespmem:s24+$0x0]  }
0x1ea: {  	v6 =	vadd.f32 v6, v10;
	v9 =	vld [tilespmem:s23+$0x40];
	[tilespmem:v7+s22+$0x0] =	vst.idx.msk $0xffff, v1  }
0x1eb: {  	v1 =	vld [tilespmem:s24+$0x40]  }
0x1ec: {  	v4 =	vadd.f32 v4, v11;
	v7 =	vld [tilespmem:s23+$0x80]  }
0x1ed: {  	v10 =	vld [tilespmem:s24+$0x80]  }
0x1ee: {  	v11 =	vld [tilespmem:s23+$0xFFFFFF00];
	v2 =	vadd.f32 v2, v5  }
0x1ef: {  	v5 =	vld [tilespmem:s28+$0xFFFFFF00]  }
0x1f0: {  	v12 =	vld [tilespmem:s23+$0xFFFFFF10];
	v1 =	vadd.f32 v1, v9  }
0x1f1: {  	v9 =	vld [tilespmem:s24+$0xFFFFFF10]  }
0x1f2: {  	v13 =	vld [tilespmem:s28+$0xFFFFFF40];
	v7 =	vadd.f32 v10, v7  }
0x1f3: {  	v8 =	vadd.f32 v8, v11;
	v10 =	vld [tilespmem:s23+$0xFFFFFF50]  }
0x1f4: {  	v11 =	vld [tilespmem:s24+$0xFFFFFF50]  }
0x1f5: {  	v5 =	vmul.f32 v5, v8;
	v8 =	vld [tilespmem:s28+$0xFFFFFF80]  }
0x1f6: {  	v9 =	vadd.f32 v9, v12;
	v12 =	vld [tilespmem:s23+$0xFFFFFF90]  }
0x1f7: {  	v5 =	vadd.f32 $0.0e+00, v5;
	v3 =	vmul.f32 v13, v3;
	v13 =	vld [tilespmem:s24+$0xFFFFFF90]  }
0x1f8: {  	v14 =	vld [tilespmem:s28+$0xFFFFFFC0]  }
0x1f9: {  	v3 =	vadd.f32 $0.0e+00, v3;
	v10 =	vadd.f32 v11, v10;
	v11 =	vld [tilespmem:s23+$0xFFFFFFD0]  }
0x1fa: {  	v6 =	vmul.f32 v8, v6;
	v8 =	vld [tilespmem:s24+$0xFFFFFFD0]  }
0x1fb: {  	v15 =	vld [tilespmem:s28+$0x0]  }
0x1fc: {  	v6 =	vadd.f32 $0.0e+00, v6;
	v12 =	vadd.f32 v13, v12;
	v13 =	vld [tilespmem:s23+$0x10]  }
0x1fd: {  	v4 =	vmul.f32 v14, v4;
	v14 =	vld [tilespmem:s24+$0x10]  }
0x1fe: {  	v16 =	vld [tilespmem:s28+$0x40]  }
0x1ff: {  	v4 =	vadd.f32 $0.0e+00, v4;
	v8 =	vadd.f32 v8, v11;
	v11 =	vld [tilespmem:s23+$0x50]  }
0x200: {  	v2 =	vmul.f32 v15, v2;
	v15 =	vld [tilespmem:s24+$0x50]  }
0x201: {  	v17 =	vld [tilespmem:s28+$0x80]  }
0x202: {  	v2 =	vadd.f32 $0.0e+00, v2;
	v13 =	vadd.f32 v14, v13;
	v14 =	vld [tilespmem:s23+$0x90]  }
0x203: {  	v1 =	vmul.f32 v16, v1;
	v16 =	vld [tilespmem:s24+$0x90]  }
0x204: {  	v18 =	vld [tilespmem:s28+$0xFFFFFF10]  }
0x205: {  	v19 =	vld [tilespmem:s23+$0xFFFFFF20];
	v1 =	vadd.f32 $0.0e+00, v1;
	v11 =	vadd.f32 v15, v11  }
0x206: {  	v15 =	vld [tilespmem:s24+$0xFFFFFF20];
	v7 =	vmul.f32 v17, v7  }
0x207: {  	v17 =	vld [tilespmem:s28+$0xFFFFFF50]  }
0x208: {  	v20 =	vld [tilespmem:s23+$0xFFFFFF60];
	v7 =	vadd.f32 $0.0e+00, v7;
	v14 =	vadd.f32 v16, v14  }
0x209: {  	v9 =	vmul.f32 v18, v9;
	v16 =	vld [tilespmem:s24+$0xFFFFFF60]  }
0x20a: {  	v18 =	vld [tilespmem:s28+$0xFFFFFF90]  }
0x20b: {  	v5 =	vadd.f32 v9, v5;
	v9 =	vadd.f32 v15, v19;
	v15 =	vld [tilespmem:s23+$0xFFFFFFA0]  }
0x20c: {  	v10 =	vmul.f32 v17, v10;
	v17 =	vld [tilespmem:s24+$0xFFFFFFA0]  }
0x20d: {  	v19 =	vld [tilespmem:s28+$0xFFFFFFD0]  }
0x20e: {  	v3 =	vadd.f32 v10, v3;
	v10 =	vadd.f32 v16, v20;
	v16 =	vld [tilespmem:s23+$0xFFFFFFE0]  }
0x20f: {  	v12 =	vmul.f32 v18, v12;
	v18 =	vld [tilespmem:s24+$0xFFFFFFE0]  }
0x210: {  	v20 =	vld [tilespmem:s28+$0x10]  }
0x211: {  	v6 =	vadd.f32 v12, v6;
	v12 =	vadd.f32 v17, v15;
	v15 =	vld [tilespmem:s23+$0x20]  }
0x212: {  	v8 =	vmul.f32 v19, v8;
	v17 =	vld [tilespmem:s24+$0x20]  }
0x213: {  	v19 =	vld [tilespmem:s28+$0x50]  }
0x214: {  	v4 =	vadd.f32 v8, v4;
	v16 =	vadd.f32 v18, v16;
	v8 =	vld [tilespmem:s23+$0x60]  }
0x215: {  	v13 =	vmul.f32 v20, v13;
	v18 =	vld [tilespmem:s24+$0x60]  }
0x216: {  	v20 =	vld [tilespmem:s28+$0x90]  }
0x217: {  	v13 =	vadd.f32 v13, v2;
	v15 =	vadd.f32 v17, v15;
	v2 =	vld [tilespmem:s23+$0xA0]  }
0x218: {  	v11 =	vmul.f32 v19, v11;
	v17 =	vld [tilespmem:s24+$0xA0]  }
0x219: {  	v19 =	vld [tilespmem:s28+$0xFFFFFF20]  }
0x21a: {  	v21 =	vld [tilespmem:s23+$0xFFFFFF30];
	v11 =	vadd.f32 v11, v1;
	v18 =	vadd.f32 v18, v8  }
0x21b: {  	v8 =	vld [tilespmem:s24+$0xFFFFFF30];
	v1 =	vmul.f32 v20, v14  }
0x21c: {  	v14 =	vld [tilespmem:s28+$0xFFFFFF60]  }
0x21d: {  	v20 =	vld [tilespmem:s23+$0xFFFFFF70];
	v7 =	vadd.f32 v1, v7;
	v17 =	vadd.f32 v17, v2  }
0x21e: {  	v1 =	vmul.f32 v19, v9;
	v9 =	vld [tilespmem:s24+$0xFFFFFF70]  }
0x21f: {  	v19 =	vld [tilespmem:s28+$0xFFFFFFA0]  }
0x220: {  	v1 =	vadd.f32 v1, v5;
	v21 =	vadd.f32 v8, v21;
	v5 =	vld [tilespmem:s23+$0xFFFFFFB0]  }
0x221: {  	v2 =	vmul.f32 v14, v10;
	v8 =	vld [tilespmem:s24+$0xFFFFFFB0]  }
0x222: {  	v10 =	vld [tilespmem:s28+$0xFFFFFFE0]  }
0x223: {  	v2 =	vadd.f32 v2, v3;
	v23 =	vadd.f32 v9, v20;
	v9 =	vld [tilespmem:s23+$0xFFFFFFF0]  }
0x224: {  	v3 =	vmul.f32 v19, v12;
	v12 =	vld [tilespmem:s24+$0xFFFFFFF0]  }
0x225: {  	v14 =	vld [tilespmem:s28+$0x20]  }
0x226: {  	v3 =	vadd.f32 v3, v6;
	v8 =	vadd.f32 v8, v5;
	v6 =	vld [tilespmem:s23+$0x30]  }
0x227: {  	v5 =	vmul.f32 v10, v16;
	v10 =	vld [tilespmem:s24+$0x30]  }
0x228: {  	v16 =	vld [tilespmem:s28+$0x60]  }
0x229: {  	v4 =	vadd.f32 v5, v4;
	v9 =	vadd.f32 v12, v9;
	v12 =	vld [tilespmem:s23+$0x70]  }
0x22a: {  	v5 =	vmul.f32 v14, v15;
	v14 =	vld [tilespmem:s24+$0x70]  }
0x22b: {  	v15 =	vld [tilespmem:s28+$0xA0]  }
0x22c: {  	v5 =	vadd.f32 v5, v13;
	v10 =	vadd.f32 v10, v6;
	v13 =	vld [tilespmem:s23+$0xB0]  }
0x22d: {  	v6 =	vmul.f32 v16, v18;
	v16 =	vld [tilespmem:s24+$0xB0]  }
0x22e: {  	v22 =	vld [tilespmem:s28+$0xFFFFFF30]  }
0x22f: {  	v24 =	vld [tilespmem:s28+$0xFFFFFF70];
	v6 =	vadd.f32 v6, v11;
	v11 =	vadd.f32 v14, v12  }
.Ltmp1:
0x230: {  	v20 =	vld [tilespmem:s28+$0xFFFFFFB0];
	v12 =	vmul.f32 v15, v17;
	(pc) =	sbr.rel @p0 .LBB2_4-.Ltmp1, $4  }
0x231: {  	s0 =	sadd.s32 $0x88, s25;
	v19 =	vld [tilespmem:s28+$0xFFFFFFF0]  }
0x232: {  	v17 =	vor.u32 s0, v0;
	s0 =	sadd.s32 $0x89, s25;
	v18 =	vld [tilespmem:s28+$0x30];
	v7 =	vadd.f32 v12, v7;
	v12 =	vadd.f32 v16, v13  }
0x233: {  	v13 =	vor.u32 s0, v0;
	s0 =	sadd.s32 $0x8A, s25;
	v22 =	vmul.f32 v22, v21;
	v14 =	vld [tilespmem:s28+$0x70]  }
0x234: {  	s29 =	sadd.s32 $0x8B, s25;
	v15 =	vor.u32 s0, v0;
	v21 =	vmul.f32 v24, v23;
	v16 =	vld [tilespmem:s28+$0xB0];
	s28 =	sadd.s32 $0x200, s28  }
0x235: {  	_ =	sdelay $0x1  }
0x236: {  	v1 =	vadd.f32 v22, v1;
	v8 =	vmul.f32 v20, v8;
	v20 =	vor.u32 s29, v0;
	s0 =	sadd.s32 $0x8C, s25  }
0x237: {  	s24 =	sadd.s32 $0x8D, s25;
	v2 =	vadd.f32 v21, v2;
	v9 =	vmul.f32 v19, v9;
	v19 =	vor.u32 s0, v0  }
0x238: {  	s25 =	sadd.s32 $0x8E, s25;
	[tilespmem:v17+s22+$0x0] =	vst.idx.msk $0xffff, v1;
	v1 =	vadd.f32 v8, v3;
	v3 =	vmul.f32 v18, v10;
	v8 =	vor.u32 s24, v0  }
0x239: {  	[tilespmem:v13+s22+$0x0] =	vst.idx.msk $0xffff, v2;
	v2 =	vadd.f32 v9, v4;
	v4 =	vmul.f32 v14, v11;
	v9 =	vor.u32 s25, v0  }
0x23a: {  	[tilespmem:v15+s22+$0x0] =	vst.idx.msk $0xffff, v1;
	v1 =	vadd.f32 v3, v5;
	v3 =	vmul.f32 v16, v12  }
0x23b: {  	[tilespmem:v20+s22+$0x0] =	vst.idx.msk $0xffff, v2;
	v2 =	vadd.f32 v4, v6  }
0x23c: {  	[tilespmem:v19+s22+$0x0] =	vst.idx.msk $0xffff, v1;
	v1 =	vadd.f32 v3, v7  }
0x23d: {  	[tilespmem:v8+s22+$0x0] =	vst.idx.msk $0xffff, v2  }
0x23e: {  	s26 =	simm.s32 $0x180;
	s23 =	simm.s32 $0x12600;
	[tilespmem:v9+s22+$0x0] =	vst.idx.msk $0xffff, v1  }
0x23f: {  	[tilespmem:s23], [sflag:$0x4] =	stream.indirect.gather [hbm4b:s3+s13], $0x40, s26, s13, $0xb8;
	[tilespmem:$0x1A800] =	vst v63  }
0x240: {  	_ = 	snop  }
0x241: {  	[tilespmem:s14], [sflag:$0x4] =	stream.indirect.gather [hbm4b:s4+s13], $0x40, s1, s13, $0xb8;
	[tilespmem:$0x1A800] =	vst v63  }
0x242: {  	_ = 	snop  }
0x243: {  	[tilespmem:s16], [sflag:$0x4] =	stream.indirect.gather [hbm4b:s3+s13], $0x40, s15, s13, $0xb8;
	[tilespmem:$0x1A800] =	vst v63  }
0x244: {  	_ =	swait.ge [sflag:s17], $0x2000  }
0x245: {  	[sflag:s17] =	ssyncset.done $0x0  }
0x246: {  	[sflag:s17] =	ssyncadd.s32 $0xFFFFE000  }
0x247: {  	_ =	swait.ge [sflag:s17], $0x2000  }
0x248: {  	[sflag:s17] =	ssyncset.done $0x0  }
0x249: {  	[sflag:s17] =	ssyncadd.s32 $0xFFFFE000  }
0x24a: {  	_ =	swait.ge [sflag:s17], $0x2000  }
0x24b: {  	[sflag:s17] =	ssyncset.done $0x0  }
0x24c: {  	s28 =	simm.s32 $0x10700;
	[sflag:s17] =	ssyncadd.s32 $0xFFFFE000  }
0x24d: {  	v1 =	vld [tilespmem:s28+$0xE0]  }
0x24e: {  	v2 =	vld [tilespmem:s28+$0xD0]  }
0x24f: {  	s23 =	simm.s32 $0xC700;
	v3 =	vld [tilespmem:s28+$0xC0]  }
0x250: {  	s24 =	simm.s32 $0xE700;
	v4 =	vld [tilespmem:s23+$0xC0]  }
0x251: {  	v5 =	vld [tilespmem:s24+$0xC0]  }
0x252: {  	v6 =	vld [tilespmem:s23+$0xD0]  }
0x253: {  	v7 =	vld [tilespmem:s24+$0xD0]  }
0x254: {  	v8 =	vld [tilespmem:s23+$0xE0]  }
0x255: {  	v9 =	vld [tilespmem:s24+$0xE0]  }
0x256: {  	v10 =	vld [tilespmem:s23+$0xF0]  }
0x257: {  	v11 =	vld [tilespmem:s24+$0xF0]  }
0x258: {  	v12 =	vld [tilespmem:s24+$0xFFFFFF00]  }
0x259: {  	v13 =	vld [tilespmem:s28+$0xF0]  }
0x25a: {  	v14 =	vld [tilespmem:s23+$0xFFFFFF40]  }
0x25b: {  	v15 =	vld [tilespmem:s24+$0xFFFFFF40]  }
0x25c: {  	v16 =	vld [tilespmem:s23+$0xFFFFFF80]  }
0x25d: {  	v17 =	vld [tilespmem:s24+$0xFFFFFF80]  }
0x25e: {  	v18 =	vld [tilespmem:s23+$0xFFFFFFC0]  }
0x25f: {  	v19 =	vld [tilespmem:s24+$0xFFFFFFC0]  }
0x260: {  	v20 =	vld [tilespmem:s23+$0x0]  }
0x261: {  	v21 =	vld [tilespmem:s24+$0x0]  }
0x262: {  	v22 =	vld [tilespmem:s23+$0x40]  }
0x263: {  	v23 =	vld [tilespmem:s24+$0x40]  }
0x264: {  	v24 =	vld [tilespmem:s23+$0x80]  }
0x265: {  	v25 =	vld [tilespmem:s24+$0x80]  }
0x266: {  	v26 =	vld [tilespmem:s23+$0xFFFFFF00]  }
0x267: {  	v27 =	vld [tilespmem:s28+$0xFFFFFF00]  }
0x268: {  	v28 =	vld [tilespmem:s23+$0xFFFFFF10]  }
0x269: {  	v29 =	vld [tilespmem:s24+$0xFFFFFF10]  }
0x26a: {  	v30 =	vld [tilespmem:s28+$0xFFFFFF40]  }
0x26b: {  	v31 =	vld [tilespmem:s23+$0xFFFFFF50]  }
0x26c: {  	v32 =	vld [tilespmem:s24+$0xFFFFFF50]  }
0x26d: {  	v33 =	vld [tilespmem:s28+$0xFFFFFF80]  }
0x26e: {  	v34 =	vld [tilespmem:s23+$0xFFFFFF90]  }
0x26f: {  	v35 =	vld [tilespmem:s24+$0xFFFFFF90]  }
0x270: {  	v36 =	vld [tilespmem:s28+$0xFFFFFFC0]  }
0x271: {  	v37 =	vld [tilespmem:s23+$0xFFFFFFD0]  }
0x272: {  	v38 =	vld [tilespmem:s24+$0xFFFFFFD0]  }
0x273: {  	v39 =	vld [tilespmem:s28+$0x0]  }
0x274: {  	v40 =	vld [tilespmem:s23+$0x10]  }
0x275: {  	v41 =	vld [tilespmem:s24+$0x10]  }
0x276: {  	v42 =	vld [tilespmem:s28+$0x40]  }
0x277: {  	v43 =	vld [tilespmem:s23+$0x50]  }
0x278: {  	v44 =	vld [tilespmem:s24+$0x50]  }
0x279: {  	v45 =	vld [tilespmem:s28+$0x80]  }
0x27a: {  	v46 =	vld [tilespmem:s23+$0x90]  }
0x27b: {  	v47 =	vld [tilespmem:s24+$0x90]  }
0x27c: {  	v48 =	vld [tilespmem:s28+$0xFFFFFF10]  }
0x27d: {  	v49 =	vld [tilespmem:s23+$0xFFFFFF20]  }
0x27e: {  	v50 =	vld [tilespmem:s24+$0xFFFFFF20]  }
0x27f: {  	v51 =	vld [tilespmem:s28+$0xFFFFFF50]  }
0x280: {  	v52 =	vld [tilespmem:s23+$0xFFFFFF60]  }
0x281: {  	v53 =	vld [tilespmem:s24+$0xFFFFFF60]  }
0x282: {  	v54 =	vld [tilespmem:s28+$0xFFFFFF90]  }
0x283: {  	v55 =	vld [tilespmem:s23+$0xFFFFFFA0]  }
0x284: {  	v56 =	vld [tilespmem:s24+$0xFFFFFFA0]  }
0x285: {  	v57 =	vld [tilespmem:s28+$0xFFFFFFD0]  }
0x286: {  	v58 =	vld [tilespmem:s23+$0xFFFFFFE0]  }
0x287: {  	v59 =	vld [tilespmem:s24+$0xFFFFFFE0]  }
0x288: {  	v60 =	vld [tilespmem:s23+$0x20]  }
0x289: {  	v63 =	vld [tilespmem:s28+$0xFFFFFFA0]  }
0x28a: {  	v4 =	vadd.f32 v5, v4;
	v5 =	vld [tilespmem:s28+$0x10]  }
0x28b: {  	v40 =	vadd.f32 v41, v40;
	v41 =	vld [tilespmem:s23+$0xFFFFFFB0]  }
0x28c: {  	v43 =	vadd.f32 v44, v43;
	v44 =	vld [tilespmem:s24+$0xFFFFFFB0]  }
0x28d: {  	v12 =	vadd.f32 v12, v26;
	v55 =	vadd.f32 v56, v55;
	v56 =	vld [tilespmem:s23+$0x30]  }
0x28e: {  	v38 =	vadd.f32 v38, v37;
	v3 =	vmul.f32 v3, v4;
	v4 =	vadd.f32 v7, v6;
	v6 =	vld [tilespmem:s24+$0x20]  }
0x28f: {  	v7 =	vld [tilespmem:s28+$0x50]  }
0x290: {  	v12 =	vmul.f32 v27, v12;
	v27 =	vmul.f32 v57, v38;
	v57 =	vadd.f32 v59, v58;
	v58 =	vld [tilespmem:s28+$0x60]  }
0x291: {  	v59 =	vld [tilespmem:s23+$0x70];
	v3 =	vadd.f32 $0.0e+00, v3;
	v2 =	vmul.f32 v2, v4;
	v4 =	vadd.f32 v9, v8  }
0x292: {  	v8 =	vld [tilespmem:s23+$0x60]  }
0x293: {  	v9 =	vld [tilespmem:s24+$0x60];
	v2 =	vadd.f32 v2, v3;
	v1 =	vmul.f32 v1, v4;
	v3 =	vadd.f32 v11, v10  }
0x294: {  	v62 =	vadd.f32 v35, v34;
	v47 =	vadd.f32 v47, v46;
	v4 =	vld [tilespmem:s28+$0x90]  }
0x295: {  	v53 =	vadd.f32 v53, v52;
	v10 =	vld [tilespmem:s23+$0xA0];
	v1 =	vadd.f32 v1, v2;
	v2 =	vmul.f32 v13, v3  }
0x296: {  	v12 =	vadd.f32 $0.0e+00, v12;
	v11 =	vld [tilespmem:s28+$0xFFFFFF20];
	v6 =	vadd.f32 v6, v60  }
0x297: {  	v3 =	vld [tilespmem:s24+$0xA0];
	v13 =	vadd.f32 v15, v14;
	v15 =	vadd.f32 v2, v1  }
0x298: {  	v14 =	vld [tilespmem:s24+$0xFFFFFF30];
	v1 =	vadd.f32 v17, v16;
	v16 =	vadd.f32 v19, v18  }
0x299: {  	v5 =	vmul.f32 v5, v40;
	v2 =	vld [tilespmem:s23+$0xFFFFFF30];
	v17 =	vadd.f32 v21, v20;
	v19 =	vadd.f32 v23, v22  }
0x29a: {  	v18 =	vld [tilespmem:s28+$0xFFFFFF60];
	v20 =	vadd.f32 v25, v24;
	v13 =	vmul.f32 v30, v13;
	v23 =	vadd.f32 v32, v31  }
0x29b: {  	v21 =	vld [tilespmem:s23+$0xFFFFFF70];
	v22 =	vadd.f32 v29, v28;
	v1 =	vmul.f32 v33, v1;
	v16 =	vmul.f32 v36, v16  }
0x29c: {  	v24 =	vld [tilespmem:s24+$0xFFFFFF70];
	v17 =	vmul.f32 v39, v17;
	v13 =	vadd.f32 $0.0e+00, v13;
	v23 =	vmul.f32 v51, v23  }
0x29d: {  	v22 =	vmul.f32 v48, v22;
	v48 =	vld [tilespmem:s28+$0xFFFFFFE0];
	v19 =	vmul.f32 v42, v19;
	v60 =	vadd.f32 v3, v10  }
0x29e: {  	v51 =	vld [tilespmem:s24+$0xFFFFFFF0];
	v13 =	vadd.f32 v23, v13;
	v1 =	vadd.f32 $0.0e+00, v1;
	v23 =	vmul.f32 v54, v62  }
0x29f: {  	v3 =	vmul.f32 v63, v55;
	v63 =	vld [tilespmem:s28+$0xFFFFFF70];
	v12 =	vadd.f32 v22, v12;
	v22 =	vadd.f32 v50, v49  }
0x2a0: {  	v20 =	vmul.f32 v45, v20;
	v54 =	vld [tilespmem:s28+$0x20];
	v23 =	vadd.f32 v23, v1;
	v1 =	vadd.f32 $0.0e+00, v17  }
0x2a1: {  	v4 =	vmul.f32 v4, v47;
	v16 =	vadd.f32 $0.0e+00, v16;
	v19 =	vadd.f32 $0.0e+00, v19;
	v17 =	vld [tilespmem:s24+$0x30]  }
0x2a2: {  	v11 =	vmul.f32 v11, v22;
	v22 =	vld [tilespmem:s24+$0x70];
	v5 =	vadd.f32 v5, v1;
	v1 =	vadd.f32 $0.0e+00, v20  }
0x2a3: {  	v7 =	vmul.f32 v7, v43;
	v61 =	vadd.f32 v14, v2;
	v3 =	vadd.f32 v3, v23;
	v23 =	vld [tilespmem:s28+$0xFFFFFF30]  }
0x2a4: {  	s31 =	simm.s32 $0x107;
	v21 =	vadd.f32 v24, v21;
	v32 =	vadd.f32 v4, v1;
	v4 =	vmul.f32 v18, v53;
	v18 =	vld [tilespmem:s28+$0xA0]  }
0x2a5: {  	v62 =	vor.u32 s31, v0;
	v7 =	vadd.f32 v7, v19;
	v1 =	vadd.f32 v11, v12;
	v12 =	vld [tilespmem:s23+$0xB0]  }
0x2a6: {  	v19 =	vadd.f32 v9, v8;
	v6 =	vmul.f32 v54, v6;
	v2 =	vadd.f32 v4, v13;
	v13 =	vld [tilespmem:s24+$0xB0]  }
0x2a7: {  	v50 =	vld [tilespmem:s23+$0xFFFFFFF0];
	v16 =	vadd.f32 v27, v16;
	v8 =	vadd.f32 v44, v41;
	v21 =	vmul.f32 v63, v21  }
0x2a8: {  	s25 =	simm.s32 $0x100;
	v20 =	vld [tilespmem:s28+$0xFFFFFFB0];
	v11 =	vmul.f32 v58, v19;
	v5 =	vadd.f32 v6, v5;
	v10 =	vadd.f32 v17, v56  }
0x2a9: {  	v19 =	vld [tilespmem:s28+$0xFFFFFFF0];
	v17 =	vor.u32 s25, v0;
	v4 =	vmul.f32 v48, v57;
	v14 =	vmul.f32 v18, v60  }
0x2aa: {  	s26 =	simm.s32 $0x101;
	v6 =	vadd.f32 v11, v7;
	v11 =	vadd.f32 v22, v59;
	v22 =	vmul.f32 v23, v61;
	v18 =	vld [tilespmem:s28+$0x30]  }
0x2ab: {  	s29 =	simm.s32 $0x103;
	s31 =	simm.s32 $0x102;
	v7 =	vadd.f32 v14, v32;
	v12 =	vadd.f32 v13, v12;
	v13 =	vor.u32 s26, v0;
	v14 =	vld [tilespmem:s28+$0x70]  }
0x2ac: {  	v9 =	vadd.f32 v51, v50;
	[tilespmem:v62+s22+$0x0] =	vst.idx.msk $0xffff, v15;
	v15 =	vor.u32 s31, v0;
	s25 =	simm.s32 $0xFFFFFFF8;
	v4 =	vadd.f32 v4, v16;
	v16 =	vld [tilespmem:s28+$0xB0];
	s26 =	simm.s32 $0x0;
	s28 =	simm.s32 $0x10900  }
.LBB2_6:
0x2ad: {  	v23 =	vld [tilespmem:s28+$0xE0];
	v1 =	vadd.f32 v22, v1;
	v8 =	vmul.f32 v20, v8;
	v20 =	vor.u32 s29, v0;
	s0 =	sadd.s32 $0x10C, s25  }
0x2ae: {  	v22 =	vld [tilespmem:s28+$0xD0];
	v2 =	vadd.f32 v21, v2;
	v9 =	vmul.f32 v19, v9;
	v19 =	vor.u32 s0, v0;
	s0 =	sadd.s32 $0x10D, s25  }
0x2af: {  	s23 =	sadd.s32 $0x200, s23;
	v21 =	vld [tilespmem:s28+$0xC0];
	[tilespmem:v17+s22+$0x0] =	vst.idx.msk $0xffff, v1;
	v1 =	vadd.f32 v8, v3;
	v3 =	vmul.f32 v18, v10;
	v8 =	vor.u32 s0, v0;
	s0 =	sadd.s32 $0x10E, s25;
	s25 =	smov.u32 s26  }
0x2b0: {  	s24 =	sadd.s32 $0x200, s24;
	v10 =	vld [tilespmem:s23+$0xC0];
	[tilespmem:v13+s22+$0x0] =	vst.idx.msk $0xffff, v2;
	v2 =	vadd.f32 v9, v4;
	v4 =	vmul.f32 v14, v11;
	v9 =	vor.u32 s0, v0  }
0x2b1: {  	s26 =	sadd.s32 $0x8, s26;
	v11 =	vld [tilespmem:s24+$0xC0];
	[tilespmem:v15+s22+$0x0] =	vst.idx.msk $0xffff, v1;
	v1 =	vadd.f32 v3, v5;
	v3 =	vmul.f32 v16, v12  }
0x2b2: {  	p0 =	slt.u32 s26, $0x78;
	v5 =	vld [tilespmem:s23+$0xD0];
	[tilespmem:v20+s22+$0x0] =	vst.idx.msk $0xffff, v2;
	v2 =	vadd.f32 v4, v6  }
0x2b3: {  	v4 =	vld [tilespmem:s24+$0xD0];
	[tilespmem:v19+s22+$0x0] =	vst.idx.msk $0xffff, v1;
	v1 =	vadd.f32 v3, v7  }
0x2b4: {  	v3 =	vld [tilespmem:s23+$0xE0];
	[tilespmem:v8+s22+$0x0] =	vst.idx.msk $0xffff, v2  }
0x2b5: {  	v2 =	vld [tilespmem:s24+$0xE0];
	[tilespmem:v9+s22+$0x0] =	vst.idx.msk $0xffff, v1  }
0x2b6: {  	v1 =	vadd.f32 v11, v10;
	v6 =	vld [tilespmem:s23+$0xF0]  }
0x2b7: {  	v7 =	vld [tilespmem:s24+$0xF0]  }
0x2b8: {  	v8 =	vld [tilespmem:s24+$0xFFFFFF00];
	v1 =	vmul.f32 v21, v1;
	v4 =	vadd.f32 v4, v5  }
0x2b9: {  	v5 =	vld [tilespmem:s28+$0xF0]  }
0x2ba: {  	v9 =	vld [tilespmem:s23+$0xFFFFFF40];
	v1 =	vadd.f32 $0.0e+00, v1;
	v4 =	vmul.f32 v22, v4;
	v2 =	vadd.f32 v2, v3  }
0x2bb: {  	v3 =	vld [tilespmem:s24+$0xFFFFFF40]  }
0x2bc: {  	s0 =	sadd.s32 $0x10F, s25;
	v10 =	vld [tilespmem:s23+$0xFFFFFF80];
	v1 =	vadd.f32 v4, v1;
	v2 =	vmul.f32 v23, v2;
	v4 =	vadd.f32 v7, v6  }
0x2bd: {  	v7 =	vor.u32 s0, v0;
	v6 =	vld [tilespmem:s24+$0xFFFFFF80]  }
0x2be: {  	v11 =	vld [tilespmem:s23+$0xFFFFFFC0];
	v1 =	vadd.f32 v2, v1;
	v2 =	vmul.f32 v5, v4  }
0x2bf: {  	v4 =	vld [tilespmem:s24+$0xFFFFFFC0]  }
0x2c0: {  	v3 =	vadd.f32 v3, v9;
	v5 =	vld [tilespmem:s23+$0x0];
	v1 =	vadd.f32 v2, v1  }
0x2c1: {  	v2 =	vld [tilespmem:s24+$0x0]  }
0x2c2: {  	v6 =	vadd.f32 v6, v10;
	v9 =	vld [tilespmem:s23+$0x40];
	[tilespmem:v7+s22+$0x0] =	vst.idx.msk $0xffff, v1  }
0x2c3: {  	v1 =	vld [tilespmem:s24+$0x40]  }
0x2c4: {  	v4 =	vadd.f32 v4, v11;
	v7 =	vld [tilespmem:s23+$0x80]  }
0x2c5: {  	v10 =	vld [tilespmem:s24+$0x80]  }
0x2c6: {  	v11 =	vld [tilespmem:s23+$0xFFFFFF00];
	v2 =	vadd.f32 v2, v5  }
0x2c7: {  	v5 =	vld [tilespmem:s28+$0xFFFFFF00]  }
0x2c8: {  	v12 =	vld [tilespmem:s23+$0xFFFFFF10];
	v1 =	vadd.f32 v1, v9  }
0x2c9: {  	v9 =	vld [tilespmem:s24+$0xFFFFFF10]  }
0x2ca: {  	v13 =	vld [tilespmem:s28+$0xFFFFFF40];
	v7 =	vadd.f32 v10, v7  }
0x2cb: {  	v8 =	vadd.f32 v8, v11;
	v10 =	vld [tilespmem:s23+$0xFFFFFF50]  }
0x2cc: {  	v11 =	vld [tilespmem:s24+$0xFFFFFF50]  }
0x2cd: {  	v5 =	vmul.f32 v5, v8;
	v8 =	vld [tilespmem:s28+$0xFFFFFF80]  }
0x2ce: {  	v9 =	vadd.f32 v9, v12;
	v12 =	vld [tilespmem:s23+$0xFFFFFF90]  }
0x2cf: {  	v5 =	vadd.f32 $0.0e+00, v5;
	v3 =	vmul.f32 v13, v3;
	v13 =	vld [tilespmem:s24+$0xFFFFFF90]  }
0x2d0: {  	v14 =	vld [tilespmem:s28+$0xFFFFFFC0]  }
0x2d1: {  	v3 =	vadd.f32 $0.0e+00, v3;
	v10 =	vadd.f32 v11, v10;
	v11 =	vld [tilespmem:s23+$0xFFFFFFD0]  }
0x2d2: {  	v6 =	vmul.f32 v8, v6;
	v8 =	vld [tilespmem:s24+$0xFFFFFFD0]  }
0x2d3: {  	v15 =	vld [tilespmem:s28+$0x0]  }
0x2d4: {  	v6 =	vadd.f32 $0.0e+00, v6;
	v12 =	vadd.f32 v13, v12;
	v13 =	vld [tilespmem:s23+$0x10]  }
0x2d5: {  	v4 =	vmul.f32 v14, v4;
	v14 =	vld [tilespmem:s24+$0x10]  }
0x2d6: {  	v16 =	vld [tilespmem:s28+$0x40]  }
0x2d7: {  	v4 =	vadd.f32 $0.0e+00, v4;
	v8 =	vadd.f32 v8, v11;
	v11 =	vld [tilespmem:s23+$0x50]  }
0x2d8: {  	v2 =	vmul.f32 v15, v2;
	v15 =	vld [tilespmem:s24+$0x50]  }
0x2d9: {  	v17 =	vld [tilespmem:s28+$0x80]  }
0x2da: {  	v2 =	vadd.f32 $0.0e+00, v2;
	v13 =	vadd.f32 v14, v13;
	v14 =	vld [tilespmem:s23+$0x90]  }
0x2db: {  	v1 =	vmul.f32 v16, v1;
	v16 =	vld [tilespmem:s24+$0x90]  }
0x2dc: {  	v18 =	vld [tilespmem:s28+$0xFFFFFF10]  }
0x2dd: {  	v19 =	vld [tilespmem:s23+$0xFFFFFF20];
	v1 =	vadd.f32 $0.0e+00, v1;
	v11 =	vadd.f32 v15, v11  }
0x2de: {  	v15 =	vld [tilespmem:s24+$0xFFFFFF20];
	v7 =	vmul.f32 v17, v7  }
0x2df: {  	v17 =	vld [tilespmem:s28+$0xFFFFFF50]  }
0x2e0: {  	v20 =	vld [tilespmem:s23+$0xFFFFFF60];
	v7 =	vadd.f32 $0.0e+00, v7;
	v14 =	vadd.f32 v16, v14  }
0x2e1: {  	v9 =	vmul.f32 v18, v9;
	v16 =	vld [tilespmem:s24+$0xFFFFFF60]  }
0x2e2: {  	v18 =	vld [tilespmem:s28+$0xFFFFFF90]  }
0x2e3: {  	v5 =	vadd.f32 v9, v5;
	v9 =	vadd.f32 v15, v19;
	v15 =	vld [tilespmem:s23+$0xFFFFFFA0]  }
0x2e4: {  	v10 =	vmul.f32 v17, v10;
	v17 =	vld [tilespmem:s24+$0xFFFFFFA0]  }
0x2e5: {  	v19 =	vld [tilespmem:s28+$0xFFFFFFD0]  }
0x2e6: {  	v3 =	vadd.f32 v10, v3;
	v10 =	vadd.f32 v16, v20;
	v16 =	vld [tilespmem:s23+$0xFFFFFFE0]  }
0x2e7: {  	v12 =	vmul.f32 v18, v12;
	v18 =	vld [tilespmem:s24+$0xFFFFFFE0]  }
0x2e8: {  	v20 =	vld [tilespmem:s28+$0x10]  }
0x2e9: {  	v6 =	vadd.f32 v12, v6;
	v12 =	vadd.f32 v17, v15;
	v15 =	vld [tilespmem:s23+$0x20]  }
0x2ea: {  	v8 =	vmul.f32 v19, v8;
	v17 =	vld [tilespmem:s24+$0x20]  }
0x2eb: {  	v19 =	vld [tilespmem:s28+$0x50]  }
0x2ec: {  	v4 =	vadd.f32 v8, v4;
	v16 =	vadd.f32 v18, v16;
	v8 =	vld [tilespmem:s23+$0x60]  }
0x2ed: {  	v13 =	vmul.f32 v20, v13;
	v18 =	vld [tilespmem:s24+$0x60]  }
0x2ee: {  	v20 =	vld [tilespmem:s28+$0x90]  }
0x2ef: {  	v13 =	vadd.f32 v13, v2;
	v15 =	vadd.f32 v17, v15;
	v2 =	vld [tilespmem:s23+$0xA0]  }
0x2f0: {  	v11 =	vmul.f32 v19, v11;
	v17 =	vld [tilespmem:s24+$0xA0]  }
0x2f1: {  	v19 =	vld [tilespmem:s28+$0xFFFFFF20]  }
0x2f2: {  	v21 =	vld [tilespmem:s23+$0xFFFFFF30];
	v11 =	vadd.f32 v11, v1;
	v18 =	vadd.f32 v18, v8  }
0x2f3: {  	v8 =	vld [tilespmem:s24+$0xFFFFFF30];
	v1 =	vmul.f32 v20, v14  }
0x2f4: {  	v14 =	vld [tilespmem:s28+$0xFFFFFF60]  }
0x2f5: {  	v20 =	vld [tilespmem:s23+$0xFFFFFF70];
	v7 =	vadd.f32 v1, v7;
	v17 =	vadd.f32 v17, v2  }
0x2f6: {  	v1 =	vmul.f32 v19, v9;
	v9 =	vld [tilespmem:s24+$0xFFFFFF70]  }
0x2f7: {  	v19 =	vld [tilespmem:s28+$0xFFFFFFA0]  }
0x2f8: {  	v1 =	vadd.f32 v1, v5;
	v21 =	vadd.f32 v8, v21;
	v5 =	vld [tilespmem:s23+$0xFFFFFFB0]  }
0x2f9: {  	v2 =	vmul.f32 v14, v10;
	v8 =	vld [tilespmem:s24+$0xFFFFFFB0]  }
0x2fa: {  	v10 =	vld [tilespmem:s28+$0xFFFFFFE0]  }
0x2fb: {  	v2 =	vadd.f32 v2, v3;
	v23 =	vadd.f32 v9, v20;
	v9 =	vld [tilespmem:s23+$0xFFFFFFF0]  }
0x2fc: {  	v3 =	vmul.f32 v19, v12;
	v12 =	vld [tilespmem:s24+$0xFFFFFFF0]  }
0x2fd: {  	v14 =	vld [tilespmem:s28+$0x20]  }
0x2fe: {  	v3 =	vadd.f32 v3, v6;
	v8 =	vadd.f32 v8, v5;
	v6 =	vld [tilespmem:s23+$0x30]  }
0x2ff: {  	v5 =	vmul.f32 v10, v16;
	v10 =	vld [tilespmem:s24+$0x30]  }
0x300: {  	v16 =	vld [tilespmem:s28+$0x60]  }
0x301: {  	v4 =	vadd.f32 v5, v4;
	v9 =	vadd.f32 v12, v9;
	v12 =	vld [tilespmem:s23+$0x70]  }
0x302: {  	v5 =	vmul.f32 v14, v15;
	v14 =	vld [tilespmem:s24+$0x70]  }
0x303: {  	v15 =	vld [tilespmem:s28+$0xA0]  }
0x304: {  	v5 =	vadd.f32 v5, v13;
	v10 =	vadd.f32 v10, v6;
	v13 =	vld [tilespmem:s23+$0xB0]  }
0x305: {  	v6 =	vmul.f32 v16, v18;
	v16 =	vld [tilespmem:s24+$0xB0]  }
0x306: {  	v22 =	vld [tilespmem:s28+$0xFFFFFF30]  }
0x307: {  	v24 =	vld [tilespmem:s28+$0xFFFFFF70];
	v6 =	vadd.f32 v6, v11;
	v11 =	vadd.f32 v14, v12  }
.Ltmp2:
0x308: {  	v20 =	vld [tilespmem:s28+$0xFFFFFFB0];
	v12 =	vmul.f32 v15, v17;
	(pc) =	sbr.rel @p0 .LBB2_6-.Ltmp2, $4  }
0x309: {  	s0 =	sadd.s32 $0x108, s25;
	v19 =	vld [tilespmem:s28+$0xFFFFFFF0]  }
0x30a: {  	v17 =	vor.u32 s0, v0;
	s0 =	sadd.s32 $0x109, s25;
	v18 =	vld [tilespmem:s28+$0x30];
	v7 =	vadd.f32 v12, v7;
	v12 =	vadd.f32 v16, v13  }
0x30b: {  	v13 =	vor.u32 s0, v0;
	s0 =	sadd.s32 $0x10A, s25;
	v22 =	vmul.f32 v22, v21;
	v14 =	vld [tilespmem:s28+$0x70]  }
0x30c: {  	s29 =	sadd.s32 $0x10B, s25;
	v15 =	vor.u32 s0, v0;
	v21 =	vmul.f32 v24, v23;
	v16 =	vld [tilespmem:s28+$0xB0];
	s28 =	sadd.s32 $0x200, s28  }
0x30d: {  	_ =	sdelay $0x1  }
0x30e: {  	v1 =	vadd.f32 v22, v1;
	v8 =	vmul.f32 v20, v8;
	v20 =	vor.u32 s29, v0;
	s0 =	sadd.s32 $0x10C, s25  }
0x30f: {  	s24 =	sadd.s32 $0x10D, s25;
	v2 =	vadd.f32 v21, v2;
	v9 =	vmul.f32 v19, v9;
	v19 =	vor.u32 s0, v0  }
0x310: {  	s26 =	sadd.s32 $0x10E, s25;
	[tilespmem:v17+s22+$0x0] =	vst.idx.msk $0xffff, v1;
	v1 =	vadd.f32 v8, v3;
	v3 =	vmul.f32 v18, v10;
	v8 =	vor.u32 s24, v0  }
0x311: {  	[tilespmem:v13+s22+$0x0] =	vst.idx.msk $0xffff, v2;
	v2 =	vadd.f32 v9, v4;
	v4 =	vmul.f32 v14, v11;
	v9 =	vor.u32 s26, v0  }
0x312: {  	[tilespmem:v15+s22+$0x0] =	vst.idx.msk $0xffff, v1;
	v1 =	vadd.f32 v3, v5;
	v3 =	vmul.f32 v16, v12  }
0x313: {  	[tilespmem:v20+s22+$0x0] =	vst.idx.msk $0xffff, v2;
	v2 =	vadd.f32 v4, v6  }
0x314: {  	[tilespmem:v19+s22+$0x0] =	vst.idx.msk $0xffff, v1;
	v1 =	vadd.f32 v3, v7  }
0x315: {  	[tilespmem:v8+s22+$0x0] =	vst.idx.msk $0xffff, v2  }
0x316: {  	[tilespmem:v9+s22+$0x0] =	vst.idx.msk $0xffff, v1  }
0x317: {  	_ =	swait.ge [sflag:s18], $0x2000  }
0x318: {  	[sflag:s18] =	ssyncset.done $0x0  }
0x319: {  	[sflag:s18] =	ssyncadd.s32 $0xFFFFE000  }
0x31a: {  	_ =	swait.ge [sflag:s18], $0x2000  }
0x31b: {  	[sflag:s18] =	ssyncset.done $0x0  }
0x31c: {  	[sflag:s18] =	ssyncadd.s32 $0xFFFFE000  }
0x31d: {  	_ =	swait.ge [sflag:s18], $0x2000  }
0x31e: {  	[sflag:s18] =	ssyncset.done $0x0  }
0x31f: {  	s31 =	simm.s32 $0x16700;
	[sflag:s18] =	ssyncadd.s32 $0xFFFFE000  }
0x320: {  	v1 =	vld [tilespmem:s31+$0xE0]  }
0x321: {  	v2 =	vld [tilespmem:s31+$0xD0]  }
0x322: {  	s24 =	simm.s32 $0x12700;
	v3 =	vld [tilespmem:s31+$0xC0]  }
0x323: {  	s25 =	simm.s32 $0x14700;
	v4 =	vld [tilespmem:s24+$0xC0]  }
0x324: {  	v5 =	vld [tilespmem:s25+$0xC0]  }
0x325: {  	v6 =	vld [tilespmem:s24+$0xD0]  }
0x326: {  	v7 =	vld [tilespmem:s25+$0xD0]  }
0x327: {  	v8 =	vld [tilespmem:s24+$0xE0]  }
0x328: {  	v9 =	vld [tilespmem:s25+$0xE0]  }
0x329: {  	v10 =	vld [tilespmem:s24+$0xF0]  }
0x32a: {  	v11 =	vld [tilespmem:s25+$0xF0]  }
0x32b: {  	v12 =	vld [tilespmem:s25+$0xFFFFFF00]  }
0x32c: {  	v13 =	vld [tilespmem:s31+$0xF0]  }
0x32d: {  	v14 =	vld [tilespmem:s24+$0xFFFFFF40]  }
0x32e: {  	v15 =	vld [tilespmem:s25+$0xFFFFFF40]  }
0x32f: {  	v16 =	vld [tilespmem:s24+$0xFFFFFF80]  }
0x330: {  	v17 =	vld [tilespmem:s25+$0xFFFFFF80]  }
0x331: {  	v18 =	vld [tilespmem:s24+$0xFFFFFFC0]  }
0x332: {  	v19 =	vld [tilespmem:s25+$0xFFFFFFC0]  }
0x333: {  	v20 =	vld [tilespmem:s24+$0x0]  }
0x334: {  	v21 =	vld [tilespmem:s25+$0x0]  }
0x335: {  	v22 =	vld [tilespmem:s24+$0x40]  }
0x336: {  	v23 =	vld [tilespmem:s25+$0x40]  }
0x337: {  	v24 =	vld [tilespmem:s24+$0x80]  }
0x338: {  	v25 =	vld [tilespmem:s25+$0x80]  }
0x339: {  	v26 =	vld [tilespmem:s24+$0xFFFFFF00]  }
0x33a: {  	v27 =	vld [tilespmem:s31+$0xFFFFFF00]  }
0x33b: {  	v28 =	vld [tilespmem:s24+$0xFFFFFF10]  }
0x33c: {  	v29 =	vld [tilespmem:s25+$0xFFFFFF10]  }
0x33d: {  	v30 =	vld [tilespmem:s31+$0xFFFFFF40]  }
0x33e: {  	v31 =	vld [tilespmem:s24+$0xFFFFFF50]  }
0x33f: {  	v32 =	vld [tilespmem:s25+$0xFFFFFF50]  }
0x340: {  	v33 =	vld [tilespmem:s31+$0xFFFFFF80]  }
0x341: {  	v34 =	vld [tilespmem:s24+$0xFFFFFF90]  }
0x342: {  	v35 =	vld [tilespmem:s25+$0xFFFFFF90]  }
0x343: {  	v36 =	vld [tilespmem:s31+$0xFFFFFFC0]  }
0x344: {  	v37 =	vld [tilespmem:s24+$0xFFFFFFD0]  }
0x345: {  	v38 =	vld [tilespmem:s25+$0xFFFFFFD0]  }
0x346: {  	v39 =	vld [tilespmem:s31+$0x0]  }
0x347: {  	v40 =	vld [tilespmem:s24+$0x10]  }
0x348: {  	v41 =	vld [tilespmem:s25+$0x10]  }
0x349: {  	v42 =	vld [tilespmem:s31+$0x40]  }
0x34a: {  	v43 =	vld [tilespmem:s24+$0x50]  }
0x34b: {  	v44 =	vld [tilespmem:s25+$0x50]  }
0x34c: {  	v45 =	vld [tilespmem:s31+$0x80]  }
0x34d: {  	v46 =	vld [tilespmem:s24+$0x90]  }
0x34e: {  	v47 =	vld [tilespmem:s25+$0x90]  }
0x34f: {  	v48 =	vld [tilespmem:s31+$0xFFFFFF10]  }
0x350: {  	v49 =	vld [tilespmem:s24+$0xFFFFFF20]  }
0x351: {  	v50 =	vld [tilespmem:s25+$0xFFFFFF20]  }
0x352: {  	v51 =	vld [tilespmem:s31+$0xFFFFFF50]  }
0x353: {  	v52 =	vld [tilespmem:s24+$0xFFFFFF60]  }
0x354: {  	v53 =	vld [tilespmem:s25+$0xFFFFFF60]  }
0x355: {  	v54 =	vld [tilespmem:s31+$0xFFFFFF90]  }
0x356: {  	v55 =	vld [tilespmem:s24+$0xFFFFFFA0]  }
0x357: {  	v56 =	vld [tilespmem:s25+$0xFFFFFFA0]  }
0x358: {  	v57 =	vld [tilespmem:s31+$0xFFFFFFD0]  }
0x359: {  	v58 =	vld [tilespmem:s24+$0xFFFFFFE0]  }
0x35a: {  	v59 =	vld [tilespmem:s25+$0xFFFFFFE0]  }
0x35b: {  	v60 =	vld [tilespmem:s24+$0x20]  }
0x35c: {  	v63 =	vld [tilespmem:s31+$0xFFFFFFA0]  }
0x35d: {  	v4 =	vadd.f32 v5, v4;
	v5 =	vld [tilespmem:s31+$0x10]  }
0x35e: {  	v40 =	vadd.f32 v41, v40;
	v41 =	vld [tilespmem:s24+$0xFFFFFFB0]  }
0x35f: {  	v43 =	vadd.f32 v44, v43;
	v44 =	vld [tilespmem:s25+$0xFFFFFFB0]  }
0x360: {  	v38 =	vadd.f32 v38, v37;
	v3 =	vmul.f32 v3, v4;
	v4 =	vadd.f32 v7, v6;
	v6 =	vld [tilespmem:s25+$0x20]  }
0x361: {  	v7 =	vld [tilespmem:s31+$0x50]  }
0x362: {  	v12 =	vadd.f32 v12, v26;
	v26 =	vmul.f32 v57, v38;
	v57 =	vld [tilespmem:s24+$0x70]  }
0x363: {  	v2 =	vmul.f32 v2, v4;
	v4 =	vadd.f32 v9, v8;
	v8 =	vld [tilespmem:s24+$0x60]  }
0x364: {  	v62 =	vadd.f32 v35, v34;
	v3 =	vadd.f32 $0.0e+00, v3;
	v9 =	vld [tilespmem:s25+$0x60]  }
0x365: {  	v47 =	vadd.f32 v47, v46;
	v12 =	vmul.f32 v27, v12;
	v1 =	vmul.f32 v1, v4;
	v4 =	vld [tilespmem:s31+$0x90]  }
0x366: {  	v2 =	vadd.f32 v2, v3;
	v3 =	vadd.f32 v11, v10;
	v10 =	vld [tilespmem:s24+$0xA0]  }
0x367: {  	v12 =	vadd.f32 $0.0e+00, v12;
	v11 =	vld [tilespmem:s31+$0xFFFFFF20];
	v6 =	vadd.f32 v6, v60  }
0x368: {  	v60 =	vld [tilespmem:s25+$0xB0];
	v1 =	vadd.f32 v1, v2;
	v2 =	vmul.f32 v13, v3;
	v13 =	vadd.f32 v15, v14  }
0x369: {  	v3 =	vld [tilespmem:s25+$0xA0];
	v15 =	vadd.f32 v19, v18;
	v18 =	vadd.f32 v23, v22  }
0x36a: {  	v14 =	vld [tilespmem:s25+$0xFFFFFF30];
	v19 =	vadd.f32 v25, v24;
	v22 =	vadd.f32 v32, v31  }
0x36b: {  	v5 =	vmul.f32 v5, v40;
	v23 =	vld [tilespmem:s25+$0xFFFFFF70];
	v61 =	vadd.f32 v2, v1;
	v1 =	vadd.f32 v17, v16  }
0x36c: {  	v2 =	vld [tilespmem:s24+$0xFFFFFF30];
	v16 =	vadd.f32 v21, v20;
	v21 =	vadd.f32 v29, v28;
	v13 =	vmul.f32 v30, v13  }
0x36d: {  	v17 =	vld [tilespmem:s31+$0xFFFFFF60];
	v15 =	vmul.f32 v36, v15;
	v22 =	vmul.f32 v51, v22;
	v51 =	vadd.f32 v53, v52  }
0x36e: {  	v20 =	vld [tilespmem:s24+$0xFFFFFF70];
	v18 =	vmul.f32 v42, v18;
	v53 =	vadd.f32 v56, v55;
	v55 =	vadd.f32 v59, v58  }
0x36f: {  	v52 =	vld [tilespmem:s31+$0x20];
	v1 =	vmul.f32 v33, v1;
	v16 =	vmul.f32 v39, v16;
	v13 =	vadd.f32 $0.0e+00, v13  }
0x370: {  	v56 =	vld [tilespmem:s31+$0x60];
	v21 =	vmul.f32 v48, v21;
	v15 =	vadd.f32 $0.0e+00, v15;
	v58 =	vadd.f32 v3, v10  }
0x371: {  	v48 =	vld [tilespmem:s31+$0xFFFFFFE0];
	v13 =	vadd.f32 v22, v13;
	v1 =	vadd.f32 $0.0e+00, v1;
	v22 =	vmul.f32 v54, v62  }
0x372: {  	v3 =	vmul.f32 v63, v53;
	v63 =	vld [tilespmem:s31+$0xFFFFFF70];
	v12 =	vadd.f32 v21, v12;
	v21 =	vadd.f32 v50, v49  }
0x373: {  	v19 =	vmul.f32 v45, v19;
	v49 =	vld [tilespmem:s24+$0xFFFFFFF0];
	v22 =	vadd.f32 v22, v1;
	v1 =	vadd.f32 $0.0e+00, v16  }
0x374: {  	v7 =	vmul.f32 v7, v43;
	v18 =	vadd.f32 $0.0e+00, v18;
	v50 =	vld [tilespmem:s25+$0xFFFFFFF0];
	v15 =	vadd.f32 v26, v15  }
0x375: {  	v4 =	vmul.f32 v4, v47;
	v54 =	vld [tilespmem:s24+$0x30];
	v5 =	vadd.f32 v5, v1;
	v1 =	vadd.f32 $0.0e+00, v19  }
0x376: {  	v7 =	vadd.f32 v7, v18;
	v59 =	vadd.f32 v14, v2;
	v16 =	vld [tilespmem:s25+$0x30]  }
0x377: {  	s23 =	simm.s32 $0x187;
	v11 =	vmul.f32 v11, v21;
	v21 =	vadd.f32 v4, v1;
	v4 =	vmul.f32 v17, v51;
	v17 =	vld [tilespmem:s31+$0xA0]  }
0x378: {  	v18 =	vld [tilespmem:s25+$0x70];
	v62 =	vor.u32 s23, v0;
	v23 =	vadd.f32 v23, v20;
	v19 =	vadd.f32 v9, v8  }
0x379: {  	v6 =	vmul.f32 v52, v6;
	v3 =	vadd.f32 v3, v22;
	v22 =	vld [tilespmem:s31+$0xFFFFFF30];
	v8 =	vadd.f32 v44, v41  }
0x37a: {  	v1 =	vadd.f32 v11, v12;
	v12 =	vld [tilespmem:s24+$0xB0];
	v2 =	vadd.f32 v4, v13;
	v4 =	vmul.f32 v48, v55  }
0x37b: {  	v20 =	vld [tilespmem:s31+$0xFFFFFFB0];
	v9 =	vadd.f32 v50, v49;
	v11 =	vmul.f32 v56, v19;
	v5 =	vadd.f32 v6, v5  }
0x37c: {  	s26 =	simm.s32 $0x180;
	v19 =	vld [tilespmem:s31+$0xFFFFFFF0];
	v10 =	vadd.f32 v16, v54;
	v4 =	vadd.f32 v4, v15;
	v15 =	vmul.f32 v17, v58  }
0x37d: {  	s28 =	simm.s32 $0xFFFFFFF8;
	s23 =	simm.s32 $0x181;
	v14 =	vld [tilespmem:s31+$0x30];
	v6 =	vadd.f32 v11, v7;
	v11 =	vadd.f32 v18, v57;
	v13 =	vor.u32 s26, v0  }
0x37e: {  	s29 =	simm.s32 $0x0;
	s0 =	simm.s32 $0x182;
	v16 =	vld [tilespmem:s31+$0x70];
	s26 =	simm.s32 $0x19600;
	v22 =	vmul.f32 v22, v59;
	v7 =	vadd.f32 v15, v21;
	v15 =	vor.u32 s23, v0  }
0x37f: {  	[tilespmem:v62+s22+$0x0] =	vst.idx.msk $0xffff, v61;
	v18 =	vld [tilespmem:s31+$0xB0];
	s31 =	simm.s32 $0x16900;
	v12 =	vadd.f32 v60, v12;
	v17 =	vor.u32 s0, v0;
	s0 =	simm.s32 $0x183;
	s23 =	simm.s32 $0x1A620;
	v21 =	vmul.f32 v63, v23  }
.LBB2_8:
0x380: {  	v23 =	vld [tilespmem:s31+$0xE0];
	v1 =	vadd.f32 v22, v1;
	v8 =	vmul.f32 v20, v8;
	v20 =	vor.u32 s0, v0;
	s0 =	sadd.s32 $0x18C, s28  }
0x381: {  	v22 =	vld [tilespmem:s31+$0xD0];
	v2 =	vadd.f32 v21, v2;
	v9 =	vmul.f32 v19, v9;
	v19 =	vor.u32 s0, v0;
	s0 =	sadd.s32 $0x18D, s28  }
0x382: {  	s24 =	sadd.s32 $0x200, s24;
	v21 =	vld [tilespmem:s31+$0xC0];
	[tilespmem:v13+s22+$0x0] =	vst.idx.msk $0xffff, v1;
	v1 =	vadd.f32 v8, v3;
	v3 =	vmul.f32 v14, v10;
	v8 =	vor.u32 s0, v0;
	s0 =	sadd.s32 $0x18E, s28;
	s28 =	smov.u32 s29  }
0x383: {  	s25 =	sadd.s32 $0x200, s25;
	v10 =	vld [tilespmem:s24+$0xC0];
	[tilespmem:v15+s22+$0x0] =	vst.idx.msk $0xffff, v2;
	v2 =	vadd.f32 v9, v4;
	v4 =	vmul.f32 v16, v11;
	v9 =	vor.u32 s0, v0  }
0x384: {  	s29 =	sadd.s32 $0x8, s29;
	v11 =	vld [tilespmem:s25+$0xC0];
	[tilespmem:v17+s22+$0x0] =	vst.idx.msk $0xffff, v1;
	v1 =	vadd.f32 v3, v5;
	v3 =	vmul.f32 v18, v12  }
0x385: {  	p0 =	slt.u32 s29, $0x78;
	v5 =	vld [tilespmem:s24+$0xD0];
	[tilespmem:v20+s22+$0x0] =	vst.idx.msk $0xffff, v2;
	v2 =	vadd.f32 v4, v6  }
0x386: {  	v4 =	vld [tilespmem:s25+$0xD0];
	[tilespmem:v19+s22+$0x0] =	vst.idx.msk $0xffff, v1;
	v1 =	vadd.f32 v3, v7  }
0x387: {  	v3 =	vld [tilespmem:s24+$0xE0];
	[tilespmem:v8+s22+$0x0] =	vst.idx.msk $0xffff, v2  }
0x388: {  	v2 =	vld [tilespmem:s25+$0xE0];
	[tilespmem:v9+s22+$0x0] =	vst.idx.msk $0xffff, v1  }
0x389: {  	v1 =	vadd.f32 v11, v10;
	v6 =	vld [tilespmem:s24+$0xF0]  }
0x38a: {  	v7 =	vld [tilespmem:s25+$0xF0]  }
0x38b: {  	v8 =	vld [tilespmem:s25+$0xFFFFFF00];
	v1 =	vmul.f32 v21, v1;
	v4 =	vadd.f32 v4, v5  }
0x38c: {  	v5 =	vld [tilespmem:s31+$0xF0]  }
0x38d: {  	v9 =	vld [tilespmem:s24+$0xFFFFFF40];
	v1 =	vadd.f32 $0.0e+00, v1;
	v4 =	vmul.f32 v22, v4;
	v2 =	vadd.f32 v2, v3  }
0x38e: {  	v3 =	vld [tilespmem:s25+$0xFFFFFF40]  }
0x38f: {  	s0 =	sadd.s32 $0x18F, s28;
	v10 =	vld [tilespmem:s24+$0xFFFFFF80];
	v1 =	vadd.f32 v4, v1;
	v2 =	vmul.f32 v23, v2;
	v4 =	vadd.f32 v7, v6  }
0x390: {  	v7 =	vor.u32 s0, v0;
	v6 =	vld [tilespmem:s25+$0xFFFFFF80]  }
0x391: {  	v11 =	vld [tilespmem:s24+$0xFFFFFFC0];
	v1 =	vadd.f32 v2, v1;
	v2 =	vmul.f32 v5, v4  }
0x392: {  	v4 =	vld [tilespmem:s25+$0xFFFFFFC0]  }
0x393: {  	v3 =	vadd.f32 v3, v9;
	v5 =	vld [tilespmem:s24+$0x0];
	v1 =	vadd.f32 v2, v1  }
0x394: {  	v2 =	vld [tilespmem:s25+$0x0]  }
0x395: {  	v6 =	vadd.f32 v6, v10;
	v9 =	vld [tilespmem:s24+$0x40];
	[tilespmem:v7+s22+$0x0] =	vst.idx.msk $0xffff, v1  }
0x396: {  	v1 =	vld [tilespmem:s25+$0x40]  }
0x397: {  	v4 =	vadd.f32 v4, v11;
	v7 =	vld [tilespmem:s24+$0x80]  }
0x398: {  	v10 =	vld [tilespmem:s25+$0x80]  }
0x399: {  	v11 =	vld [tilespmem:s24+$0xFFFFFF00];
	v2 =	vadd.f32 v2, v5  }
0x39a: {  	v5 =	vld [tilespmem:s31+$0xFFFFFF00]  }
0x39b: {  	v12 =	vld [tilespmem:s24+$0xFFFFFF10];
	v1 =	vadd.f32 v1, v9  }
0x39c: {  	v9 =	vld [tilespmem:s25+$0xFFFFFF10]  }
0x39d: {  	v13 =	vld [tilespmem:s31+$0xFFFFFF40];
	v7 =	vadd.f32 v10, v7  }
0x39e: {  	v8 =	vadd.f32 v8, v11;
	v10 =	vld [tilespmem:s24+$0xFFFFFF50]  }
0x39f: {  	v11 =	vld [tilespmem:s25+$0xFFFFFF50]  }
0x3a0: {  	v5 =	vmul.f32 v5, v8;
	v8 =	vld [tilespmem:s31+$0xFFFFFF80]  }
0x3a1: {  	v9 =	vadd.f32 v9, v12;
	v12 =	vld [tilespmem:s24+$0xFFFFFF90]  }
0x3a2: {  	v5 =	vadd.f32 $0.0e+00, v5;
	v3 =	vmul.f32 v13, v3;
	v13 =	vld [tilespmem:s25+$0xFFFFFF90]  }
0x3a3: {  	v14 =	vld [tilespmem:s31+$0xFFFFFFC0]  }
0x3a4: {  	v3 =	vadd.f32 $0.0e+00, v3;
	v10 =	vadd.f32 v11, v10;
	v11 =	vld [tilespmem:s24+$0xFFFFFFD0]  }
0x3a5: {  	v6 =	vmul.f32 v8, v6;
	v8 =	vld [tilespmem:s25+$0xFFFFFFD0]  }
0x3a6: {  	v15 =	vld [tilespmem:s31+$0x0]  }
0x3a7: {  	v6 =	vadd.f32 $0.0e+00, v6;
	v12 =	vadd.f32 v13, v12;
	v13 =	vld [tilespmem:s24+$0x10]  }
0x3a8: {  	v4 =	vmul.f32 v14, v4;
	v14 =	vld [tilespmem:s25+$0x10]  }
0x3a9: {  	v16 =	vld [tilespmem:s31+$0x40]  }
0x3aa: {  	v4 =	vadd.f32 $0.0e+00, v4;
	v8 =	vadd.f32 v8, v11;
	v11 =	vld [tilespmem:s24+$0x50]  }
0x3ab: {  	v2 =	vmul.f32 v15, v2;
	v15 =	vld [tilespmem:s25+$0x50]  }
0x3ac: {  	v17 =	vld [tilespmem:s31+$0x80]  }
0x3ad: {  	v2 =	vadd.f32 $0.0e+00, v2;
	v13 =	vadd.f32 v14, v13;
	v14 =	vld [tilespmem:s24+$0x90]  }
0x3ae: {  	v1 =	vmul.f32 v16, v1;
	v16 =	vld [tilespmem:s25+$0x90]  }
0x3af: {  	v18 =	vld [tilespmem:s31+$0xFFFFFF10]  }
0x3b0: {  	v19 =	vld [tilespmem:s24+$0xFFFFFF20];
	v1 =	vadd.f32 $0.0e+00, v1;
	v11 =	vadd.f32 v15, v11  }
0x3b1: {  	v15 =	vld [tilespmem:s25+$0xFFFFFF20];
	v7 =	vmul.f32 v17, v7  }
0x3b2: {  	v17 =	vld [tilespmem:s31+$0xFFFFFF50]  }
0x3b3: {  	v20 =	vld [tilespmem:s24+$0xFFFFFF60];
	v7 =	vadd.f32 $0.0e+00, v7;
	v14 =	vadd.f32 v16, v14  }
0x3b4: {  	v9 =	vmul.f32 v18, v9;
	v16 =	vld [tilespmem:s25+$0xFFFFFF60]  }
0x3b5: {  	v18 =	vld [tilespmem:s31+$0xFFFFFF90]  }
0x3b6: {  	v5 =	vadd.f32 v9, v5;
	v9 =	vadd.f32 v15, v19;
	v15 =	vld [tilespmem:s24+$0xFFFFFFA0]  }
0x3b7: {  	v10 =	vmul.f32 v17, v10;
	v17 =	vld [tilespmem:s25+$0xFFFFFFA0]  }
0x3b8: {  	v19 =	vld [tilespmem:s31+$0xFFFFFFD0]  }
0x3b9: {  	v3 =	vadd.f32 v10, v3;
	v10 =	vadd.f32 v16, v20;
	v16 =	vld [tilespmem:s24+$0xFFFFFFE0]  }
0x3ba: {  	v12 =	vmul.f32 v18, v12;
	v18 =	vld [tilespmem:s25+$0xFFFFFFE0]  }
0x3bb: {  	v20 =	vld [tilespmem:s31+$0x10]  }
0x3bc: {  	v6 =	vadd.f32 v12, v6;
	v12 =	vadd.f32 v17, v15;
	v15 =	vld [tilespmem:s24+$0x20]  }
0x3bd: {  	v8 =	vmul.f32 v19, v8;
	v17 =	vld [tilespmem:s25+$0x20]  }
0x3be: {  	v19 =	vld [tilespmem:s31+$0x50]  }
0x3bf: {  	v4 =	vadd.f32 v8, v4;
	v16 =	vadd.f32 v18, v16;
	v8 =	vld [tilespmem:s24+$0x60]  }
0x3c0: {  	v13 =	vmul.f32 v20, v13;
	v18 =	vld [tilespmem:s25+$0x60]  }
0x3c1: {  	v20 =	vld [tilespmem:s31+$0x90]  }
0x3c2: {  	v13 =	vadd.f32 v13, v2;
	v15 =	vadd.f32 v17, v15;
	v2 =	vld [tilespmem:s24+$0xA0]  }
0x3c3: {  	v11 =	vmul.f32 v19, v11;
	v17 =	vld [tilespmem:s25+$0xA0]  }
0x3c4: {  	v19 =	vld [tilespmem:s31+$0xFFFFFF20]  }
0x3c5: {  	v21 =	vld [tilespmem:s24+$0xFFFFFF30];
	v11 =	vadd.f32 v11, v1;
	v18 =	vadd.f32 v18, v8  }
0x3c6: {  	v8 =	vld [tilespmem:s25+$0xFFFFFF30];
	v1 =	vmul.f32 v20, v14  }
0x3c7: {  	v14 =	vld [tilespmem:s31+$0xFFFFFF60]  }
0x3c8: {  	v20 =	vld [tilespmem:s24+$0xFFFFFF70];
	v7 =	vadd.f32 v1, v7;
	v17 =	vadd.f32 v17, v2  }
0x3c9: {  	v1 =	vmul.f32 v19, v9;
	v9 =	vld [tilespmem:s25+$0xFFFFFF70]  }
0x3ca: {  	v19 =	vld [tilespmem:s31+$0xFFFFFFA0]  }
0x3cb: {  	v1 =	vadd.f32 v1, v5;
	v21 =	vadd.f32 v8, v21;
	v5 =	vld [tilespmem:s24+$0xFFFFFFB0]  }
0x3cc: {  	v2 =	vmul.f32 v14, v10;
	v8 =	vld [tilespmem:s25+$0xFFFFFFB0]  }
0x3cd: {  	v10 =	vld [tilespmem:s31+$0xFFFFFFE0]  }
0x3ce: {  	v2 =	vadd.f32 v2, v3;
	v23 =	vadd.f32 v9, v20;
	v9 =	vld [tilespmem:s24+$0xFFFFFFF0]  }
0x3cf: {  	v3 =	vmul.f32 v19, v12;
	v12 =	vld [tilespmem:s25+$0xFFFFFFF0]  }
0x3d0: {  	v14 =	vld [tilespmem:s31+$0x20]  }
0x3d1: {  	v3 =	vadd.f32 v3, v6;
	v8 =	vadd.f32 v8, v5;
	v6 =	vld [tilespmem:s24+$0x30]  }
0x3d2: {  	v5 =	vmul.f32 v10, v16;
	v10 =	vld [tilespmem:s25+$0x30]  }
0x3d3: {  	v16 =	vld [tilespmem:s31+$0x60]  }
0x3d4: {  	v4 =	vadd.f32 v5, v4;
	v9 =	vadd.f32 v12, v9;
	v12 =	vld [tilespmem:s24+$0x70]  }
0x3d5: {  	v5 =	vmul.f32 v14, v15;
	v14 =	vld [tilespmem:s25+$0x70]  }
0x3d6: {  	v15 =	vld [tilespmem:s31+$0xA0]  }
0x3d7: {  	v5 =	vadd.f32 v5, v13;
	v10 =	vadd.f32 v10, v6;
	v22 =	vld [tilespmem:s24+$0xB0]  }
0x3d8: {  	v6 =	vmul.f32 v16, v18;
	v16 =	vld [tilespmem:s25+$0xB0]  }
0x3d9: {  	v18 =	vld [tilespmem:s31+$0xFFFFFF30]  }
0x3da: {  	v24 =	vld [tilespmem:s31+$0xFFFFFF70];
	v6 =	vadd.f32 v6, v11;
	v11 =	vadd.f32 v14, v12  }
.Ltmp3:
0x3db: {  	v20 =	vld [tilespmem:s31+$0xFFFFFFB0];
	v12 =	vmul.f32 v15, v17;
	(pc) =	sbr.rel @p0 .LBB2_8-.Ltmp3, $4  }
0x3dc: {  	s0 =	sadd.s32 $0x188, s28;
	v19 =	vld [tilespmem:s31+$0xFFFFFFF0]  }
0x3dd: {  	v13 =	vor.u32 s0, v0;
	s0 =	sadd.s32 $0x189, s28;
	v14 =	vld [tilespmem:s31+$0x30];
	v7 =	vadd.f32 v12, v7;
	v12 =	vadd.f32 v16, v22  }
0x3de: {  	v15 =	vor.u32 s0, v0;
	s0 =	sadd.s32 $0x18A, s28;
	v22 =	vmul.f32 v18, v21;
	v16 =	vld [tilespmem:s31+$0x70]  }
0x3df: {  	v17 =	vor.u32 s0, v0;
	s0 =	sadd.s32 $0x18B, s28;
	v21 =	vmul.f32 v24, v23;
	v18 =	vld [tilespmem:s31+$0xB0];
	s31 =	sadd.s32 $0x200, s31  }
0x3e0: {  	_ =	sdelay $0x1  }
0x3e1: {  	v1 =	vadd.f32 v22, v1;
	v8 =	vmul.f32 v20, v8;
	v47 =	vor.u32 s0, v0;
	s25 =	sadd.s32 $0x18C, s28  }
0x3e2: {  	s29 =	sadd.s32 $0x18D, s28;
	v2 =	vadd.f32 v21, v2;
	v9 =	vmul.f32 v19, v9;
	v48 =	vor.u32 s25, v0  }
0x3e3: {  	s31 =	sadd.s32 $0x18E, s28;
	[tilespmem:v13+s22+$0x0] =	vst.idx.msk $0xffff, v1;
	v1 =	vadd.f32 v8, v3;
	v3 =	vmul.f32 v14, v10;
	v8 =	vor.u32 s29, v0  }
0x3e4: {  	[tilespmem:v15+s22+$0x0] =	vst.idx.msk $0xffff, v2;
	v2 =	vadd.f32 v9, v4;
	v4 =	vmul.f32 v16, v11;
	v9 =	vor.u32 s31, v0  }
0x3e5: {  	[tilespmem:v17+s22+$0x0] =	vst.idx.msk $0xffff, v1;
	v1 =	vadd.f32 v3, v5;
	v3 =	vmul.f32 v18, v12  }
0x3e6: {  	[tilespmem:v47+s22+$0x0] =	vst.idx.msk $0xffff, v2;
	v2 =	vadd.f32 v4, v6  }
0x3e7: {  	[tilespmem:v48+s22+$0x0] =	vst.idx.msk $0xffff, v1;
	v1 =	vadd.f32 v3, v7  }
0x3e8: {  	[tilespmem:v8+s22+$0x0] =	vst.idx.msk $0xffff, v2  }
0x3e9: {  	[tilespmem:v9+s22+$0x0] =	vst.idx.msk $0xffff, v1  }
0x3ea: {  	v1 =	vld [tilespmem:s26+$0xFFFFF030]  }
0x3eb: {  	v2 =	vld [tilespmem:s26+$0xFFFFF010]  }
0x3ec: {  	v3 =	vld [tilespmem:s26+$0xFFFFF230]  }
0x3ed: {  	v4 =	vld [tilespmem:s26+$0xFFFFF020]  }
0x3ee: {  	v5 =	vld [tilespmem:s26+$0xFFFFF430]  }
0x3ef: {  	v6 =	vld [tilespmem:s26+$0xFFFFF000]  }
0x3f0: {  	v7 =	vld [tilespmem:s26+$0xFFFFF630]  }
0x3f1: {  	v8 =	vld [tilespmem:s26+$0xFFFFF200]  }
0x3f2: {  	v9 =	vld [tilespmem:s26+$0xFFFFF830]  }
0x3f3: {  	v10 =	vld [tilespmem:s26+$0xFFFFF210]  }
0x3f4: {  	v11 =	vld [tilespmem:s26+$0xFFFFFA30]  }
0x3f5: {  	v49 =	vld [tilespmem:s26+$0xFFFFF220]  }
0x3f6: {  	v13 =	vld [tilespmem:s26+$0xFFFFFC30]  }
0x3f7: {  	v50 =	vld [tilespmem:s26+$0xFFFFF400]  }
0x3f8: {  	v15 =	vld [tilespmem:s26+$0xFFFFFE30]  }
0x3f9: {  	v51 =	vld [tilespmem:s26+$0xFFFFF410]  }
0x3fa: {  	v17 =	vld [tilespmem:s26+$0x30]  }
0x3fb: {  	v52 =	vld [tilespmem:s26+$0xFFFFF420]  }
0x3fc: {  	v19 =	vld [tilespmem:s26+$0x230]  }
0x3fd: {  	v20 =	vld [tilespmem:s26+$0xFFFFF600]  }
0x3fe: {  	v53 =	vld [tilespmem:s26+$0x430]  }
0x3ff: {  	v54 =	vld [tilespmem:s26+$0xFFFFF610]  }
0x400: {  	v23 =	vld [tilespmem:s26+$0x630]  }
0x401: {  	v24 =	vld [tilespmem:s26+$0xFFFFF620]  }
0x402: {  	v25 =	vld [tilespmem:s26+$0x830]  }
0x403: {  	v26 =	vld [tilespmem:s26+$0xFFFFF800]  }
0x404: {  	v27 =	vld [tilespmem:s26+$0xA30]  }
0x405: {  	v28 =	vld [tilespmem:s26+$0xFFFFF810]  }
0x406: {  	v29 =	vld [tilespmem:s26+$0xC30]  }
0x407: {  	v30 =	vld [tilespmem:s26+$0xFFFFF820]  }
0x408: {  	v31 =	vld [tilespmem:s26+$0xE30]  }
0x409: {  	v32 =	vld [tilespmem:s26+$0xFFFFFA00];
	v1 =	vadd.f32 $0.0e+00, v1  }
0x40a: {  	v33 =	vld [tilespmem:s26+$0xFFFFFA20]  }
0x40b: {  	v34 =	vld [tilespmem:s26+$0xFFFFFC10];
	v1 =	vadd.f32 v3, v1  }
0x40c: {  	v55 =	vld [tilespmem:s26+$0x10]  }
0x40d: {  	v56 =	vld [tilespmem:s26+$0x20];
	v6 =	vadd.f32 $0.0e+00, v6;
	v1 =	vadd.f32 v5, v1  }
0x40e: {  	v57 =	vld [tilespmem:s26+$0x200];
	v2 =	vadd.f32 $0.0e+00, v2;
	v4 =	vadd.f32 $0.0e+00, v4  }
0x40f: {  	v58 =	vld [tilespmem:s26+$0x210];
	v6 =	vadd.f32 v8, v6;
	v1 =	vadd.f32 v7, v1  }
0x410: {  	v59 =	vld [tilespmem:s26+$0x220];
	v2 =	vadd.f32 v10, v2;
	v4 =	vadd.f32 v49, v4  }
0x411: {  	v60 =	vld [tilespmem:s26+$0x420];
	v6 =	vadd.f32 v50, v6;
	v1 =	vadd.f32 v9, v1  }
0x412: {  	v3 =	vld [tilespmem:s26+$0xFFFFFA10];
	v2 =	vadd.f32 v51, v2;
	v4 =	vadd.f32 v52, v4  }
0x413: {  	v8 =	vld [tilespmem:s26+$0xFFFFFE00];
	v6 =	vadd.f32 v20, v6;
	v1 =	vadd.f32 v11, v1  }
0x414: {  	v5 =	vld [tilespmem:s26+$0xFFFFFC00];
	v2 =	vadd.f32 v54, v2;
	v4 =	vadd.f32 v24, v4  }
0x415: {  	v7 =	vld [tilespmem:s26+$0xFFFFFC20];
	v6 =	vadd.f32 v26, v6;
	v1 =	vadd.f32 v13, v1  }
0x416: {  	v10 =	vld [tilespmem:s26+$0xFFFFFE20];
	v2 =	vadd.f32 v28, v2;
	v4 =	vadd.f32 v30, v4  }
0x417: {  	v9 =	vld [tilespmem:s26+$0xFFFFFE10];
	v6 =	vadd.f32 v32, v6;
	v1 =	vadd.f32 v15, v1  }
0x418: {  	v11 =	vld [tilespmem:s26+$0x0];
	v2 =	vadd.f32 v3, v2;
	v4 =	vadd.f32 v33, v4  }
0x419: {  	v61 =	vld [tilespmem:s26+$0x820];
	v5 =	vadd.f32 v5, v6;
	v1 =	vadd.f32 v17, v1  }
0x41a: {  	v63 =	vld [tilespmem:s26+$0xC00];
	v2 =	vadd.f32 v34, v2;
	v4 =	vadd.f32 v7, v4  }
0x41b: {  	v3 =	vld [tilespmem:s26+$0x400];
	v5 =	vadd.f32 v8, v5;
	v1 =	vadd.f32 v19, v1  }
0x41c: {  	v6 =	vld [tilespmem:s26+$0x410];
	v2 =	vadd.f32 v9, v2;
	v4 =	vadd.f32 v10, v4  }
0x41d: {  	v7 =	vld [tilespmem:s26+$0x600];
	v5 =	vadd.f32 v11, v5;
	v1 =	vadd.f32 v53, v1  }
0x41e: {  	v8 =	vld [tilespmem:s26+$0x610];
	v2 =	vadd.f32 v55, v2;
	v4 =	vadd.f32 v56, v4  }
0x41f: {  	v9 =	vld [tilespmem:s26+$0x620];
	v5 =	vadd.f32 v57, v5;
	v1 =	vadd.f32 v23, v1  }
0x420: {  	v10 =	vld [tilespmem:s26+$0x800];
	v2 =	vadd.f32 v58, v2;
	v4 =	vadd.f32 v59, v4  }
0x421: {  	v11 =	vld [tilespmem:s26+$0x810];
	v3 =	vadd.f32 v3, v5;
	v1 =	vadd.f32 v25, v1  }
0x422: {  	v5 =	vld [tilespmem:s26+$0xA00];
	v2 =	vadd.f32 v6, v2;
	v4 =	vadd.f32 v60, v4  }
0x423: {  	v6 =	vld [tilespmem:s26+$0xA10];
	v3 =	vadd.f32 v7, v3;
	v1 =	vadd.f32 v27, v1  }
0x424: {  	v7 =	vld [tilespmem:s26+$0xA20];
	v2 =	vadd.f32 v8, v2;
	v4 =	vadd.f32 v9, v4  }
0x425: {  	v3 =	vadd.f32 v10, v3;
	v62 =	vadd.f32 v29, v1;
	v1 =	vld [tilespmem:s26+$0xC10]  }
0x426: {  	v9 =	vadd.f32 v11, v2;
	v2 =	vld [tilespmem:s26+$0xC20];
	v10 =	vadd.f32 v61, v4  }
0x427: {  	v5 =	vadd.f32 v5, v3;
	v3 =	vld [tilespmem:s26+$0xE00];
	v8 =	vadd.f32 v31, v62  }
0x428: {  	v4 =	vld [tilespmem:s26+$0xE10];
	v6 =	vadd.f32 v6, v9  }
0x429: {  	s24 =	simm.s32 $0x0;
	s25 =	simm.s32 $0x19640;
	[tilespmem:s23+$0x10] =	vst v8;
	v8 =	vadd.f32 v7, v10;
	v7 =	vadd.f32 v63, v5;
	v5 =	vld [tilespmem:s26+$0xE20]  }
.LBB2_10:
0x42a: {  	v9 =	vld [tilespmem:s25+$0xFFFFF030];
	s24 =	sadd.s32 $0x4, s24;
	v1 =	vadd.f32 v1, v6  }
0x42b: {  	v6 =	vld [tilespmem:s25+$0xFFFFF010];
	p0 =	slt.u32 s24, $0x1C;
	v2 =	vadd.f32 v2, v8  }
0x42c: {  	v8 =	vld [tilespmem:s25+$0xFFFFF230];
	v3 =	vadd.f32 v3, v7  }
0x42d: {  	v7 =	vld [tilespmem:s25+$0xFFFFF020];
	v1 =	vadd.f32 v4, v1  }
0x42e: {  	v4 =	vld [tilespmem:s25+$0xFFFFF430];
	[tilespmem:s23+$0xFFFFFFE0] =	vst v3;
	v2 =	vadd.f32 v5, v2  }
0x42f: {  	v3 =	vld [tilespmem:s25+$0xFFFFF000];
	v5 =	vadd.f32 $0.0e+00, v9;
	[tilespmem:s23+$0xFFFFFFF0] =	vst v1  }
0x430: {  	v1 =	vadd.f32 $0.0e+00, v6;
	v6 =	vld [tilespmem:s25+$0xFFFFF630];
	[tilespmem:s23+$0x0] =	vst v2  }
0x431: {  	v2 =	vld [tilespmem:s25+$0xFFFFF200];
	v5 =	vadd.f32 v8, v5  }
0x432: {  	v7 =	vadd.f32 $0.0e+00, v7;
	v8 =	vld [tilespmem:s25+$0xFFFFF830]  }
0x433: {  	v9 =	vld [tilespmem:s25+$0xFFFFF210];
	v4 =	vadd.f32 v4, v5  }
0x434: {  	v3 =	vadd.f32 $0.0e+00, v3;
	v5 =	vld [tilespmem:s25+$0xFFFFFA30]  }
0x435: {  	v10 =	vld [tilespmem:s25+$0xFFFFF220];
	v4 =	vadd.f32 v6, v4  }
0x436: {  	v2 =	vadd.f32 v2, v3;
	v3 =	vld [tilespmem:s25+$0xFFFFFC30]  }
0x437: {  	v6 =	vld [tilespmem:s25+$0xFFFFF400];
	v4 =	vadd.f32 v8, v4  }
0x438: {  	v1 =	vadd.f32 v9, v1;
	v8 =	vld [tilespmem:s25+$0xFFFFFE30]  }
0x439: {  	v9 =	vld [tilespmem:s25+$0xFFFFF410];
	v4 =	vadd.f32 v5, v4  }
0x43a: {  	v5 =	vadd.f32 v10, v7;
	v7 =	vld [tilespmem:s25+$0x30]  }
0x43b: {  	v10 =	vld [tilespmem:s25+$0xFFFFF420];
	v3 =	vadd.f32 v3, v4  }
0x43c: {  	v2 =	vadd.f32 v6, v2;
	v4 =	vld [tilespmem:s25+$0x230]  }
0x43d: {  	v6 =	vld [tilespmem:s25+$0xFFFFF600];
	v3 =	vadd.f32 v8, v3  }
0x43e: {  	v1 =	vadd.f32 v9, v1;
	v8 =	vld [tilespmem:s25+$0x430]  }
0x43f: {  	v9 =	vld [tilespmem:s25+$0xFFFFF610];
	v3 =	vadd.f32 v7, v3  }
0x440: {  	v5 =	vadd.f32 v10, v5;
	v7 =	vld [tilespmem:s25+$0x630]  }
0x441: {  	v10 =	vld [tilespmem:s25+$0xFFFFF620];
	v3 =	vadd.f32 v4, v3  }
0x442: {  	v2 =	vadd.f32 v6, v2;
	v4 =	vld [tilespmem:s25+$0x830]  }
0x443: {  	v6 =	vld [tilespmem:s25+$0xFFFFF800];
	v3 =	vadd.f32 v8, v3  }
0x444: {  	v1 =	vadd.f32 v9, v1;
	v8 =	vld [tilespmem:s25+$0xA30]  }
0x445: {  	v9 =	vld [tilespmem:s25+$0xFFFFF810];
	v3 =	vadd.f32 v7, v3  }
0x446: {  	v5 =	vadd.f32 v10, v5;
	v7 =	vld [tilespmem:s25+$0xC30]  }
0x447: {  	v10 =	vld [tilespmem:s25+$0xFFFFF820];
	v3 =	vadd.f32 v4, v3  }
0x448: {  	v2 =	vadd.f32 v6, v2;
	v4 =	vld [tilespmem:s25+$0xE30]  }
0x449: {  	v6 =	vld [tilespmem:s25+$0xFFFFFA00];
	v3 =	vadd.f32 v8, v3  }
0x44a: {  	v1 =	vadd.f32 v9, v1;
	v8 =	vld [tilespmem:s25+$0xFFFFFA10]  }
0x44b: {  	v9 =	vld [tilespmem:s25+$0xFFFFFA20];
	v3 =	vadd.f32 v7, v3  }
0x44c: {  	v7 =	vld [tilespmem:s25+$0xFFFFFC00];
	v5 =	vadd.f32 v10, v5  }
0x44d: {  	v10 =	vld [tilespmem:s25+$0xFFFFFC10];
	v3 =	vadd.f32 v4, v3  }
0x44e: {  	s23 =	sadd.s32 $0x40, s23;
	v2 =	vadd.f32 v6, v2;
	v4 =	vld [tilespmem:s25+$0xFFFFFC20]  }
0x44f: {  	v6 =	vld [tilespmem:s25+$0xFFFFFE00];
	v1 =	vadd.f32 v8, v1;
	[tilespmem:s23+$0x10] =	vst v3  }
0x450: {  	v3 =	vld [tilespmem:s25+$0xFFFFFE10];
	v5 =	vadd.f32 v9, v5  }
0x451: {  	v2 =	vadd.f32 v7, v2;
	v7 =	vld [tilespmem:s25+$0xFFFFFE20]  }
0x452: {  	v8 =	vld [tilespmem:s25+$0x0];
	v1 =	vadd.f32 v10, v1  }
0x453: {  	v9 =	vld [tilespmem:s25+$0x10];
	v4 =	vadd.f32 v4, v5  }
0x454: {  	v2 =	vadd.f32 v6, v2;
	v5 =	vld [tilespmem:s25+$0x20]  }
0x455: {  	v6 =	vld [tilespmem:s25+$0x200];
	v1 =	vadd.f32 v3, v1  }
0x456: {  	v3 =	vld [tilespmem:s25+$0x210];
	v4 =	vadd.f32 v7, v4  }
0x457: {  	v2 =	vadd.f32 v8, v2;
	v7 =	vld [tilespmem:s25+$0x220]  }
0x458: {  	v8 =	vld [tilespmem:s25+$0x400];
	v1 =	vadd.f32 v9, v1  }
0x459: {  	v9 =	vld [tilespmem:s25+$0x410];
	v4 =	vadd.f32 v5, v4  }
0x45a: {  	v2 =	vadd.f32 v6, v2;
	v5 =	vld [tilespmem:s25+$0x420]  }
0x45b: {  	v6 =	vld [tilespmem:s25+$0x600];
	v1 =	vadd.f32 v3, v1  }
0x45c: {  	v3 =	vld [tilespmem:s25+$0x610];
	v4 =	vadd.f32 v7, v4  }
0x45d: {  	v2 =	vadd.f32 v8, v2;
	v7 =	vld [tilespmem:s25+$0x620]  }
0x45e: {  	v8 =	vld [tilespmem:s25+$0x800];
	v1 =	vadd.f32 v9, v1  }
0x45f: {  	v9 =	vld [tilespmem:s25+$0x810];
	v4 =	vadd.f32 v5, v4  }
0x460: {  	v2 =	vadd.f32 v6, v2;
	v5 =	vld [tilespmem:s25+$0x820]  }
0x461: {  	v6 =	vld [tilespmem:s25+$0xA00];
	v1 =	vadd.f32 v3, v1  }
0x462: {  	v10 =	vld [tilespmem:s25+$0xA10];
	v3 =	vadd.f32 v7, v4  }
0x463: {  	v2 =	vadd.f32 v8, v2;
	v7 =	vld [tilespmem:s25+$0xA20]  }
0x464: {  	v11 =	vld [tilespmem:s25+$0xC00];
	v4 =	vadd.f32 v9, v1  }
.Ltmp4:
0x465: {  	v1 =	vld [tilespmem:s25+$0xC10];
	v5 =	vadd.f32 v5, v3;
	(pc) =	sbr.rel @p0 .LBB2_10-.Ltmp4, $4  }
0x466: {  	v9 =	vadd.f32 v6, v2;
	v2 =	vld [tilespmem:s25+$0xC20]  }
0x467: {  	v3 =	vld [tilespmem:s25+$0xE00];
	v6 =	vadd.f32 v10, v4  }
0x468: {  	v4 =	vld [tilespmem:s25+$0xE10];
	v8 =	vadd.f32 v7, v5  }
0x469: {  	v7 =	vadd.f32 v11, v9;
	v5 =	vld [tilespmem:s25+$0xE20];
	s25 =	sadd.s32 $0x40, s25  }
0x46a: {  	_ = 	snop  }
0x46b: {  	v1 =	vadd.f32 v1, v6  }
0x46c: {  	v2 =	vadd.f32 v2, v8;
	v3 =	vadd.f32 v3, v7  }
0x46d: {  	v1 =	vadd.f32 v4, v1  }
0x46e: {  	s21 =	sadd.s32 $0x1, s21;
	[tilespmem:s23+$0xFFFFFFE0] =	vst v3;
	v2 =	vadd.f32 v5, v2  }
0x46f: {  	p0 =	sne.s32 s21, s9;
	[tilespmem:s23+$0xFFFFFFF0] =	vst v1  }
.Ltmp5:
0x470: {  	[tilespmem:s23+$0x0] =	vst v2;
	(pc) =	sbr.rel @p0 .LBB2_1-.Ltmp5, $4  }
0x471: {  	[hbm4b:s8+s2] =	stream.linear.scatter [tilespmem:s19], [sflag:$0x5], $0x200, $0x38;
	[tilespmem:$0x1A800] =	vst v63  }
0x472: {  	_ =	swait.ge [sflag:s20], $0x200  }
0x473: {  	[sflag:s20] =	ssyncset.done $0x0  }
0x474: {  	[sflag:s20] =	ssyncadd.s32 $0xFFFFFE00  }
0x475: {  	_ =	sfence.sel $0x180000  }
0x476: {  	[bflag:$0x0] =	sbarrier.arrive $0xFFFF  }
0x477: {  	_ =	strace $0x90000047  }
0x478: {  	s0 =	stileid.u32;
	[bflag:$0x2] =	sbarrier.arrive $0xFFFF  }
0x479: {  	p0 =	sne.s32 s0, $0x0;
	s0 =	rddreg [dreg:$0x2]  }
0x47a: {  	s0 =	sadd.s32 @!p0 $0x100000, s0  }
0x47b: {  	[sflag:s0] =	ssyncadd.tile.s32 @!p0 $0x1;
	_ =	shalt  }
.Lfunc_end2:
_tile_overlayer_lowered:
.L_overlay_start_2:
0x47c: {  	(tag) =	ssettag $0x2  }
0x47d: {  	s0 =	rddreg [dreg:$0x0];
	s2 =	stileid.u32  }
0x47e: {  	s1 =	rddreg [dreg:$0x1];
	p0 =	sne.s32 s2, $0x0  }
0x47f: {  	s3 =	rddreg [dreg:$0x2];
	[bflag:$0x3] =	sbarrier.arrive $0xFFFF;
	s2 =	simm.s32 @!p0 $0x1C05  }
0x480: {  	[timem:s3], [sflag:s2] =	dma.local @!p0 [hbm:s0], s1  }
0x481: {  	s0 =	simm.s32 @!p0 $0x5  }
0x482: {  	_ =	swait.ge @!p0 [sflag:s0], s1  }
0x483: {  	s1 =	ssub.s32 @!p0 $0x0, s1;
	[sflag:s0] =	ssyncset.done @!p0 $0x0  }
0x484: {  	[sflag:s0] =	ssyncadd.s32 @!p0 s1  }
0x485: {  	[bflag:$0x3] =	sbarrier.arrive $0xFFFF  }
0x486: {  	_ =	shalt  }

</sc_bundles>
